<compile_context>
chip_gen: v7x
topology: tpu7x:2x2x1
jax: 0.10.2.dev20260603
libtpu: 0.0.44.dev20260713+nightly
codegen_flags: <defaults>
</compile_context>

<pallas_src>
import numpy as np
import jax
import jax.numpy as jnp
from jax import lax
from jax.experimental import pallas as pl
from jax.experimental.pallas import tpu as pltpu
from jax.experimental.pallas import tpu_sc as plsc

_FIELD_DIM = 100000
_F = 26
_D = 16
_B = 16384
_N = _B * _F
_V = _F * _FIELD_DIM
_NC, _NS = 2, 16
_NW = _NC * _NS
_LB = 128
_NBLK = _N // _LB
_PER_W = _NBLK // _NW

_TCOLS = _V // 128
_TC_PER_W = 632
_TC_REM = _TCOLS - _TC_PER_W * _NW

_XF = _B // 128


def _prep_body(xt_hbm, tt_hbm, ttail_hbm, idxo_hbm, tlin_hbm,
               xtile_v, tin_a, tin_b, tin_c, tin_d,
               xsem, rsem_a, rsem_b, rsem_c, rsem_d,
               wsem_a, wsem_b, wsem_c, wsem_d):
    wid = lax.axis_index("s") * _NC + lax.axis_index("c")
    lanes16 = lax.iota(jnp.int32, 16)

    def x_tile(tj, fb, rows):
        pltpu.sync_copy(xt_hbm.at[pl.ds(fb * 8, rows), pl.ds(tj * 128, 128)],
                        xtile_v.at[pl.ds(0, rows)])
        for s in range(rows):
            off = (fb * 8 + s) * _FIELD_DIM
            for m in range(8):
                sl = pl.ds(m * 16, 16)
                xtile_v[s, sl] = xtile_v[s, sl] + off
        copies = [
            pltpu.async_copy(xtile_v.at[s],
                             idxo_hbm.at[(fb * 8 + s) * 128 + tj], xsem)
            for s in range(rows)
        ]
        for c in copies:
            c.wait()

    def x_loop_full(i, carry):
        p = wid * 12 + i
        x_tile(lax.rem(p, _XF), p // _XF, 8)
        return carry

    def x_loop_tail(i, carry):
        p = wid * 4 + i
        x_tile(p, 3, 2)
        return carry

    lax.fori_loop(0, 12, x_loop_full, 0)
    lax.fori_loop(0, 4, x_loop_tail, 0)

    start = wid * _TC_PER_W

    def read_sc(tc, tin, rsem):
        return pltpu.async_copy(
            tt_hbm.at[pl.ds(0, 16), pl.ds(tc * 128, 128)], tin, rsem)

    def write_sc(tc, tin, wsem):
        pltpu.async_copy(tin.at[pl.ds(0, 8)],
                         tlin_hbm.at[pl.ds(tc * 8, 8)], wsem)
        pltpu.async_copy(tin.at[pl.ds(8, 8)],
                         tlin_hbm.at[pl.ds((20313 + tc) * 8, 8)], wsem)

    def wait_write(tin, wsem):
        pltpu.make_async_copy(
            tin.at[pl.ds(0, 8)], tlin_hbm.at[pl.ds(0, 8)], wsem).wait()
        pltpu.make_async_copy(
            tin.at[pl.ds(8, 8)], tlin_hbm.at[pl.ds(0, 8)], wsem).wait()

    ring = ((tin_a, rsem_a, wsem_a), (tin_b, rsem_b, wsem_b),
            (tin_c, rsem_c, wsem_c), (tin_d, rsem_d, wsem_d))
    for q in range(4):
        read_sc(start + q, ring[q][0], ring[q][1])

    def quad(k, carry):
        def stage(i, tin, rsem, wsem):
            pltpu.make_async_copy(
                tt_hbm.at[pl.ds(0, 16), pl.ds(0, 128)], tin, rsem).wait()

            @pl.when(i >= 4)
            def _():
                wait_write(tin, wsem)

            write_sc(start + i, tin, wsem)

            @pl.when(i + 4 < _TC_PER_W)
            def _():
                read_sc(start + i + 4, tin, rsem)

        for q in range(4):
            stage(4 * k + q, ring[q][0], ring[q][1], ring[q][2])
        return carry

    lax.fori_loop(0, _TC_PER_W // 4, quad, 0)
    for q in range(4):
        wait_write(ring[q][0], ring[q][2])

    def leftover(t, carry):
        tc = _NW * _TC_PER_W + wid + t * _NW

        @pl.when(tc < _TCOLS)
        def _():
            pltpu.sync_copy(
                tt_hbm.at[pl.ds(0, 16), pl.ds(tc * 128, 128)], tin_a)
            pltpu.sync_copy(tin_a.at[pl.ds(0, 8)],
                            tlin_hbm.at[pl.ds(tc * 8, 8)])
            pltpu.sync_copy(tin_a.at[pl.ds(8, 8)],
                            tlin_hbm.at[pl.ds((20313 + tc) * 8, 8)])
        return carry

    lax.fori_loop(0, 3, leftover, 0)

    @pl.when(wid == _NW - 1)
    def _():
        pltpu.sync_copy(ttail_hbm, tin_b)
        pltpu.sync_copy(tin_b.at[pl.ds(0, 8), pl.ds(64, 64)],
                        tlin_hbm.at[pl.ds(20312 * 8, 8), pl.ds(0, 64)])
        pltpu.sync_copy(tin_b.at[pl.ds(8, 8), pl.ds(64, 64)],
                        tlin_hbm.at[pl.ds((20313 + 20312) * 8, 8),
                                    pl.ds(0, 64)])


@jax.jit
def _prep_call(xt, tt, ttail):
    mesh = plsc.VectorSubcoreMesh(core_axis_name="c", subcore_axis_name="s")
    f = pl.kernel(
        _prep_body,
        out_type=(
            jax.ShapeDtypeStruct((_NBLK, 128), jnp.int32),
            jax.ShapeDtypeStruct((2 * 20313 * 8, 128), jnp.float32),
        ),
        mesh=mesh,
        scratch_types=[
            pltpu.VMEM((8, 128), jnp.int32),
            pltpu.VMEM((16, 128), jnp.float32),
            pltpu.VMEM((16, 128), jnp.float32),
            pltpu.VMEM((16, 128), jnp.float32),
            pltpu.VMEM((16, 128), jnp.float32),
        ] + [pltpu.SemaphoreType.DMA] * 9,
        compiler_params=pltpu.CompilerParams(
            use_tc_tiling_on_sc=True, needs_layout_passes=False),
    )
    return f(xt, tt, ttail)


def _gather_body(idx_hbm, table_hbm, out_hbm, idx_all,
                 gidx_a, gidx_b, rows_a, rows_b, tiles_a, tiles_b,
                 gsem_a, gsem_b, wsem_a, wsem_b):
    wid = lax.axis_index("s") * _NC + lax.axis_index("c")
    p0 = wid * _PER_W
    lanes16 = lax.iota(jnp.int32, 16)

    pltpu.sync_copy(idx_hbm.at[pl.ds(p0 * 128, _PER_W * 128)], idx_all)

    rowvecs = [lanes16 + m * 16 for m in range(8)]
    diagvecs = [lax.rem(lanes16 + j, 16) for j in range(_D)]
    _DPART = [(d // 8) * 20313 * 64 + (d % 8) * 8 for d in range(_D)]
    extrrows = [[diagvecs[jd] * 128 + rowvecs[m] for m in range(8)]
                for jd in range(_D)]

    def build_gidx(j, gidx):
        for m in range(8):
            iv = idx_all[pl.ds(j * 128 + m * 16, 16)]
            base = ((iv >> 7) << 6) + ((iv >> 4) & 7)
            for d in range(_D):
                gidx[pl.ds(d * 128 + m * 16, 16)] = base + _DPART[d]

    def gather(j, gidx, rows, gsem):
        return pltpu.async_copy(table_hbm.at[gidx], rows, gsem)

    def transpose_blk(j, rows, tiles):
        for m in range(8):
            low = idx_all[pl.ds(j * 128 + m * 16, 16)] & 15
            for jd in range(_D):
                v = plsc.load_gather(rows, [extrrows[jd][m], low])
                plsc.store_scatter(tiles, [diagvecs[jd], rowvecs[m]], v)

    build_gidx(0, gidx_a)
    gather(0, gidx_a, rows_a, gsem_a)
    build_gidx(1, gidx_b)
    gather(1, gidx_b, rows_b, gsem_b)

    def pair(k, carry):
        def stage(j, gidx, rows, tiles, gsem, wsem):
            p = p0 + j
            f = p // _LB
            tj = lax.rem(p, _LB)
            pltpu.make_async_copy(
                table_hbm.at[gidx], rows, gsem).wait()

            @pl.when(j >= 2)
            def _():
                pltpu.make_async_copy(
                    tiles.at[pl.ds(0, 8)], out_hbm.at[0, 0, 0], wsem).wait()
                pltpu.make_async_copy(
                    tiles.at[pl.ds(8, 8)], out_hbm.at[0, 1, 0], wsem).wait()

            transpose_blk(j, rows, tiles)
            pltpu.async_copy(tiles.at[pl.ds(0, 8)], out_hbm.at[f, 0, tj], wsem)
            pltpu.async_copy(tiles.at[pl.ds(8, 8)], out_hbm.at[f, 1, tj], wsem)

            @pl.when(j + 2 < _PER_W)
            def _():
                build_gidx(j + 2, gidx)
                gather(j + 2, gidx, rows, gsem)

        stage(2 * k, gidx_a, rows_a, tiles_a, gsem_a, wsem_a)
        stage(2 * k + 1, gidx_b, rows_b, tiles_b, gsem_b, wsem_b)
        return carry

    lax.fori_loop(0, _PER_W // 2, pair, 0)
    for tiles, wsem in ((tiles_a, wsem_a), (tiles_b, wsem_b)):
        pltpu.make_async_copy(
            tiles.at[pl.ds(0, 8)], out_hbm.at[0, 0, 0], wsem).wait()
        pltpu.make_async_copy(
            tiles.at[pl.ds(8, 8)], out_hbm.at[0, 1, 0], wsem).wait()


@jax.jit
def _gather_call(idx1d, tlin2d):
    mesh = plsc.VectorSubcoreMesh(core_axis_name="c", subcore_axis_name="s")
    f = pl.kernel(
        _gather_body,
        out_type=jax.ShapeDtypeStruct((_F, 2, _LB, 8, _LB), jnp.float32),
        mesh=mesh,
        scratch_types=[
            pltpu.VMEM((_PER_W * 128,), jnp.int32),
            pltpu.VMEM((_D * _LB,), jnp.int32),
            pltpu.VMEM((_D * _LB,), jnp.int32),
            pltpu.VMEM((_D * _LB, _D), jnp.float32),
            pltpu.VMEM((_D * _LB, _D), jnp.float32),
            pltpu.VMEM((_D, _LB), jnp.float32),
            pltpu.VMEM((_D, _LB), jnp.float32),
            pltpu.SemaphoreType.DMA,
            pltpu.SemaphoreType.DMA,
            pltpu.SemaphoreType.DMA,
            pltpu.SemaphoreType.DMA,
        ],
        compiler_params=pltpu.CompilerParams(
            use_tc_tiling_on_sc=False, needs_layout_passes=False),
    )
    return f(idx1d, tlin2d)


def kernel(x, table):
    xt = x.astype(jnp.int32).T
    tt = table.T
    ttail = tt[:, _V - 128:]
    idxo, tlin = _prep_call(xt, tt, ttail)
    idx1d = idxo.reshape(-1)
    tgran = tlin.reshape(2 * 20313 * 8 * 8, _D)
    out5 = _gather_call(idx1d, tgran)
    return out5.transpose(2, 4, 0, 1, 3).reshape(_B, _F, _D)

# --- scband reference (transcript-rebuilt; emitter-appended) ---
"""Pipeline reference for scband-embedding-layer-13357348291034 (READ-ONLY COPY).

The authoritative reference and input builder live on the scoring server;
editing this copy changes nothing except your own understanding.
"""

import jax, jax.numpy as jnp
import numpy as np

FIELD_DIMS = [100000] * 26
EMBED_DIM = 16
BATCH = 16384
NUM_EMB = sum(FIELD_DIMS)
OFFSETS = jnp.asarray(np.array((0, *np.cumsum(FIELD_DIMS)[:-1]), dtype=np.int64))


def setup_inputs(seed: int = 0) -> dict:
    key = jax.random.key(seed)
    k_idx, k_tab = jax.random.split(key)
    x = jax.random.randint(k_idx, (BATCH, len(FIELD_DIMS)), 0, 100000, dtype=jnp.int64)
    # xavier_uniform for embedding table: fan_in=num_embeddings, fan_out=embed_dim
    bound = float(np.sqrt(6.0 / (NUM_EMB + EMBED_DIM)))
    table = jax.random.uniform(k_tab, (NUM_EMB, EMBED_DIM), dtype=jnp.float32, minval=-bound, maxval=bound)
    return {"x": x, "table": table}


def reference(x, table):
    # x: int64[B, F]; add per-field offsets then gather rows from the shared table
    idx = x + OFFSETS[None, :]
    out = jnp.take(table, idx, axis=0)  # [B, F, embed_dim]
    return out

if __name__ == "__main__":
    import jax
    _d = setup_inputs()
    print(jax.jit(kernel)(*tuple(_d.values())))

</pallas_src>

<mosaic_0001>
#map = affine_map<(d0, d1) -> (0, 0)>
module attributes {stable_mosaic.version = 14 : i64} {
  func.func @_prep_body(%arg0: i32, %arg1: i32, %arg2: memref<26x16384xi32, #tpu.memory_space<hbm>>, %arg3: memref<16x2600000xf32, #tpu.memory_space<hbm>>, %arg4: memref<16x128xf32, #tpu.memory_space<hbm>>, %arg5: memref<3328x128xi32, #tpu.memory_space<hbm>>, %arg6: memref<325008x128xf32, #tpu.memory_space<hbm>>, %arg7: memref<8x128xi32, #tpu.memory_space<vmem>>, %arg8: memref<16x128xf32, #tpu.memory_space<vmem>>, %arg9: memref<16x128xf32, #tpu.memory_space<vmem>>, %arg10: memref<16x128xf32, #tpu.memory_space<vmem>>, %arg11: memref<16x128xf32, #tpu.memory_space<vmem>>, %arg12: memref<!tpu.dma_semaphore, #tpu.memory_space<semaphore_mem>>, %arg13: memref<!tpu.dma_semaphore, #tpu.memory_space<semaphore_mem>>, %arg14: memref<!tpu.dma_semaphore, #tpu.memory_space<semaphore_mem>>, %arg15: memref<!tpu.dma_semaphore, #tpu.memory_space<semaphore_mem>>, %arg16: memref<!tpu.dma_semaphore, #tpu.memory_space<semaphore_mem>>, %arg17: memref<!tpu.dma_semaphore, #tpu.memory_space<semaphore_mem>>, %arg18: memref<!tpu.dma_semaphore, #tpu.memory_space<semaphore_mem>>, %arg19: memref<!tpu.dma_semaphore, #tpu.memory_space<semaphore_mem>>, %arg20: memref<!tpu.dma_semaphore, #tpu.memory_space<semaphore_mem>>) attributes {dimension_semantics = [#tpu.dimension_semantics<core_parallel>, #tpu.dimension_semantics<subcore_parallel>], iteration_bounds = array<i64: 2, 16>, scalar_prefetch = 0 : i64, scratch_operands = 14 : i64, tpu.core_type = #tpu.core_type<sc_vector_subcore>, window_params = [{transform_indices = #map}, {transform_indices = #map}, {transform_indices = #map}, {transform_indices = #map}, {transform_indices = #map}]} {
    %mul3A = arith.constant 2 : i32
    %mul3A_0 = arith.muli %arg1, %mul3A : i32
    %add3A = arith.addi %mul3A_0, %arg0 : i32
    %iota3A = tpu.iota {dimensions = array<i32: 0>} : vector<16xi32>
    %scan3A = arith.constant 0 : i32
    %scan3A_1 = arith.constant 0 : i32
    %scan3A_2 = arith.constant 12 : i32
    %scan3A_3 = arith.addi %scan3A_1, %scan3A_2 : i32
    %scan3A_4 = arith.constant 1 : i32
    scf.for %scan3A_154 = %scan3A_1 to %scan3A_3 step %scan3A_4  : i32 {
      %mul3A_155 = arith.constant 12 : i32
      %mul3A_156 = arith.muli %add3A, %mul3A_155 : i32
      %add3A_157 = arith.addi %mul3A_156, %scan3A_154 : i32
      %rem3A = arith.constant 128 : i32
      %rem3A_158 = arith.remsi %add3A_157, %rem3A : i32
      %jit3A = arith.constant 128 : i32
      %div3A = arith.divsi %add3A_157, %jit3A : i32
      %sign3A = arith.constant 0 : i32
      %sign3A_159 = arith.cmpi sgt, %add3A_157, %sign3A : i32
      %sign3A_160 = arith.extui %sign3A_159 : i1 to i32
      %sign3A_161 = arith.constant 0 : i32
      %sign3A_162 = arith.cmpi slt, %add3A_157, %sign3A_161 : i32
      %sign3A_163 = arith.extui %sign3A_162 : i1 to i32
      %sign3A_164 = arith.subi %sign3A_160, %sign3A_163 : i32
      %sign3A_165 = arith.constant 0 : i32
      %sign3A_166 = arith.cmpi sgt, %jit3A, %sign3A_165 : i32
      %sign3A_167 = arith.extui %sign3A_166 : i1 to i32
      %sign3A_168 = arith.constant 0 : i32
      %sign3A_169 = arith.cmpi slt, %jit3A, %sign3A_168 : i32
      %sign3A_170 = arith.extui %sign3A_169 : i1 to i32
      %sign3A_171 = arith.subi %sign3A_167, %sign3A_170 : i32
      %ne3A = arith.cmpi ne, %sign3A_164, %sign3A_171 : i32
      %rem3A_172 = arith.remsi %add3A_157, %jit3A : i32
      %ne3A_173 = arith.constant 0 : i32
      %ne3A_174 = arith.cmpi ne, %rem3A_172, %ne3A_173 : i32
      %and3A = arith.andi %ne3A, %ne3A_174 : i1
      %sub3A = arith.constant 1 : i32
      %sub3A_175 = arith.subi %div3A, %sub3A : i32
      %select_n3A = arith.select %and3A, %sub3A_175, %div3A : i32
      %mul3A_176 = arith.constant 8 : i32
      %mul3A_177 = arith.muli %select_n3A, %mul3A_176 : i32
      %mul3A_178 = arith.constant 128 : i32
      %mul3A_179 = arith.muli %rem3A_158, %mul3A_178 : i32
      "tpu.region"() ({
        %run_scoped3A = tpu.sem_alloc : memref<!tpu.dma_semaphore, #tpu.memory_space<semaphore_mem>>
        %dma_start3A_1130 = arith.constant 0 : i32
        %dma_start3A_1131 = arith.constant 0 : i32
        %dma_start3A_1132 = tpu.memref_slice %arg7[%dma_start3A_1130, %dma_start3A_1131] : memref<8x128xi32, #tpu.memory_space<vmem>> -> memref<8x128xi32, #tpu.memory_space<vmem>>
        %dma_start3A_1133 = tpu.memref_slice %arg2[%mul3A_177, %mul3A_179] : memref<26x16384xi32, #tpu.memory_space<hbm>> -> memref<8x128xi32, #tpu.memory_space<hbm>>
        %dma_start3A_1134 = arith.constant 0 : i32
        %dma_start3A_1135 = arith.constant 0 : i32
        %dma_start3A_1136 = tpu.memref_slice %arg7[%dma_start3A_1134, %dma_start3A_1135] : memref<8x128xi32, #tpu.memory_space<vmem>> -> memref<8x128xi32, #tpu.memory_space<vmem>>
        %dma_start3A_1137 = tpu.memref_slice %arg2[%mul3A_177, %mul3A_179] : memref<26x16384xi32, #tpu.memory_space<hbm>> -> memref<8x128xi32, #tpu.memory_space<hbm>>
        tpu.enqueue_dma source(%dma_start3A_1137 : memref<8x128xi32, #tpu.memory_space<hbm>>) target(%dma_start3A_1136 : memref<8x128xi32, #tpu.memory_space<vmem>>) target_semaphore(%run_scoped3A : memref<!tpu.dma_semaphore, #tpu.memory_space<semaphore_mem>>)
        %dma_wait3A_1138 = arith.constant 0 : i32
        %dma_wait3A_1139 = arith.constant 0 : i32
        %dma_wait3A_1140 = tpu.memref_slice %arg7[%dma_wait3A_1138, %dma_wait3A_1139] : memref<8x128xi32, #tpu.memory_space<vmem>> -> memref<8x128xi32, #tpu.memory_space<vmem>>
        %dma_wait3A_1141 = tpu.memref_slice %arg2[%mul3A_177, %mul3A_179] : memref<26x16384xi32, #tpu.memory_space<hbm>> -> memref<8x128xi32, #tpu.memory_space<hbm>>
        %dma_wait3A_1142 = arith.constant 0 : i32
        %dma_wait3A_1143 = arith.constant 0 : i32
        %dma_wait3A_1144 = tpu.memref_slice %arg7[%dma_wait3A_1142, %dma_wait3A_1143] : memref<8x128xi32, #tpu.memory_space<vmem>> -> memref<8x128xi32, #tpu.memory_space<vmem>>
        %dma_wait3A_1145 = tpu.memref_slice %arg2[%mul3A_177, %mul3A_179] : memref<26x16384xi32, #tpu.memory_space<hbm>> -> memref<8x128xi32, #tpu.memory_space<hbm>>
        tpu.wait_dma2 semaphore(%run_scoped3A : memref<!tpu.dma_semaphore, #tpu.memory_space<semaphore_mem>>) src(%dma_wait3A_1145 : memref<8x128xi32, #tpu.memory_space<hbm>>) dst(%dma_wait3A_1144 : memref<8x128xi32, #tpu.memory_space<vmem>>)
        tpu.yield
      }) : () -> ()
      %mul3A_180 = arith.constant 8 : i32
      %mul3A_181 = arith.muli %select_n3A, %mul3A_180 : i32
      %add3A_182 = arith.constant 0 : i32
      %add3A_183 = arith.addi %mul3A_181, %add3A_182 : i32
      %mul3A_184 = arith.constant 100000 : i32
      %mul3A_185 = arith.muli %add3A_183, %mul3A_184 : i32
      %get3A = arith.constant 0 : i32
      %get3A_186 = arith.index_cast %get3A : i32 to index
      %get3A_187 = arith.constant 0 : index
      %get3A_188 = tpu.vector_load %arg7[%get3A_186, %get3A_187] {strides = array<i32>} : memref<8x128xi32, #tpu.memory_space<vmem>>, vector<16xi32>,
      %add3A_189 = vector.broadcast %mul3A_185 : i32 to vector<16xi32>
      %add3A_190 = arith.addi %get3A_188, %add3A_189 : vector<16xi32>
      %swap3A = arith.constant 0 : i32
      %swap3A_191 = arith.index_cast %swap3A : i32 to index
      %swap3A_192 = arith.constant 0 : index
      %swap3A_193 = tpu.vector_load %arg7[%swap3A_191, %swap3A_192] {strides = array<i32>} : memref<8x128xi32, #tpu.memory_space<vmem>>, vector<16xi32>,
      tpu.vector_store %arg7[%swap3A_191, %swap3A_192], %add3A_190 {strides = array<i32>} : memref<8x128xi32, #tpu.memory_space<vmem>>, vector<16xi32>,
      %get3A_194 = arith.constant 0 : i32
      %get3A_195 = arith.index_cast %get3A_194 : i32 to index
      %get3A_196 = arith.constant 16 : index
      %get3A_197 = tpu.vector_load %arg7[%get3A_195, %get3A_196] {strides = array<i32>} : memref<8x128xi32, #tpu.memory_space<vmem>>, vector<16xi32>,
      %add3A_198 = vector.broadcast %mul3A_185 : i32 to vector<16xi32>
      %add3A_199 = arith.addi %get3A_197, %add3A_198 : vector<16xi32>
      %swap3A_200 = arith.constant 0 : i32
      %swap3A_201 = arith.index_cast %swap3A_200 : i32 to index
      %swap3A_202 = arith.constant 16 : index
      %swap3A_203 = tpu.vector_load %arg7[%swap3A_201, %swap3A_202] {strides = array<i32>} : memref<8x128xi32, #tpu.memory_space<vmem>>, vector<16xi32>,
      tpu.vector_store %arg7[%swap3A_201, %swap3A_202], %add3A_199 {strides = array<i32>} : memref<8x128xi32, #tpu.memory_space<vmem>>, vector<16xi32>,
      %get3A_204 = arith.constant 0 : i32
      %get3A_205 = arith.index_cast %get3A_204 : i32 to index
      %get3A_206 = arith.constant 32 : index
      %get3A_207 = tpu.vector_load %arg7[%get3A_205, %get3A_206] {strides = array<i32>} : memref<8x128xi32, #tpu.memory_space<vmem>>, vector<16xi32>,
      %add3A_208 = vector.broadcast %mul3A_185 : i32 to vector<16xi32>
      %add3A_209 = arith.addi %get3A_207, %add3A_208 : vector<16xi32>
      %swap3A_210 = arith.constant 0 : i32
      %swap3A_211 = arith.index_cast %swap3A_210 : i32 to index
      %swap3A_212 = arith.constant 32 : index
      %swap3A_213 = tpu.vector_load %arg7[%swap3A_211, %swap3A_212] {strides = array<i32>} : memref<8x128xi32, #tpu.memory_space<vmem>>, vector<16xi32>,
      tpu.vector_store %arg7[%swap3A_211, %swap3A_212], %add3A_209 {strides = array<i32>} : memref<8x128xi32, #tpu.memory_space<vmem>>, vector<16xi32>,
      %get3A_214 = arith.constant 0 : i32
      %get3A_215 = arith.index_cast %get3A_214 : i32 to index
      %get3A_216 = arith.constant 48 : index
      %get3A_217 = tpu.vector_load %arg7[%get3A_215, %get3A_216] {strides = array<i32>} : memref<8x128xi32, #tpu.memory_space<vmem>>, vector<16xi32>,
      %add3A_218 = vector.broadcast %mul3A_185 : i32 to vector<16xi32>
      %add3A_219 = arith.addi %get3A_217, %add3A_218 : vector<16xi32>
      %swap3A_220 = arith.constant 0 : i32
      %swap3A_221 = arith.index_cast %swap3A_220 : i32 to index
      %swap3A_222 = arith.constant 48 : index
      %swap3A_223 = tpu.vector_load %arg7[%swap3A_221, %swap3A_222] {strides = array<i32>} : memref<8x128xi32, #tpu.memory_space<vmem>>, vector<16xi32>,
      tpu.vector_store %arg7[%swap3A_221, %swap3A_222], %add3A_219 {strides = array<i32>} : memref<8x128xi32, #tpu.memory_space<vmem>>, vector<16xi32>,
      %get3A_224 = arith.constant 0 : i32
      %get3A_225 = arith.index_cast %get3A_224 : i32 to index
      %get3A_226 = arith.constant 64 : index
      %get3A_227 = tpu.vector_load %arg7[%get3A_225, %get3A_226] {strides = array<i32>} : memref<8x128xi32, #tpu.memory_space<vmem>>, vector<16xi32>,
      %add3A_228 = vector.broadcast %mul3A_185 : i32 to vector<16xi32>
      %add3A_229 = arith.addi %get3A_227, %add3A_228 : vector<16xi32>
      %swap3A_230 = arith.constant 0 : i32
      %swap3A_231 = arith.index_cast %swap3A_230 : i32 to index
      %swap3A_232 = arith.constant 64 : index
      %swap3A_233 = tpu.vector_load %arg7[%swap3A_231, %swap3A_232] {strides = array<i32>} : memref<8x128xi32, #tpu.memory_space<vmem>>, vector<16xi32>,
      tpu.vector_store %arg7[%swap3A_231, %swap3A_232], %add3A_229 {strides = array<i32>} : memref<8x128xi32, #tpu.memory_space<vmem>>, vector<16xi32>,
      %get3A_234 = arith.constant 0 : i32
      %get3A_235 = arith.index_cast %get3A_234 : i32 to index
      %get3A_236 = arith.constant 80 : index
      %get3A_237 = tpu.vector_load %arg7[%get3A_235, %get3A_236] {strides = array<i32>} : memref<8x128xi32, #tpu.memory_space<vmem>>, vector<16xi32>,
      %add3A_238 = vector.broadcast %mul3A_185 : i32 to vector<16xi32>
      %add3A_239 = arith.addi %get3A_237, %add3A_238 : vector<16xi32>
      %swap3A_240 = arith.constant 0 : i32
      %swap3A_241 = arith.index_cast %swap3A_240 : i32 to index
      %swap3A_242 = arith.constant 80 : index
      %swap3A_243 = tpu.vector_load %arg7[%swap3A_241, %swap3A_242] {strides = array<i32>} : memref<8x128xi32, #tpu.memory_space<vmem>>, vector<16xi32>,
      tpu.vector_store %arg7[%swap3A_241, %swap3A_242], %add3A_239 {strides = array<i32>} : memref<8x128xi32, #tpu.memory_space<vmem>>, vector<16xi32>,
      %get3A_244 = arith.constant 0 : i32
      %get3A_245 = arith.index_cast %get3A_244 : i32 to index
      %get3A_246 = arith.constant 96 : index
      %get3A_247 = tpu.vector_load %arg7[%get3A_245, %get3A_246] {strides = array<i32>} : memref<8x128xi32, #tpu.memory_space<vmem>>, vector<16xi32>,
      %add3A_248 = vector.broadcast %mul3A_185 : i32 to vector<16xi32>
      %add3A_249 = arith.addi %get3A_247, %add3A_248 : vector<16xi32>
      %swap3A_250 = arith.constant 0 : i32
      %swap3A_251 = arith.index_cast %swap3A_250 : i32 to index
      %swap3A_252 = arith.constant 96 : index
      %swap3A_253 = tpu.vector_load %arg7[%swap3A_251, %swap3A_252] {strides = array<i32>} : memref<8x128xi32, #tpu.memory_space<vmem>>, vector<16xi32>,
      tpu.vector_store %arg7[%swap3A_251, %swap3A_252], %add3A_249 {strides = array<i32>} : memref<8x128xi32, #tpu.memory_space<vmem>>, vector<16xi32>,
      %get3A_254 = arith.constant 0 : i32
      %get3A_255 = arith.index_cast %get3A_254 : i32 to index
      %get3A_256 = arith.constant 112 : index
      %get3A_257 = tpu.vector_load %arg7[%get3A_255, %get3A_256] {strides = array<i32>} : memref<8x128xi32, #tpu.memory_space<vmem>>, vector<16xi32>,
      %add3A_258 = vector.broadcast %mul3A_185 : i32 to vector<16xi32>
      %add3A_259 = arith.addi %get3A_257, %add3A_258 : vector<16xi32>
      %swap3A_260 = arith.constant 0 : i32
      %swap3A_261 = arith.index_cast %swap3A_260 : i32 to index
      %swap3A_262 = arith.constant 112 : index
      %swap3A_263 = tpu.vector_load %arg7[%swap3A_261, %swap3A_262] {strides = array<i32>} : memref<8x128xi32, #tpu.memory_space<vmem>>, vector<16xi32>,
      tpu.vector_store %arg7[%swap3A_261, %swap3A_262], %add3A_259 {strides = array<i32>} : memref<8x128xi32, #tpu.memory_space<vmem>>, vector<16xi32>,
      %mul3A_264 = arith.constant 8 : i32
      %mul3A_265 = arith.muli %select_n3A, %mul3A_264 : i32
      %add3A_266 = arith.constant 1 : i32
      %add3A_267 = arith.addi %mul3A_265, %add3A_266 : i32
      %mul3A_268 = arith.constant 100000 : i32
      %mul3A_269 = arith.muli %add3A_267, %mul3A_268 : i32
      %get3A_270 = arith.constant 1 : i32
      %get3A_271 = arith.index_cast %get3A_270 : i32 to index
      %get3A_272 = arith.constant 0 : index
      %get3A_273 = tpu.vector_load %arg7[%get3A_271, %get3A_272] {strides = array<i32>} : memref<8x128xi32, #tpu.memory_space<vmem>>, vector<16xi32>,
      %add3A_274 = vector.broadcast %mul3A_269 : i32 to vector<16xi32>
      %add3A_275 = arith.addi %get3A_273, %add3A_274 : vector<16xi32>
      %swap3A_276 = arith.constant 1 : i32
      %swap3A_277 = arith.index_cast %swap3A_276 : i32 to index
      %swap3A_278 = arith.constant 0 : index
      %swap3A_279 = tpu.vector_load %arg7[%swap3A_277, %swap3A_278] {strides = array<i32>} : memref<8x128xi32, #tpu.memory_space<vmem>>, vector<16xi32>,
      tpu.vector_store %arg7[%swap3A_277, %swap3A_278], %add3A_275 {strides = array<i32>} : memref<8x128xi32, #tpu.memory_space<vmem>>, vector<16xi32>,
      %get3A_280 = arith.constant 1 : i32
      %get3A_281 = arith.index_cast %get3A_280 : i32 to index
      %get3A_282 = arith.constant 16 : index
      %get3A_283 = tpu.vector_load %arg7[%get3A_281, %get3A_282] {strides = array<i32>} : memref<8x128xi32, #tpu.memory_space<vmem>>, vector<16xi32>,
      %add3A_284 = vector.broadcast %mul3A_269 : i32 to vector<16xi32>
      %add3A_285 = arith.addi %get3A_283, %add3A_284 : vector<16xi32>
      %swap3A_286 = arith.constant 1 : i32
      %swap3A_287 = arith.index_cast %swap3A_286 : i32 to index
      %swap3A_288 = arith.constant 16 : index
      %swap3A_289 = tpu.vector_load %arg7[%swap3A_287, %swap3A_288] {strides = array<i32>} : memref<8x128xi32, #tpu.memory_space<vmem>>, vector<16xi32>,
      tpu.vector_store %arg7[%swap3A_287, %swap3A_288], %add3A_285 {strides = array<i32>} : memref<8x128xi32, #tpu.memory_space<vmem>>, vector<16xi32>,
      %get3A_290 = arith.constant 1 : i32
      %get3A_291 = arith.index_cast %get3A_290 : i32 to index
      %get3A_292 = arith.constant 32 : index
      %get3A_293 = tpu.vector_load %arg7[%get3A_291, %get3A_292] {strides = array<i32>} : memref<8x128xi32, #tpu.memory_space<vmem>>, vector<16xi32>,
      %add3A_294 = vector.broadcast %mul3A_269 : i32 to vector<16xi32>
      %add3A_295 = arith.addi %get3A_293, %add3A_294 : vector<16xi32>
      %swap3A_296 = arith.constant 1 : i32
      %swap3A_297 = arith.index_cast %swap3A_296 : i32 to index
      %swap3A_298 = arith.constant 32 : index
      %swap3A_299 = tpu.vector_load %arg7[%swap3A_297, %swap3A_298] {strides = array<i32>} : memref<8x128xi32, #tpu.memory_space<vmem>>, vector<16xi32>,
      tpu.vector_store %arg7[%swap3A_297, %swap3A_298], %add3A_295 {strides = array<i32>} : memref<8x128xi32, #tpu.memory_space<vmem>>, vector<16xi32>,
      %get3A_300 = arith.constant 1 : i32
      %get3A_301 = arith.index_cast %get3A_300 : i32 to index
      %get3A_302 = arith.constant 48 : index
      %get3A_303 = tpu.vector_load %arg7[%get3A_301, %get3A_302] {strides = array<i32>} : memref<8x128xi32, #tpu.memory_space<vmem>>, vector<16xi32>,
      %add3A_304 = vector.broadcast %mul3A_269 : i32 to vector<16xi32>
      %add3A_305 = arith.addi %get3A_303, %add3A_304 : vector<16xi32>
      %swap3A_306 = arith.constant 1 : i32
      %swap3A_307 = arith.index_cast %swap3A_306 : i32 to index
      %swap3A_308 = arith.constant 48 : index
      %swap3A_309 = tpu.vector_load %arg7[%swap3A_307, %swap3A_308] {strides = array<i32>} : memref<8x128xi32, #tpu.memory_space<vmem>>, vector<16xi32>,
      tpu.vector_store %arg7[%swap3A_307, %swap3A_308], %add3A_305 {strides = array<i32>} : memref<8x128xi32, #tpu.memory_space<vmem>>, vector<16xi32>,
      %get3A_310 = arith.constant 1 : i32
      %get3A_311 = arith.index_cast %get3A_310 : i32 to index
      %get3A_312 = arith.constant 64 : index
      %get3A_313 = tpu.vector_load %arg7[%get3A_311, %get3A_312] {strides = array<i32>} : memref<8x128xi32, #tpu.memory_space<vmem>>, vector<16xi32>,
      %add3A_314 = vector.broadcast %mul3A_269 : i32 to vector<16xi32>
      %add3A_315 = arith.addi %get3A_313, %add3A_314 : vector<16xi32>
      %swap3A_316 = arith.constant 1 : i32
      %swap3A_317 = arith.index_cast %swap3A_316 : i32 to index
      %swap3A_318 = arith.constant 64 : index
      %swap3A_319 = tpu.vector_load %arg7[%swap3A_317, %swap3A_318] {strides = array<i32>} : memref<8x128xi32, #tpu.memory_space<vmem>>, vector<16xi32>,
      tpu.vector_store %arg7[%swap3A_317, %swap3A_318], %add3A_315 {strides = array<i32>} : memref<8x128xi32, #tpu.memory_space<vmem>>, vector<16xi32>,
      %get3A_320 = arith.constant 1 : i32
      %get3A_321 = arith.index_cast %get3A_320 : i32 to index
      %get3A_322 = arith.constant 80 : index
      %get3A_323 = tpu.vector_load %arg7[%get3A_321, %get3A_322] {strides = array<i32>} : memref<8x128xi32, #tpu.memory_space<vmem>>, vector<16xi32>,
      %add3A_324 = vector.broadcast %mul3A_269 : i32 to vector<16xi32>
      %add3A_325 = arith.addi %get3A_323, %add3A_324 : vector<16xi32>
      %swap3A_326 = arith.constant 1 : i32
      %swap3A_327 = arith.index_cast %swap3A_326 : i32 to index
      %swap3A_328 = arith.constant 80 : index
      %swap3A_329 = tpu.vector_load %arg7[%swap3A_327, %swap3A_328] {strides = array<i32>} : memref<8x128xi32, #tpu.memory_space<vmem>>, vector<16xi32>,
      tpu.vector_store %arg7[%swap3A_327, %swap3A_328], %add3A_325 {strides = array<i32>} : memref<8x128xi32, #tpu.memory_space<vmem>>, vector<16xi32>,
      %get3A_330 = arith.constant 1 : i32
      %get3A_331 = arith.index_cast %get3A_330 : i32 to index
      %get3A_332 = arith.constant 96 : index
      %get3A_333 = tpu.vector_load %arg7[%get3A_331, %get3A_332] {strides = array<i32>} : memref<8x128xi32, #tpu.memory_space<vmem>>, vector<16xi32>,
      %add3A_334 = vector.broadcast %mul3A_269 : i32 to vector<16xi32>
      %add3A_335 = arith.addi %get3A_333, %add3A_334 : vector<16xi32>
      %swap3A_336 = arith.constant 1 : i32
      %swap3A_337 = arith.index_cast %swap3A_336 : i32 to index
      %swap3A_338 = arith.constant 96 : index
      %swap3A_339 = tpu.vector_load %arg7[%swap3A_337, %swap3A_338] {strides = array<i32>} : memref<8x128xi32, #tpu.memory_space<vmem>>, vector<16xi32>,
      tpu.vector_store %arg7[%swap3A_337, %swap3A_338], %add3A_335 {strides = array<i32>} : memref<8x128xi32, #tpu.memory_space<vmem>>, vector<16xi32>,
      %get3A_340 = arith.constant 1 : i32
      %get3A_341 = arith.index_cast %get3A_340 : i32 to index
      %get3A_342 = arith.constant 112 : index
      %get3A_343 = tpu.vector_load %arg7[%get3A_341, %get3A_342] {strides = array<i32>} : memref<8x128xi32, #tpu.memory_space<vmem>>, vector<16xi32>,
      %add3A_344 = vector.broadcast %mul3A_269 : i32 to vector<16xi32>
      %add3A_345 = arith.addi %get3A_343, %add3A_344 : vector<16xi32>
      %swap3A_346 = arith.constant 1 : i32
      %swap3A_347 = arith.index_cast %swap3A_346 : i32 to index
      %swap3A_348 = arith.constant 112 : index
      %swap3A_349 = tpu.vector_load %arg7[%swap3A_347, %swap3A_348] {strides = array<i32>} : memref<8x128xi32, #tpu.memory_space<vmem>>, vector<16xi32>,
      tpu.vector_store %arg7[%swap3A_347, %swap3A_348], %add3A_345 {strides = array<i32>} : memref<8x128xi32, #tpu.memory_space<vmem>>, vector<16xi32>,
      %mul3A_350 = arith.constant 8 : i32
      %mul3A_351 = arith.muli %select_n3A, %mul3A_350 : i32
      %add3A_352 = arith.constant 2 : i32
      %add3A_353 = arith.addi %mul3A_351, %add3A_352 : i32
      %mul3A_354 = arith.constant 100000 : i32
      %mul3A_355 = arith.muli %add3A_353, %mul3A_354 : i32
      %get3A_356 = arith.constant 2 : i32
      %get3A_357 = arith.index_cast %get3A_356 : i32 to index
      %get3A_358 = arith.constant 0 : index
      %get3A_359 = tpu.vector_load %arg7[%get3A_357, %get3A_358] {strides = array<i32>} : memref<8x128xi32, #tpu.memory_space<vmem>>, vector<16xi32>,
      %add3A_360 = vector.broadcast %mul3A_355 : i32 to vector<16xi32>
      %add3A_361 = arith.addi %get3A_359, %add3A_360 : vector<16xi32>
      %swap3A_362 = arith.constant 2 : i32
      %swap3A_363 = arith.index_cast %swap3A_362 : i32 to index
      %swap3A_364 = arith.constant 0 : index
      %swap3A_365 = tpu.vector_load %arg7[%swap3A_363, %swap3A_364] {strides = array<i32>} : memref<8x128xi32, #tpu.memory_space<vmem>>, vector<16xi32>,
      tpu.vector_store %arg7[%swap3A_363, %swap3A_364], %add3A_361 {strides = array<i32>} : memref<8x128xi32, #tpu.memory_space<vmem>>, vector<16xi32>,
      %get3A_366 = arith.constant 2 : i32
      %get3A_367 = arith.index_cast %get3A_366 : i32 to index
      %get3A_368 = arith.constant 16 : index
      %get3A_369 = tpu.vector_load %arg7[%get3A_367, %get3A_368] {strides = array<i32>} : memref<8x128xi32, #tpu.memory_space<vmem>>, vector<16xi32>,
      %add3A_370 = vector.broadcast %mul3A_355 : i32 to vector<16xi32>
      %add3A_371 = arith.addi %get3A_369, %add3A_370 : vector<16xi32>
      %swap3A_372 = arith.constant 2 : i32
      %swap3A_373 = arith.index_cast %swap3A_372 : i32 to index
      %swap3A_374 = arith.constant 16 : index
      %swap3A_375 = tpu.vector_load %arg7[%swap3A_373, %swap3A_374] {strides = array<i32>} : memref<8x128xi32, #tpu.memory_space<vmem>>, vector<16xi32>,
      tpu.vector_store %arg7[%swap3A_373, %swap3A_374], %add3A_371 {strides = array<i32>} : memref<8x128xi32, #tpu.memory_space<vmem>>, vector<16xi32>,
      %get3A_376 = arith.constant 2 : i32
      %get3A_377 = arith.index_cast %get3A_376 : i32 to index
      %get3A_378 = arith.constant 32 : index
      %get3A_379 = tpu.vector_load %arg7[%get3A_377, %get3A_378] {strides = array<i32>} : memref<8x128xi32, #tpu.memory_space<vmem>>, vector<16xi32>,
      %add3A_380 = vector.broadcast %mul3A_355 : i32 to vector<16xi32>
      %add3A_381 = arith.addi %get3A_379, %add3A_380 : vector<16xi32>
      %swap3A_382 = arith.constant 2 : i32
      %swap3A_383 = arith.index_cast %swap3A_382 : i32 to index
      %swap3A_384 = arith.constant 32 : index
      %swap3A_385 = tpu.vector_load %arg7[%swap3A_383, %swap3A_384] {strides = array<i32>} : memref<8x128xi32, #tpu.memory_space<vmem>>, vector<16xi32>,
      tpu.vector_store %arg7[%swap3A_383, %swap3A_384], %add3A_381 {strides = array<i32>} : memref<8x128xi32, #tpu.memory_space<vmem>>, vector<16xi32>,
      %get3A_386 = arith.constant 2 : i32
      %get3A_387 = arith.index_cast %get3A_386 : i32 to index
      %get3A_388 = arith.constant 48 : index
      %get3A_389 = tpu.vector_load %arg7[%get3A_387, %get3A_388] {strides = array<i32>} : memref<8x128xi32, #tpu.memory_space<vmem>>, vector<16xi32>,
      %add3A_390 = vector.broadcast %mul3A_355 : i32 to vector<16xi32>
      %add3A_391 = arith.addi %get3A_389, %add3A_390 : vector<16xi32>
      %swap3A_392 = arith.constant 2 : i32
      %swap3A_393 = arith.index_cast %swap3A_392 : i32 to index
      %swap3A_394 = arith.constant 48 : index
      %swap3A_395 = tpu.vector_load %arg7[%swap3A_393, %swap3A_394] {strides = array<i32>} : memref<8x128xi32, #tpu.memory_space<vmem>>, vector<16xi32>,
      tpu.vector_store %arg7[%swap3A_393, %swap3A_394], %add3A_391 {strides = array<i32>} : memref<8x128xi32, #tpu.memory_space<vmem>>, vector<16xi32>,
      %get3A_396 = arith.constant 2 : i32
      %get3A_397 = arith.index_cast %get3A_396 : i32 to index
      %get3A_398 = arith.constant 64 : index
      %get3A_399 = tpu.vector_load %arg7[%get3A_397, %get3A_398] {strides = array<i32>} : memref<8x128xi32, #tpu.memory_space<vmem>>, vector<16xi32>,
      %add3A_400 = vector.broadcast %mul3A_355 : i32 to vector<16xi32>
      %add3A_401 = arith.addi %get3A_399, %add3A_400 : vector<16xi32>
      %swap3A_402 = arith.constant 2 : i32
      %swap3A_403 = arith.index_cast %swap3A_402 : i32 to index
      %swap3A_404 = arith.constant 64 : index
      %swap3A_405 = tpu.vector_load %arg7[%swap3A_403, %swap3A_404] {strides = array<i32>} : memref<8x128xi32, #tpu.memory_space<vmem>>, vector<16xi32>,
      tpu.vector_store %arg7[%swap3A_403, %swap3A_404], %add3A_401 {strides = array<i32>} : memref<8x128xi32, #tpu.memory_space<vmem>>, vector<16xi32>,
      %get3A_406 = arith.constant 2 : i32
      %get3A_407 = arith.index_cast %get3A_406 : i32 to index
      %get3A_408 = arith.constant 80 : index
      %get3A_409 = tpu.vector_load %arg7[%get3A_407, %get3A_408] {strides = array<i32>} : memref<8x128xi32, #tpu.memory_space<vmem>>, vector<16xi32>,
      %add3A_410 = vector.broadcast %mul3A_355 : i32 to vector<16xi32>
      %add3A_411 = arith.addi %get3A_409, %add3A_410 : vector<16xi32>
      %swap3A_412 = arith.constant 2 : i32
      %swap3A_413 = arith.index_cast %swap3A_412 : i32 to index
      %swap3A_414 = arith.constant 80 : index
      %swap3A_415 = tpu.vector_load %arg7[%swap3A_413, %swap3A_414] {strides = array<i32>} : memref<8x128xi32, #tpu.memory_space<vmem>>, vector<16xi32>,
      tpu.vector_store %arg7[%swap3A_413, %swap3A_414], %add3A_411 {strides = array<i32>} : memref<8x128xi32, #tpu.memory_space<vmem>>, vector<16xi32>,
      %get3A_416 = arith.constant 2 : i32
      %get3A_417 = arith.index_cast %get3A_416 : i32 to index
      %get3A_418 = arith.constant 96 : index
      %get3A_419 = tpu.vector_load %arg7[%get3A_417, %get3A_418] {strides = array<i32>} : memref<8x128xi32, #tpu.memory_space<vmem>>, vector<16xi32>,
      %add3A_420 = vector.broadcast %mul3A_355 : i32 to vector<16xi32>
      %add3A_421 = arith.addi %get3A_419, %add3A_420 : vector<16xi32>
      %swap3A_422 = arith.constant 2 : i32
      %swap3A_423 = arith.index_cast %swap3A_422 : i32 to index
      %swap3A_424 = arith.constant 96 : index
      %swap3A_425 = tpu.vector_load %arg7[%swap3A_423, %swap3A_424] {strides = array<i32>} : memref<8x128xi32, #tpu.memory_space<vmem>>, vector<16xi32>,
      tpu.vector_store %arg7[%swap3A_423, %swap3A_424], %add3A_421 {strides = array<i32>} : memref<8x128xi32, #tpu.memory_space<vmem>>, vector<16xi32>,
      %get3A_426 = arith.constant 2 : i32
      %get3A_427 = arith.index_cast %get3A_426 : i32 to index
      %get3A_428 = arith.constant 112 : index
      %get3A_429 = tpu.vector_load %arg7[%get3A_427, %get3A_428] {strides = array<i32>} : memref<8x128xi32, #tpu.memory_space<vmem>>, vector<16xi32>,
      %add3A_430 = vector.broadcast %mul3A_355 : i32 to vector<16xi32>
      %add3A_431 = arith.addi %get3A_429, %add3A_430 : vector<16xi32>
      %swap3A_432 = arith.constant 2 : i32
      %swap3A_433 = arith.index_cast %swap3A_432 : i32 to index
      %swap3A_434 = arith.constant 112 : index
      %swap3A_435 = tpu.vector_load %arg7[%swap3A_433, %swap3A_434] {strides = array<i32>} : memref<8x128xi32, #tpu.memory_space<vmem>>, vector<16xi32>,
      tpu.vector_store %arg7[%swap3A_433, %swap3A_434], %add3A_431 {strides = array<i32>} : memref<8x128xi32, #tpu.memory_space<vmem>>, vector<16xi32>,
      %mul3A_436 = arith.constant 8 : i32
      %mul3A_437 = arith.muli %select_n3A, %mul3A_436 : i32
      %add3A_438 = arith.constant 3 : i32
      %add3A_439 = arith.addi %mul3A_437, %add3A_438 : i32
      %mul3A_440 = arith.constant 100000 : i32
      %mul3A_441 = arith.muli %add3A_439, %mul3A_440 : i32
      %get3A_442 = arith.constant 3 : i32
      %get3A_443 = arith.index_cast %get3A_442 : i32 to index
      %get3A_444 = arith.constant 0 : index
      %get3A_445 = tpu.vector_load %arg7[%get3A_443, %get3A_444] {strides = array<i32>} : memref<8x128xi32, #tpu.memory_space<vmem>>, vector<16xi32>,
      %add3A_446 = vector.broadcast %mul3A_441 : i32 to vector<16xi32>
      %add3A_447 = arith.addi %get3A_445, %add3A_446 : vector<16xi32>
      %swap3A_448 = arith.constant 3 : i32
      %swap3A_449 = arith.index_cast %swap3A_448 : i32 to index
      %swap3A_450 = arith.constant 0 : index
      %swap3A_451 = tpu.vector_load %arg7[%swap3A_449, %swap3A_450] {strides = array<i32>} : memref<8x128xi32, #tpu.memory_space<vmem>>, vector<16xi32>,
      tpu.vector_store %arg7[%swap3A_449, %swap3A_450], %add3A_447 {strides = array<i32>} : memref<8x128xi32, #tpu.memory_space<vmem>>, vector<16xi32>,
      %get3A_452 = arith.constant 3 : i32
      %get3A_453 = arith.index_cast %get3A_452 : i32 to index
      %get3A_454 = arith.constant 16 : index
      %get3A_455 = tpu.vector_load %arg7[%get3A_453, %get3A_454] {strides = array<i32>} : memref<8x128xi32, #tpu.memory_space<vmem>>, vector<16xi32>,
      %add3A_456 = vector.broadcast %mul3A_441 : i32 to vector<16xi32>
      %add3A_457 = arith.addi %get3A_455, %add3A_456 : vector<16xi32>
      %swap3A_458 = arith.constant 3 : i32
      %swap3A_459 = arith.index_cast %swap3A_458 : i32 to index
      %swap3A_460 = arith.constant 16 : index
      %swap3A_461 = tpu.vector_load %arg7[%swap3A_459, %swap3A_460] {strides = array<i32>} : memref<8x128xi32, #tpu.memory_space<vmem>>, vector<16xi32>,
      tpu.vector_store %arg7[%swap3A_459, %swap3A_460], %add3A_457 {strides = array<i32>} : memref<8x128xi32, #tpu.memory_space<vmem>>, vector<16xi32>,
      %get3A_462 = arith.constant 3 : i32
      %get3A_463 = arith.index_cast %get3A_462 : i32 to index
      %get3A_464 = arith.constant 32 : index
      %get3A_465 = tpu.vector_load %arg7[%get3A_463, %get3A_464] {strides = array<i32>} : memref<8x128xi32, #tpu.memory_space<vmem>>, vector<16xi32>,
      %add3A_466 = vector.broadcast %mul3A_441 : i32 to vector<16xi32>
      %add3A_467 = arith.addi %get3A_465, %add3A_466 : vector<16xi32>
      %swap3A_468 = arith.constant 3 : i32
      %swap3A_469 = arith.index_cast %swap3A_468 : i32 to index
      %swap3A_470 = arith.constant 32 : index
      %swap3A_471 = tpu.vector_load %arg7[%swap3A_469, %swap3A_470] {strides = array<i32>} : memref<8x128xi32, #tpu.memory_space<vmem>>, vector<16xi32>,
      tpu.vector_store %arg7[%swap3A_469, %swap3A_470], %add3A_467 {strides = array<i32>} : memref<8x128xi32, #tpu.memory_space<vmem>>, vector<16xi32>,
      %get3A_472 = arith.constant 3 : i32
      %get3A_473 = arith.index_cast %get3A_472 : i32 to index
      %get3A_474 = arith.constant 48 : index
      %get3A_475 = tpu.vector_load %arg7[%get3A_473, %get3A_474] {strides = array<i32>} : memref<8x128xi32, #tpu.memory_space<vmem>>, vector<16xi32>,
      %add3A_476 = vector.broadcast %mul3A_441 : i32 to vector<16xi32>
      %add3A_477 = arith.addi %get3A_475, %add3A_476 : vector<16xi32>
      %swap3A_478 = arith.constant 3 : i32
      %swap3A_479 = arith.index_cast %swap3A_478 : i32 to index
      %swap3A_480 = arith.constant 48 : index
      %swap3A_481 = tpu.vector_load %arg7[%swap3A_479, %swap3A_480] {strides = array<i32>} : memref<8x128xi32, #tpu.memory_space<vmem>>, vector<16xi32>,
      tpu.vector_store %arg7[%swap3A_479, %swap3A_480], %add3A_477 {strides = array<i32>} : memref<8x128xi32, #tpu.memory_space<vmem>>, vector<16xi32>,
      %get3A_482 = arith.constant 3 : i32
      %get3A_483 = arith.index_cast %get3A_482 : i32 to index
      %get3A_484 = arith.constant 64 : index
      %get3A_485 = tpu.vector_load %arg7[%get3A_483, %get3A_484] {strides = array<i32>} : memref<8x128xi32, #tpu.memory_space<vmem>>, vector<16xi32>,
      %add3A_486 = vector.broadcast %mul3A_441 : i32 to vector<16xi32>
      %add3A_487 = arith.addi %get3A_485, %add3A_486 : vector<16xi32>
      %swap3A_488 = arith.constant 3 : i32
      %swap3A_489 = arith.index_cast %swap3A_488 : i32 to index
      %swap3A_490 = arith.constant 64 : index
      %swap3A_491 = tpu.vector_load %arg7[%swap3A_489, %swap3A_490] {strides = array<i32>} : memref<8x128xi32, #tpu.memory_space<vmem>>, vector<16xi32>,
      tpu.vector_store %arg7[%swap3A_489, %swap3A_490], %add3A_487 {strides = array<i32>} : memref<8x128xi32, #tpu.memory_space<vmem>>, vector<16xi32>,
      %get3A_492 = arith.constant 3 : i32
      %get3A_493 = arith.index_cast %get3A_492 : i32 to index
      %get3A_494 = arith.constant 80 : index
      %get3A_495 = tpu.vector_load %arg7[%get3A_493, %get3A_494] {strides = array<i32>} : memref<8x128xi32, #tpu.memory_space<vmem>>, vector<16xi32>,
      %add3A_496 = vector.broadcast %mul3A_441 : i32 to vector<16xi32>
      %add3A_497 = arith.addi %get3A_495, %add3A_496 : vector<16xi32>
      %swap3A_498 = arith.constant 3 : i32
      %swap3A_499 = arith.index_cast %swap3A_498 : i32 to index
      %swap3A_500 = arith.constant 80 : index
      %swap3A_501 = tpu.vector_load %arg7[%swap3A_499, %swap3A_500] {strides = array<i32>} : memref<8x128xi32, #tpu.memory_space<vmem>>, vector<16xi32>,
      tpu.vector_store %arg7[%swap3A_499, %swap3A_500], %add3A_497 {strides = array<i32>} : memref<8x128xi32, #tpu.memory_space<vmem>>, vector<16xi32>,
      %get3A_502 = arith.constant 3 : i32
      %get3A_503 = arith.index_cast %get3A_502 : i32 to index
      %get3A_504 = arith.constant 96 : index
      %get3A_505 = tpu.vector_load %arg7[%get3A_503, %get3A_504] {strides = array<i32>} : memref<8x128xi32, #tpu.memory_space<vmem>>, vector<16xi32>,
      %add3A_506 = vector.broadcast %mul3A_441 : i32 to vector<16xi32>
      %add3A_507 = arith.addi %get3A_505, %add3A_506 : vector<16xi32>
      %swap3A_508 = arith.constant 3 : i32
      %swap3A_509 = arith.index_cast %swap3A_508 : i32 to index
      %swap3A_510 = arith.constant 96 : index
      %swap3A_511 = tpu.vector_load %arg7[%swap3A_509, %swap3A_510] {strides = array<i32>} : memref<8x128xi32, #tpu.memory_space<vmem>>, vector<16xi32>,
      tpu.vector_store %arg7[%swap3A_509, %swap3A_510], %add3A_507 {strides = array<i32>} : memref<8x128xi32, #tpu.memory_space<vmem>>, vector<16xi32>,
      %get3A_512 = arith.constant 3 : i32
      %get3A_513 = arith.index_cast %get3A_512 : i32 to index
      %get3A_514 = arith.constant 112 : index
      %get3A_515 = tpu.vector_load %arg7[%get3A_513, %get3A_514] {strides = array<i32>} : memref<8x128xi32, #tpu.memory_space<vmem>>, vector<16xi32>,
      %add3A_516 = vector.broadcast %mul3A_441 : i32 to vector<16xi32>
      %add3A_517 = arith.addi %get3A_515, %add3A_516 : vector<16xi32>
      %swap3A_518 = arith.constant 3 : i32
      %swap3A_519 = arith.index_cast %swap3A_518 : i32 to index
      %swap3A_520 = arith.constant 112 : index
      %swap3A_521 = tpu.vector_load %arg7[%swap3A_519, %swap3A_520] {strides = array<i32>} : memref<8x128xi32, #tpu.memory_space<vmem>>, vector<16xi32>,
      tpu.vector_store %arg7[%swap3A_519, %swap3A_520], %add3A_517 {strides = array<i32>} : memref<8x128xi32, #tpu.memory_space<vmem>>, vector<16xi32>,
      %mul3A_522 = arith.constant 8 : i32
      %mul3A_523 = arith.muli %select_n3A, %mul3A_522 : i32
      %add3A_524 = arith.constant 4 : i32
      %add3A_525 = arith.addi %mul3A_523, %add3A_524 : i32
      %mul3A_526 = arith.constant 100000 : i32
      %mul3A_527 = arith.muli %add3A_525, %mul3A_526 : i32
      %get3A_528 = arith.constant 4 : i32
      %get3A_529 = arith.index_cast %get3A_528 : i32 to index
      %get3A_530 = arith.constant 0 : index
      %get3A_531 = tpu.vector_load %arg7[%get3A_529, %get3A_530] {strides = array<i32>} : memref<8x128xi32, #tpu.memory_space<vmem>>, vector<16xi32>,
      %add3A_532 = vector.broadcast %mul3A_527 : i32 to vector<16xi32>
      %add3A_533 = arith.addi %get3A_531, %add3A_532 : vector<16xi32>
      %swap3A_534 = arith.constant 4 : i32
      %swap3A_535 = arith.index_cast %swap3A_534 : i32 to index
      %swap3A_536 = arith.constant 0 : index
      %swap3A_537 = tpu.vector_load %arg7[%swap3A_535, %swap3A_536] {strides = array<i32>} : memref<8x128xi32, #tpu.memory_space<vmem>>, vector<16xi32>,
      tpu.vector_store %arg7[%swap3A_535, %swap3A_536], %add3A_533 {strides = array<i32>} : memref<8x128xi32, #tpu.memory_space<vmem>>, vector<16xi32>,
      %get3A_538 = arith.constant 4 : i32
      %get3A_539 = arith.index_cast %get3A_538 : i32 to index
      %get3A_540 = arith.constant 16 : index
      %get3A_541 = tpu.vector_load %arg7[%get3A_539, %get3A_540] {strides = array<i32>} : memref<8x128xi32, #tpu.memory_space<vmem>>, vector<16xi32>,
      %add3A_542 = vector.broadcast %mul3A_527 : i32 to vector<16xi32>
      %add3A_543 = arith.addi %get3A_541, %add3A_542 : vector<16xi32>
      %swap3A_544 = arith.constant 4 : i32
      %swap3A_545 = arith.index_cast %swap3A_544 : i32 to index
      %swap3A_546 = arith.constant 16 : index
      %swap3A_547 = tpu.vector_load %arg7[%swap3A_545, %swap3A_546] {strides = array<i32>} : memref<8x128xi32, #tpu.memory_space<vmem>>, vector<16xi32>,
      tpu.vector_store %arg7[%swap3A_545, %swap3A_546], %add3A_543 {strides = array<i32>} : memref<8x128xi32, #tpu.memory_space<vmem>>, vector<16xi32>,
      %get3A_548 = arith.constant 4 : i32
      %get3A_549 = arith.index_cast %get3A_548 : i32 to index
      %get3A_550 = arith.constant 32 : index
      %get3A_551 = tpu.vector_load %arg7[%get3A_549, %get3A_550] {strides = array<i32>} : memref<8x128xi32, #tpu.memory_space<vmem>>, vector<16xi32>,
      %add3A_552 = vector.broadcast %mul3A_527 : i32 to vector<16xi32>
      %add3A_553 = arith.addi %get3A_551, %add3A_552 : vector<16xi32>
      %swap3A_554 = arith.constant 4 : i32
      %swap3A_555 = arith.index_cast %swap3A_554 : i32 to index
      %swap3A_556 = arith.constant 32 : index
      %swap3A_557 = tpu.vector_load %arg7[%swap3A_555, %swap3A_556] {strides = array<i32>} : memref<8x128xi32, #tpu.memory_space<vmem>>, vector<16xi32>,
      tpu.vector_store %arg7[%swap3A_555, %swap3A_556], %add3A_553 {strides = array<i32>} : memref<8x128xi32, #tpu.memory_space<vmem>>, vector<16xi32>,
      %get3A_558 = arith.constant 4 : i32
      %get3A_559 = arith.index_cast %get3A_558 : i32 to index
      %get3A_560 = arith.constant 48 : index
      %get3A_561 = tpu.vector_load %arg7[%get3A_559, %get3A_560] {strides = array<i32>} : memref<8x128xi32, #tpu.memory_space<vmem>>, vector<16xi32>,
      %add3A_562 = vector.broadcast %mul3A_527 : i32 to vector<16xi32>
      %add3A_563 = arith.addi %get3A_561, %add3A_562 : vector<16xi32>
      %swap3A_564 = arith.constant 4 : i32
      %swap3A_565 = arith.index_cast %swap3A_564 : i32 to index
      %swap3A_566 = arith.constant 48 : index
      %swap3A_567 = tpu.vector_load %arg7[%swap3A_565, %swap3A_566] {strides = array<i32>} : memref<8x128xi32, #tpu.memory_space<vmem>>, vector<16xi32>,
      tpu.vector_store %arg7[%swap3A_565, %swap3A_566], %add3A_563 {strides = array<i32>} : memref<8x128xi32, #tpu.memory_space<vmem>>, vector<16xi32>,
      %get3A_568 = arith.constant 4 : i32
      %get3A_569 = arith.index_cast %get3A_568 : i32 to index
      %get3A_570 = arith.constant 64 : index
      %get3A_571 = tpu.vector_load %arg7[%get3A_569, %get3A_570] {strides = array<i32>} : memref<8x128xi32, #tpu.memory_space<vmem>>, vector<16xi32>,
      %add3A_572 = vector.broadcast %mul3A_527 : i32 to vector<16xi32>
      %add3A_573 = arith.addi %get3A_571, %add3A_572 : vector<16xi32>
      %swap3A_574 = arith.constant 4 : i32
      %swap3A_575 = arith.index_cast %swap3A_574 : i32 to index
      %swap3A_576 = arith.constant 64 : index
      %swap3A_577 = tpu.vector_load %arg7[%swap3A_575, %swap3A_576] {strides = array<i32>} : memref<8x128xi32, #tpu.memory_space<vmem>>, vector<16xi32>,
      tpu.vector_store %arg7[%swap3A_575, %swap3A_576], %add3A_573 {strides = array<i32>} : memref<8x128xi32, #tpu.memory_space<vmem>>, vector<16xi32>,
      %get3A_578 = arith.constant 4 : i32
      %get3A_579 = arith.index_cast %get3A_578 : i32 to index
      %get3A_580 = arith.constant 80 : index
      %get3A_581 = tpu.vector_load %arg7[%get3A_579, %get3A_580] {strides = array<i32>} : memref<8x128xi32, #tpu.memory_space<vmem>>, vector<16xi32>,
      %add3A_582 = vector.broadcast %mul3A_527 : i32 to vector<16xi32>
      %add3A_583 = arith.addi %get3A_581, %add3A_582 : vector<16xi32>
      %swap3A_584 = arith.constant 4 : i32
      %swap3A_585 = arith.index_cast %swap3A_584 : i32 to index
      %swap3A_586 = arith.constant 80 : index
      %swap3A_587 = tpu.vector_load %arg7[%swap3A_585, %swap3A_586] {strides = array<i32>} : memref<8x128xi32, #tpu.memory_space<vmem>>, vector<16xi32>,
      tpu.vector_store %arg7[%swap3A_585, %swap3A_586], %add3A_583 {strides = array<i32>} : memref<8x128xi32, #tpu.memory_space<vmem>>, vector<16xi32>,
      %get3A_588 = arith.constant 4 : i32
      %get3A_589 = arith.index_cast %get3A_588 : i32 to index
      %get3A_590 = arith.constant 96 : index
      %get3A_591 = tpu.vector_load %arg7[%get3A_589, %get3A_590] {strides = array<i32>} : memref<8x128xi32, #tpu.memory_space<vmem>>, vector<16xi32>,
      %add3A_592 = vector.broadcast %mul3A_527 : i32 to vector<16xi32>
      %add3A_593 = arith.addi %get3A_591, %add3A_592 : vector<16xi32>
      %swap3A_594 = arith.constant 4 : i32
      %swap3A_595 = arith.index_cast %swap3A_594 : i32 to index
      %swap3A_596 = arith.constant 96 : index
      %swap3A_597 = tpu.vector_load %arg7[%swap3A_595, %swap3A_596] {strides = array<i32>} : memref<8x128xi32, #tpu.memory_space<vmem>>, vector<16xi32>,
      tpu.vector_store %arg7[%swap3A_595, %swap3A_596], %add3A_593 {strides = array<i32>} : memref<8x128xi32, #tpu.memory_space<vmem>>, vector<16xi32>,
      %get3A_598 = arith.constant 4 : i32
      %get3A_599 = arith.index_cast %get3A_598 : i32 to index
      %get3A_600 = arith.constant 112 : index
      %get3A_601 = tpu.vector_load %arg7[%get3A_599, %get3A_600] {strides = array<i32>} : memref<8x128xi32, #tpu.memory_space<vmem>>, vector<16xi32>,
      %add3A_602 = vector.broadcast %mul3A_527 : i32 to vector<16xi32>
      %add3A_603 = arith.addi %get3A_601, %add3A_602 : vector<16xi32>
      %swap3A_604 = arith.constant 4 : i32
      %swap3A_605 = arith.index_cast %swap3A_604 : i32 to index
      %swap3A_606 = arith.constant 112 : index
      %swap3A_607 = tpu.vector_load %arg7[%swap3A_605, %swap3A_606] {strides = array<i32>} : memref<8x128xi32, #tpu.memory_space<vmem>>, vector<16xi32>,
      tpu.vector_store %arg7[%swap3A_605, %swap3A_606], %add3A_603 {strides = array<i32>} : memref<8x128xi32, #tpu.memory_space<vmem>>, vector<16xi32>,
      %mul3A_608 = arith.constant 8 : i32
      %mul3A_609 = arith.muli %select_n3A, %mul3A_608 : i32
      %add3A_610 = arith.constant 5 : i32
      %add3A_611 = arith.addi %mul3A_609, %add3A_610 : i32
      %mul3A_612 = arith.constant 100000 : i32
      %mul3A_613 = arith.muli %add3A_611, %mul3A_612 : i32
      %get3A_614 = arith.constant 5 : i32
      %get3A_615 = arith.index_cast %get3A_614 : i32 to index
      %get3A_616 = arith.constant 0 : index
      %get3A_617 = tpu.vector_load %arg7[%get3A_615, %get3A_616] {strides = array<i32>} : memref<8x128xi32, #tpu.memory_space<vmem>>, vector<16xi32>,
      %add3A_618 = vector.broadcast %mul3A_613 : i32 to vector<16xi32>
      %add3A_619 = arith.addi %get3A_617, %add3A_618 : vector<16xi32>
      %swap3A_620 = arith.constant 5 : i32
      %swap3A_621 = arith.index_cast %swap3A_620 : i32 to index
      %swap3A_622 = arith.constant 0 : index
      %swap3A_623 = tpu.vector_load %arg7[%swap3A_621, %swap3A_622] {strides = array<i32>} : memref<8x128xi32, #tpu.memory_space<vmem>>, vector<16xi32>,
      tpu.vector_store %arg7[%swap3A_621, %swap3A_622], %add3A_619 {strides = array<i32>} : memref<8x128xi32, #tpu.memory_space<vmem>>, vector<16xi32>,
      %get3A_624 = arith.constant 5 : i32
      %get3A_625 = arith.index_cast %get3A_624 : i32 to index
      %get3A_626 = arith.constant 16 : index
      %get3A_627 = tpu.vector_load %arg7[%get3A_625, %get3A_626] {strides = array<i32>} : memref<8x128xi32, #tpu.memory_space<vmem>>, vector<16xi32>,
      %add3A_628 = vector.broadcast %mul3A_613 : i32 to vector<16xi32>
      %add3A_629 = arith.addi %get3A_627, %add3A_628 : vector<16xi32>
      %swap3A_630 = arith.constant 5 : i32
      %swap3A_631 = arith.index_cast %swap3A_630 : i32 to index
      %swap3A_632 = arith.constant 16 : index
      %swap3A_633 = tpu.vector_load %arg7[%swap3A_631, %swap3A_632] {strides = array<i32>} : memref<8x128xi32, #tpu.memory_space<vmem>>, vector<16xi32>,
      tpu.vector_store %arg7[%swap3A_631, %swap3A_632], %add3A_629 {strides = array<i32>} : memref<8x128xi32, #tpu.memory_space<vmem>>, vector<16xi32>,
      %get3A_634 = arith.constant 5 : i32
      %get3A_635 = arith.index_cast %get3A_634 : i32 to index
      %get3A_636 = arith.constant 32 : index
      %get3A_637 = tpu.vector_load %arg7[%get3A_635, %get3A_636] {strides = array<i32>} : memref<8x128xi32, #tpu.memory_space<vmem>>, vector<16xi32>,
      %add3A_638 = vector.broadcast %mul3A_613 : i32 to vector<16xi32>
      %add3A_639 = arith.addi %get3A_637, %add3A_638 : vector<16xi32>
      %swap3A_640 = arith.constant 5 : i32
      %swap3A_641 = arith.index_cast %swap3A_640 : i32 to index
      %swap3A_642 = arith.constant 32 : index
      %swap3A_643 = tpu.vector_load %arg7[%swap3A_641, %swap3A_642] {strides = array<i32>} : memref<8x128xi32, #tpu.memory_space<vmem>>, vector<16xi32>,
      tpu.vector_store %arg7[%swap3A_641, %swap3A_642], %add3A_639 {strides = array<i32>} : memref<8x128xi32, #tpu.memory_space<vmem>>, vector<16xi32>,
      %get3A_644 = arith.constant 5 : i32
      %get3A_645 = arith.index_cast %get3A_644 : i32 to index
      %get3A_646 = arith.constant 48 : index
      %get3A_647 = tpu.vector_load %arg7[%get3A_645, %get3A_646] {strides = array<i32>} : memref<8x128xi32, #tpu.memory_space<vmem>>, vector<16xi32>,
      %add3A_648 = vector.broadcast %mul3A_613 : i32 to vector<16xi32>
      %add3A_649 = arith.addi %get3A_647, %add3A_648 : vector<16xi32>
      %swap3A_650 = arith.constant 5 : i32
      %swap3A_651 = arith.index_cast %swap3A_650 : i32 to index
      %swap3A_652 = arith.constant 48 : index
      %swap3A_653 = tpu.vector_load %arg7[%swap3A_651, %swap3A_652] {strides = array<i32>} : memref<8x128xi32, #tpu.memory_space<vmem>>, vector<16xi32>,
      tpu.vector_store %arg7[%swap3A_651, %swap3A_652], %add3A_649 {strides = array<i32>} : memref<8x128xi32, #tpu.memory_space<vmem>>, vector<16xi32>,
      %get3A_654 = arith.constant 5 : i32
      %get3A_655 = arith.index_cast %get3A_654 : i32 to index
      %get3A_656 = arith.constant 64 : index
      %get3A_657 = tpu.vector_load %arg7[%get3A_655, %get3A_656] {strides = array<i32>} : memref<8x128xi32, #tpu.memory_space<vmem>>, vector<16xi32>,
      %add3A_658 = vector.broadcast %mul3A_613 : i32 to vector<16xi32>
      %add3A_659 = arith.addi %get3A_657, %add3A_658 : vector<16xi32>
      %swap3A_660 = arith.constant 5 : i32
      %swap3A_661 = arith.index_cast %swap3A_660 : i32 to index
      %swap3A_662 = arith.constant 64 : index
      %swap3A_663 = tpu.vector_load %arg7[%swap3A_661, %swap3A_662] {strides = array<i32>} : memref<8x128xi32, #tpu.memory_space<vmem>>, vector<16xi32>,
      tpu.vector_store %arg7[%swap3A_661, %swap3A_662], %add3A_659 {strides = array<i32>} : memref<8x128xi32, #tpu.memory_space<vmem>>, vector<16xi32>,
      %get3A_664 = arith.constant 5 : i32
      %get3A_665 = arith.index_cast %get3A_664 : i32 to index
      %get3A_666 = arith.constant 80 : index
      %get3A_667 = tpu.vector_load %arg7[%get3A_665, %get3A_666] {strides = array<i32>} : memref<8x128xi32, #tpu.memory_space<vmem>>, vector<16xi32>,
      %add3A_668 = vector.broadcast %mul3A_613 : i32 to vector<16xi32>
      %add3A_669 = arith.addi %get3A_667, %add3A_668 : vector<16xi32>
      %swap3A_670 = arith.constant 5 : i32
      %swap3A_671 = arith.index_cast %swap3A_670 : i32 to index
      %swap3A_672 = arith.constant 80 : index
      %swap3A_673 = tpu.vector_load %arg7[%swap3A_671, %swap3A_672] {strides = array<i32>} : memref<8x128xi32, #tpu.memory_space<vmem>>, vector<16xi32>,
      tpu.vector_store %arg7[%swap3A_671, %swap3A_672], %add3A_669 {strides = array<i32>} : memref<8x128xi32, #tpu.memory_space<vmem>>, vector<16xi32>,
      %get3A_674 = arith.constant 5 : i32
      %get3A_675 = arith.index_cast %get3A_674 : i32 to index
      %get3A_676 = arith.constant 96 : index
      %get3A_677 = tpu.vector_load %arg7[%get3A_675, %get3A_676] {strides = array<i32>} : memref<8x128xi32, #tpu.memory_space<vmem>>, vector<16xi32>,
      %add3A_678 = vector.broadcast %mul3A_613 : i32 to vector<16xi32>
      %add3A_679 = arith.addi %get3A_677, %add3A_678 : vector<16xi32>
      %swap3A_680 = arith.constant 5 : i32
      %swap3A_681 = arith.index_cast %swap3A_680 : i32 to index
      %swap3A_682 = arith.constant 96 : index
      %swap3A_683 = tpu.vector_load %arg7[%swap3A_681, %swap3A_682] {strides = array<i32>} : memref<8x128xi32, #tpu.memory_space<vmem>>, vector<16xi32>,
      tpu.vector_store %arg7[%swap3A_681, %swap3A_682], %add3A_679 {strides = array<i32>} : memref<8x128xi32, #tpu.memory_space<vmem>>, vector<16xi32>,
      %get3A_684 = arith.constant 5 : i32
      %get3A_685 = arith.index_cast %get3A_684 : i32 to index
      %get3A_686 = arith.constant 112 : index
      %get3A_687 = tpu.vector_load %arg7[%get3A_685, %get3A_686] {strides = array<i32>} : memref<8x128xi32, #tpu.memory_space<vmem>>, vector<16xi32>,
      %add3A_688 = vector.broadcast %mul3A_613 : i32 to vector<16xi32>
      %add3A_689 = arith.addi %get3A_687, %add3A_688 : vector<16xi32>
      %swap3A_690 = arith.constant 5 : i32
      %swap3A_691 = arith.index_cast %swap3A_690 : i32 to index
      %swap3A_692 = arith.constant 112 : index
      %swap3A_693 = tpu.vector_load %arg7[%swap3A_691, %swap3A_692] {strides = array<i32>} : memref<8x128xi32, #tpu.memory_space<vmem>>, vector<16xi32>,
      tpu.vector_store %arg7[%swap3A_691, %swap3A_692], %add3A_689 {strides = array<i32>} : memref<8x128xi32, #tpu.memory_space<vmem>>, vector<16xi32>,
      %mul3A_694 = arith.constant 8 : i32
      %mul3A_695 = arith.muli %select_n3A, %mul3A_694 : i32
      %add3A_696 = arith.constant 6 : i32
      %add3A_697 = arith.addi %mul3A_695, %add3A_696 : i32
      %mul3A_698 = arith.constant 100000 : i32
      %mul3A_699 = arith.muli %add3A_697, %mul3A_698 : i32
      %get3A_700 = arith.constant 6 : i32
      %get3A_701 = arith.index_cast %get3A_700 : i32 to index
      %get3A_702 = arith.constant 0 : index
      %get3A_703 = tpu.vector_load %arg7[%get3A_701, %get3A_702] {strides = array<i32>} : memref<8x128xi32, #tpu.memory_space<vmem>>, vector<16xi32>,
      %add3A_704 = vector.broadcast %mul3A_699 : i32 to vector<16xi32>
      %add3A_705 = arith.addi %get3A_703, %add3A_704 : vector<16xi32>
      %swap3A_706 = arith.constant 6 : i32
      %swap3A_707 = arith.index_cast %swap3A_706 : i32 to index
      %swap3A_708 = arith.constant 0 : index
      %swap3A_709 = tpu.vector_load %arg7[%swap3A_707, %swap3A_708] {strides = array<i32>} : memref<8x128xi32, #tpu.memory_space<vmem>>, vector<16xi32>,
      tpu.vector_store %arg7[%swap3A_707, %swap3A_708], %add3A_705 {strides = array<i32>} : memref<8x128xi32, #tpu.memory_space<vmem>>, vector<16xi32>,
      %get3A_710 = arith.constant 6 : i32
      %get3A_711 = arith.index_cast %get3A_710 : i32 to index
      %get3A_712 = arith.constant 16 : index
      %get3A_713 = tpu.vector_load %arg7[%get3A_711, %get3A_712] {strides = array<i32>} : memref<8x128xi32, #tpu.memory_space<vmem>>, vector<16xi32>,
      %add3A_714 = vector.broadcast %mul3A_699 : i32 to vector<16xi32>
      %add3A_715 = arith.addi %get3A_713, %add3A_714 : vector<16xi32>
      %swap3A_716 = arith.constant 6 : i32
      %swap3A_717 = arith.index_cast %swap3A_716 : i32 to index
      %swap3A_718 = arith.constant 16 : index
      %swap3A_719 = tpu.vector_load %arg7[%swap3A_717, %swap3A_718] {strides = array<i32>} : memref<8x128xi32, #tpu.memory_space<vmem>>, vector<16xi32>,
      tpu.vector_store %arg7[%swap3A_717, %swap3A_718], %add3A_715 {strides = array<i32>} : memref<8x128xi32, #tpu.memory_space<vmem>>, vector<16xi32>,
      %get3A_720 = arith.constant 6 : i32
      %get3A_721 = arith.index_cast %get3A_720 : i32 to index
      %get3A_722 = arith.constant 32 : index
      %get3A_723 = tpu.vector_load %arg7[%get3A_721, %get3A_722] {strides = array<i32>} : memref<8x128xi32, #tpu.memory_space<vmem>>, vector<16xi32>,
      %add3A_724 = vector.broadcast %mul3A_699 : i32 to vector<16xi32>
      %add3A_725 = arith.addi %get3A_723, %add3A_724 : vector<16xi32>
      %swap3A_726 = arith.constant 6 : i32
      %swap3A_727 = arith.index_cast %swap3A_726 : i32 to index
      %swap3A_728 = arith.constant 32 : index
      %swap3A_729 = tpu.vector_load %arg7[%swap3A_727, %swap3A_728] {strides = array<i32>} : memref<8x128xi32, #tpu.memory_space<vmem>>, vector<16xi32>,
      tpu.vector_store %arg7[%swap3A_727, %swap3A_728], %add3A_725 {strides = array<i32>} : memref<8x128xi32, #tpu.memory_space<vmem>>, vector<16xi32>,
      %get3A_730 = arith.constant 6 : i32
      %get3A_731 = arith.index_cast %get3A_730 : i32 to index
      %get3A_732 = arith.constant 48 : index
      %get3A_733 = tpu.vector_load %arg7[%get3A_731, %get3A_732] {strides = array<i32>} : memref<8x128xi32, #tpu.memory_space<vmem>>, vector<16xi32>,
      %add3A_734 = vector.broadcast %mul3A_699 : i32 to vector<16xi32>
      %add3A_735 = arith.addi %get3A_733, %add3A_734 : vector<16xi32>
      %swap3A_736 = arith.constant 6 : i32
      %swap3A_737 = arith.index_cast %swap3A_736 : i32 to index
      %swap3A_738 = arith.constant 48 : index
      %swap3A_739 = tpu.vector_load %arg7[%swap3A_737, %swap3A_738] {strides = array<i32>} : memref<8x128xi32, #tpu.memory_space<vmem>>, vector<16xi32>,
      tpu.vector_store %arg7[%swap3A_737, %swap3A_738], %add3A_735 {strides = array<i32>} : memref<8x128xi32, #tpu.memory_space<vmem>>, vector<16xi32>,
      %get3A_740 = arith.constant 6 : i32
      %get3A_741 = arith.index_cast %get3A_740 : i32 to index
      %get3A_742 = arith.constant 64 : index
      %get3A_743 = tpu.vector_load %arg7[%get3A_741, %get3A_742] {strides = array<i32>} : memref<8x128xi32, #tpu.memory_space<vmem>>, vector<16xi32>,
      %add3A_744 = vector.broadcast %mul3A_699 : i32 to vector<16xi32>
      %add3A_745 = arith.addi %get3A_743, %add3A_744 : vector<16xi32>
      %swap3A_746 = arith.constant 6 : i32
      %swap3A_747 = arith.index_cast %swap3A_746 : i32 to index
      %swap3A_748 = arith.constant 64 : index
      %swap3A_749 = tpu.vector_load %arg7[%swap3A_747, %swap3A_748] {strides = array<i32>} : memref<8x128xi32, #tpu.memory_space<vmem>>, vector<16xi32>,
      tpu.vector_store %arg7[%swap3A_747, %swap3A_748], %add3A_745 {strides = array<i32>} : memref<8x128xi32, #tpu.memory_space<vmem>>, vector<16xi32>,
      %get3A_750 = arith.constant 6 : i32
      %get3A_751 = arith.index_cast %get3A_750 : i32 to index
      %get3A_752 = arith.constant 80 : index
      %get3A_753 = tpu.vector_load %arg7[%get3A_751, %get3A_752] {strides = array<i32>} : memref<8x128xi32, #tpu.memory_space<vmem>>, vector<16xi32>,
      %add3A_754 = vector.broadcast %mul3A_699 : i32 to vector<16xi32>
      %add3A_755 = arith.addi %get3A_753, %add3A_754 : vector<16xi32>
      %swap3A_756 = arith.constant 6 : i32
      %swap3A_757 = arith.index_cast %swap3A_756 : i32 to index
      %swap3A_758 = arith.constant 80 : index
      %swap3A_759 = tpu.vector_load %arg7[%swap3A_757, %swap3A_758] {strides = array<i32>} : memref<8x128xi32, #tpu.memory_space<vmem>>, vector<16xi32>,
      tpu.vector_store %arg7[%swap3A_757, %swap3A_758], %add3A_755 {strides = array<i32>} : memref<8x128xi32, #tpu.memory_space<vmem>>, vector<16xi32>,
      %get3A_760 = arith.constant 6 : i32
      %get3A_761 = arith.index_cast %get3A_760 : i32 to index
      %get3A_762 = arith.constant 96 : index
      %get3A_763 = tpu.vector_load %arg7[%get3A_761, %get3A_762] {strides = array<i32>} : memref<8x128xi32, #tpu.memory_space<vmem>>, vector<16xi32>,
      %add3A_764 = vector.broadcast %mul3A_699 : i32 to vector<16xi32>
      %add3A_765 = arith.addi %get3A_763, %add3A_764 : vector<16xi32>
      %swap3A_766 = arith.constant 6 : i32
      %swap3A_767 = arith.index_cast %swap3A_766 : i32 to index
      %swap3A_768 = arith.constant 96 : index
      %swap3A_769 = tpu.vector_load %arg7[%swap3A_767, %swap3A_768] {strides = array<i32>} : memref<8x128xi32, #tpu.memory_space<vmem>>, vector<16xi32>,
      tpu.vector_store %arg7[%swap3A_767, %swap3A_768], %add3A_765 {strides = array<i32>} : memref<8x128xi32, #tpu.memory_space<vmem>>, vector<16xi32>,
      %get3A_770 = arith.constant 6 : i32
      %get3A_771 = arith.index_cast %get3A_770 : i32 to index
      %get3A_772 = arith.constant 112 : index
      %get3A_773 = tpu.vector_load %arg7[%get3A_771, %get3A_772] {strides = array<i32>} : memref<8x128xi32, #tpu.memory_space<vmem>>, vector<16xi32>,
      %add3A_774 = vector.broadcast %mul3A_699 : i32 to vector<16xi32>
      %add3A_775 = arith.addi %get3A_773, %add3A_774 : vector<16xi32>
      %swap3A_776 = arith.constant 6 : i32
      %swap3A_777 = arith.index_cast %swap3A_776 : i32 to index
      %swap3A_778 = arith.constant 112 : index
      %swap3A_779 = tpu.vector_load %arg7[%swap3A_777, %swap3A_778] {strides = array<i32>} : memref<8x128xi32, #tpu.memory_space<vmem>>, vector<16xi32>,
      tpu.vector_store %arg7[%swap3A_777, %swap3A_778], %add3A_775 {strides = array<i32>} : memref<8x128xi32, #tpu.memory_space<vmem>>, vector<16xi32>,
      %mul3A_780 = arith.constant 8 : i32
      %mul3A_781 = arith.muli %select_n3A, %mul3A_780 : i32
      %add3A_782 = arith.constant 7 : i32
      %add3A_783 = arith.addi %mul3A_781, %add3A_782 : i32
      %mul3A_784 = arith.constant 100000 : i32
      %mul3A_785 = arith.muli %add3A_783, %mul3A_784 : i32
      %get3A_786 = arith.constant 7 : i32
      %get3A_787 = arith.index_cast %get3A_786 : i32 to index
      %get3A_788 = arith.constant 0 : index
      %get3A_789 = tpu.vector_load %arg7[%get3A_787, %get3A_788] {strides = array<i32>} : memref<8x128xi32, #tpu.memory_space<vmem>>, vector<16xi32>,
      %add3A_790 = vector.broadcast %mul3A_785 : i32 to vector<16xi32>
      %add3A_791 = arith.addi %get3A_789, %add3A_790 : vector<16xi32>
      %swap3A_792 = arith.constant 7 : i32
      %swap3A_793 = arith.index_cast %swap3A_792 : i32 to index
      %swap3A_794 = arith.constant 0 : index
      %swap3A_795 = tpu.vector_load %arg7[%swap3A_793, %swap3A_794] {strides = array<i32>} : memref<8x128xi32, #tpu.memory_space<vmem>>, vector<16xi32>,
      tpu.vector_store %arg7[%swap3A_793, %swap3A_794], %add3A_791 {strides = array<i32>} : memref<8x128xi32, #tpu.memory_space<vmem>>, vector<16xi32>,
      %get3A_796 = arith.constant 7 : i32
      %get3A_797 = arith.index_cast %get3A_796 : i32 to index
      %get3A_798 = arith.constant 16 : index
      %get3A_799 = tpu.vector_load %arg7[%get3A_797, %get3A_798] {strides = array<i32>} : memref<8x128xi32, #tpu.memory_space<vmem>>, vector<16xi32>,
      %add3A_800 = vector.broadcast %mul3A_785 : i32 to vector<16xi32>
      %add3A_801 = arith.addi %get3A_799, %add3A_800 : vector<16xi32>
      %swap3A_802 = arith.constant 7 : i32
      %swap3A_803 = arith.index_cast %swap3A_802 : i32 to index
      %swap3A_804 = arith.constant 16 : index
      %swap3A_805 = tpu.vector_load %arg7[%swap3A_803, %swap3A_804] {strides = array<i32>} : memref<8x128xi32, #tpu.memory_space<vmem>>, vector<16xi32>,
      tpu.vector_store %arg7[%swap3A_803, %swap3A_804], %add3A_801 {strides = array<i32>} : memref<8x128xi32, #tpu.memory_space<vmem>>, vector<16xi32>,
      %get3A_806 = arith.constant 7 : i32
      %get3A_807 = arith.index_cast %get3A_806 : i32 to index
      %get3A_808 = arith.constant 32 : index
      %get3A_809 = tpu.vector_load %arg7[%get3A_807, %get3A_808] {strides = array<i32>} : memref<8x128xi32, #tpu.memory_space<vmem>>, vector<16xi32>,
      %add3A_810 = vector.broadcast %mul3A_785 : i32 to vector<16xi32>
      %add3A_811 = arith.addi %get3A_809, %add3A_810 : vector<16xi32>
      %swap3A_812 = arith.constant 7 : i32
      %swap3A_813 = arith.index_cast %swap3A_812 : i32 to index
      %swap3A_814 = arith.constant 32 : index
      %swap3A_815 = tpu.vector_load %arg7[%swap3A_813, %swap3A_814] {strides = array<i32>} : memref<8x128xi32, #tpu.memory_space<vmem>>, vector<16xi32>,
      tpu.vector_store %arg7[%swap3A_813, %swap3A_814], %add3A_811 {strides = array<i32>} : memref<8x128xi32, #tpu.memory_space<vmem>>, vector<16xi32>,
      %get3A_816 = arith.constant 7 : i32
      %get3A_817 = arith.index_cast %get3A_816 : i32 to index
      %get3A_818 = arith.constant 48 : index
      %get3A_819 = tpu.vector_load %arg7[%get3A_817, %get3A_818] {strides = array<i32>} : memref<8x128xi32, #tpu.memory_space<vmem>>, vector<16xi32>,
      %add3A_820 = vector.broadcast %mul3A_785 : i32 to vector<16xi32>
      %add3A_821 = arith.addi %get3A_819, %add3A_820 : vector<16xi32>
      %swap3A_822 = arith.constant 7 : i32
      %swap3A_823 = arith.index_cast %swap3A_822 : i32 to index
      %swap3A_824 = arith.constant 48 : index
      %swap3A_825 = tpu.vector_load %arg7[%swap3A_823, %swap3A_824] {strides = array<i32>} : memref<8x128xi32, #tpu.memory_space<vmem>>, vector<16xi32>,
      tpu.vector_store %arg7[%swap3A_823, %swap3A_824], %add3A_821 {strides = array<i32>} : memref<8x128xi32, #tpu.memory_space<vmem>>, vector<16xi32>,
      %get3A_826 = arith.constant 7 : i32
      %get3A_827 = arith.index_cast %get3A_826 : i32 to index
      %get3A_828 = arith.constant 64 : index
      %get3A_829 = tpu.vector_load %arg7[%get3A_827, %get3A_828] {strides = array<i32>} : memref<8x128xi32, #tpu.memory_space<vmem>>, vector<16xi32>,
      %add3A_830 = vector.broadcast %mul3A_785 : i32 to vector<16xi32>
      %add3A_831 = arith.addi %get3A_829, %add3A_830 : vector<16xi32>
      %swap3A_832 = arith.constant 7 : i32
      %swap3A_833 = arith.index_cast %swap3A_832 : i32 to index
      %swap3A_834 = arith.constant 64 : index
      %swap3A_835 = tpu.vector_load %arg7[%swap3A_833, %swap3A_834] {strides = array<i32>} : memref<8x128xi32, #tpu.memory_space<vmem>>, vector<16xi32>,
      tpu.vector_store %arg7[%swap3A_833, %swap3A_834], %add3A_831 {strides = array<i32>} : memref<8x128xi32, #tpu.memory_space<vmem>>, vector<16xi32>,
      %get3A_836 = arith.constant 7 : i32
      %get3A_837 = arith.index_cast %get3A_836 : i32 to index
      %get3A_838 = arith.constant 80 : index
      %get3A_839 = tpu.vector_load %arg7[%get3A_837, %get3A_838] {strides = array<i32>} : memref<8x128xi32, #tpu.memory_space<vmem>>, vector<16xi32>,
      %add3A_840 = vector.broadcast %mul3A_785 : i32 to vector<16xi32>
      %add3A_841 = arith.addi %get3A_839, %add3A_840 : vector<16xi32>
      %swap3A_842 = arith.constant 7 : i32
      %swap3A_843 = arith.index_cast %swap3A_842 : i32 to index
      %swap3A_844 = arith.constant 80 : index
      %swap3A_845 = tpu.vector_load %arg7[%swap3A_843, %swap3A_844] {strides = array<i32>} : memref<8x128xi32, #tpu.memory_space<vmem>>, vector<16xi32>,
      tpu.vector_store %arg7[%swap3A_843, %swap3A_844], %add3A_841 {strides = array<i32>} : memref<8x128xi32, #tpu.memory_space<vmem>>, vector<16xi32>,
      %get3A_846 = arith.constant 7 : i32
      %get3A_847 = arith.index_cast %get3A_846 : i32 to index
      %get3A_848 = arith.constant 96 : index
      %get3A_849 = tpu.vector_load %arg7[%get3A_847, %get3A_848] {strides = array<i32>} : memref<8x128xi32, #tpu.memory_space<vmem>>, vector<16xi32>,
      %add3A_850 = vector.broadcast %mul3A_785 : i32 to vector<16xi32>
      %add3A_851 = arith.addi %get3A_849, %add3A_850 : vector<16xi32>
      %swap3A_852 = arith.constant 7 : i32
      %swap3A_853 = arith.index_cast %swap3A_852 : i32 to index
      %swap3A_854 = arith.constant 96 : index
      %swap3A_855 = tpu.vector_load %arg7[%swap3A_853, %swap3A_854] {strides = array<i32>} : memref<8x128xi32, #tpu.memory_space<vmem>>, vector<16xi32>,
      tpu.vector_store %arg7[%swap3A_853, %swap3A_854], %add3A_851 {strides = array<i32>} : memref<8x128xi32, #tpu.memory_space<vmem>>, vector<16xi32>,
      %get3A_856 = arith.constant 7 : i32
      %get3A_857 = arith.index_cast %get3A_856 : i32 to index
      %get3A_858 = arith.constant 112 : index
      %get3A_859 = tpu.vector_load %arg7[%get3A_857, %get3A_858] {strides = array<i32>} : memref<8x128xi32, #tpu.memory_space<vmem>>, vector<16xi32>,
      %add3A_860 = vector.broadcast %mul3A_785 : i32 to vector<16xi32>
      %add3A_861 = arith.addi %get3A_859, %add3A_860 : vector<16xi32>
      %swap3A_862 = arith.constant 7 : i32
      %swap3A_863 = arith.index_cast %swap3A_862 : i32 to index
      %swap3A_864 = arith.constant 112 : index
      %swap3A_865 = tpu.vector_load %arg7[%swap3A_863, %swap3A_864] {strides = array<i32>} : memref<8x128xi32, #tpu.memory_space<vmem>>, vector<16xi32>,
      tpu.vector_store %arg7[%swap3A_863, %swap3A_864], %add3A_861 {strides = array<i32>} : memref<8x128xi32, #tpu.memory_space<vmem>>, vector<16xi32>,
      %mul3A_866 = arith.constant 8 : i32
      %mul3A_867 = arith.muli %select_n3A, %mul3A_866 : i32
      %add3A_868 = arith.constant 0 : i32
      %add3A_869 = arith.addi %mul3A_867, %add3A_868 : i32
      %mul3A_870 = arith.constant 128 : i32
      %mul3A_871 = arith.muli %add3A_869, %mul3A_870 : i32
      %add3A_872 = arith.addi %mul3A_871, %rem3A_158 : i32
      %dma_start3A_873 = arith.constant 0 : i32
      %dma_start3A_874 = arith.constant 0 : i32
      %dma_start3A_875 = tpu.memref_slice %arg7[%dma_start3A_873, %dma_start3A_874] : memref<8x128xi32, #tpu.memory_space<vmem>> -> memref<1x128xi32, #tpu.memory_space<vmem>>
      %dma_start3A_876 = tpu.memref_squeeze %dma_start3A_875 : memref<1x128xi32, #tpu.memory_space<vmem>> -> memref<128xi32, #tpu.memory_space<vmem>>
      %dma_start3A_877 = arith.constant 0 : i32
      %dma_start3A_878 = tpu.memref_slice %arg5[%add3A_872, %dma_start3A_877] : memref<3328x128xi32, #tpu.memory_space<hbm>> -> memref<1x128xi32, #tpu.memory_space<hbm>>
      %dma_start3A_879 = tpu.memref_squeeze %dma_start3A_878 : memref<1x128xi32, #tpu.memory_space<hbm>> -> memref<128xi32, #tpu.memory_space<hbm>>
      %dma_start3A_880 = arith.constant 0 : i32
      %dma_start3A_881 = tpu.memref_slice %arg5[%add3A_872, %dma_start3A_880] : memref<3328x128xi32, #tpu.memory_space<hbm>> -> memref<1x128xi32, #tpu.memory_space<hbm>>
      %dma_start3A_882 = tpu.memref_squeeze %dma_start3A_881 : memref<1x128xi32, #tpu.memory_space<hbm>> -> memref<128xi32, #tpu.memory_space<hbm>>
      %dma_start3A_883 = arith.constant 0 : i32
      %dma_start3A_884 = tpu.memref_slice %arg7[%dma_start3A_873, %dma_start3A_883] : memref<8x128xi32, #tpu.memory_space<vmem>> -> memref<1x128xi32, #tpu.memory_space<vmem>>
      %dma_start3A_885 = tpu.memref_squeeze %dma_start3A_884 : memref<1x128xi32, #tpu.memory_space<vmem>> -> memref<128xi32, #tpu.memory_space<vmem>>
      tpu.enqueue_dma source(%dma_start3A_885 : memref<128xi32, #tpu.memory_space<vmem>>) target(%dma_start3A_882 : memref<128xi32, #tpu.memory_space<hbm>>) target_semaphore(%arg12 : memref<!tpu.dma_semaphore, #tpu.memory_space<semaphore_mem>>)
      %mul3A_886 = arith.constant 8 : i32
      %mul3A_887 = arith.muli %select_n3A, %mul3A_886 : i32
      %add3A_888 = arith.constant 1 : i32
      %add3A_889 = arith.addi %mul3A_887, %add3A_888 : i32
      %mul3A_890 = arith.constant 128 : i32
      %mul3A_891 = arith.muli %add3A_889, %mul3A_890 : i32
      %add3A_892 = arith.addi %mul3A_891, %rem3A_158 : i32
      %dma_start3A_893 = arith.constant 1 : i32
      %dma_start3A_894 = arith.constant 0 : i32
      %dma_start3A_895 = tpu.memref_slice %arg7[%dma_start3A_893, %dma_start3A_894] : memref<8x128xi32, #tpu.memory_space<vmem>> -> memref<1x128xi32, #tpu.memory_space<vmem>>
      %dma_start3A_896 = tpu.memref_squeeze %dma_start3A_895 : memref<1x128xi32, #tpu.memory_space<vmem>> -> memref<128xi32, #tpu.memory_space<vmem>>
      %dma_start3A_897 = arith.constant 0 : i32
      %dma_start3A_898 = tpu.memref_slice %arg5[%add3A_892, %dma_start3A_897] : memref<3328x128xi32, #tpu.memory_space<hbm>> -> memref<1x128xi32, #tpu.memory_space<hbm>>
      %dma_start3A_899 = tpu.memref_squeeze %dma_start3A_898 : memref<1x128xi32, #tpu.memory_space<hbm>> -> memref<128xi32, #tpu.memory_space<hbm>>
      %dma_start3A_900 = arith.constant 0 : i32
      %dma_start3A_901 = tpu.memref_slice %arg5[%add3A_892, %dma_start3A_900] : memref<3328x128xi32, #tpu.memory_space<hbm>> -> memref<1x128xi32, #tpu.memory_space<hbm>>
      %dma_start3A_902 = tpu.memref_squeeze %dma_start3A_901 : memref<1x128xi32, #tpu.memory_space<hbm>> -> memref<128xi32, #tpu.memory_space<hbm>>
      %dma_start3A_903 = arith.constant 0 : i32
      %dma_start3A_904 = tpu.memref_slice %arg7[%dma_start3A_893, %dma_start3A_903] : memref<8x128xi32, #tpu.memory_space<vmem>> -> memref<1x128xi32, #tpu.memory_space<vmem>>
      %dma_start3A_905 = tpu.memref_squeeze %dma_start3A_904 : memref<1x128xi32, #tpu.memory_space<vmem>> -> memref<128xi32, #tpu.memory_space<vmem>>
      tpu.enqueue_dma source(%dma_start3A_905 : memref<128xi32, #tpu.memory_space<vmem>>) target(%dma_start3A_902 : memref<128xi32, #tpu.memory_space<hbm>>) target_semaphore(%arg12 : memref<!tpu.dma_semaphore, #tpu.memory_space<semaphore_mem>>)
      %mul3A_906 = arith.constant 8 : i32
      %mul3A_907 = arith.muli %select_n3A, %mul3A_906 : i32
      %add3A_908 = arith.constant 2 : i32
      %add3A_909 = arith.addi %mul3A_907, %add3A_908 : i32
      %mul3A_910 = arith.constant 128 : i32
      %mul3A_911 = arith.muli %add3A_909, %mul3A_910 : i32
      %add3A_912 = arith.addi %mul3A_911, %rem3A_158 : i32
      %dma_start3A_913 = arith.constant 2 : i32
      %dma_start3A_914 = arith.constant 0 : i32
      %dma_start3A_915 = tpu.memref_slice %arg7[%dma_start3A_913, %dma_start3A_914] : memref<8x128xi32, #tpu.memory_space<vmem>> -> memref<1x128xi32, #tpu.memory_space<vmem>>
      %dma_start3A_916 = tpu.memref_squeeze %dma_start3A_915 : memref<1x128xi32, #tpu.memory_space<vmem>> -> memref<128xi32, #tpu.memory_space<vmem>>
      %dma_start3A_917 = arith.constant 0 : i32
      %dma_start3A_918 = tpu.memref_slice %arg5[%add3A_912, %dma_start3A_917] : memref<3328x128xi32, #tpu.memory_space<hbm>> -> memref<1x128xi32, #tpu.memory_space<hbm>>
      %dma_start3A_919 = tpu.memref_squeeze %dma_start3A_918 : memref<1x128xi32, #tpu.memory_space<hbm>> -> memref<128xi32, #tpu.memory_space<hbm>>
      %dma_start3A_920 = arith.constant 0 : i32
      %dma_start3A_921 = tpu.memref_slice %arg5[%add3A_912, %dma_start3A_920] : memref<3328x128xi32, #tpu.memory_space<hbm>> -> memref<1x128xi32, #tpu.memory_space<hbm>>
      %dma_start3A_922 = tpu.memref_squeeze %dma_start3A_921 : memref<1x128xi32, #tpu.memory_space<hbm>> -> memref<128xi32, #tpu.memory_space<hbm>>
      %dma_start3A_923 = arith.constant 0 : i32
      %dma_start3A_924 = tpu.memref_slice %arg7[%dma_start3A_913, %dma_start3A_923] : memref<8x128xi32, #tpu.memory_space<vmem>> -> memref<1x128xi32, #tpu.memory_space<vmem>>
      %dma_start3A_925 = tpu.memref_squeeze %dma_start3A_924 : memref<1x128xi32, #tpu.memory_space<vmem>> -> memref<128xi32, #tpu.memory_space<vmem>>
      tpu.enqueue_dma source(%dma_start3A_925 : memref<128xi32, #tpu.memory_space<vmem>>) target(%dma_start3A_922 : memref<128xi32, #tpu.memory_space<hbm>>) target_semaphore(%arg12 : memref<!tpu.dma_semaphore, #tpu.memory_space<semaphore_mem>>)
      %mul3A_926 = arith.constant 8 : i32
      %mul3A_927 = arith.muli %select_n3A, %mul3A_926 : i32
      %add3A_928 = arith.constant 3 : i32
      %add3A_929 = arith.addi %mul3A_927, %add3A_928 : i32
      %mul3A_930 = arith.constant 128 : i32
      %mul3A_931 = arith.muli %add3A_929, %mul3A_930 : i32
      %add3A_932 = arith.addi %mul3A_931, %rem3A_158 : i32
      %dma_start3A_933 = arith.constant 3 : i32
      %dma_start3A_934 = arith.constant 0 : i32
      %dma_start3A_935 = tpu.memref_slice %arg7[%dma_start3A_933, %dma_start3A_934] : memref<8x128xi32, #tpu.memory_space<vmem>> -> memref<1x128xi32, #tpu.memory_space<vmem>>
      %dma_start3A_936 = tpu.memref_squeeze %dma_start3A_935 : memref<1x128xi32, #tpu.memory_space<vmem>> -> memref<128xi32, #tpu.memory_space<vmem>>
      %dma_start3A_937 = arith.constant 0 : i32
      %dma_start3A_938 = tpu.memref_slice %arg5[%add3A_932, %dma_start3A_937] : memref<3328x128xi32, #tpu.memory_space<hbm>> -> memref<1x128xi32, #tpu.memory_space<hbm>>
      %dma_start3A_939 = tpu.memref_squeeze %dma_start3A_938 : memref<1x128xi32, #tpu.memory_space<hbm>> -> memref<128xi32, #tpu.memory_space<hbm>>
      %dma_start3A_940 = arith.constant 0 : i32
      %dma_start3A_941 = tpu.memref_slice %arg5[%add3A_932, %dma_start3A_940] : memref<3328x128xi32, #tpu.memory_space<hbm>> -> memref<1x128xi32, #tpu.memory_space<hbm>>
      %dma_start3A_942 = tpu.memref_squeeze %dma_start3A_941 : memref<1x128xi32, #tpu.memory_space<hbm>> -> memref<128xi32, #tpu.memory_space<hbm>>
      %dma_start3A_943 = arith.constant 0 : i32
      %dma_start3A_944 = tpu.memref_slice %arg7[%dma_start3A_933, %dma_start3A_943] : memref<8x128xi32, #tpu.memory_space<vmem>> -> memref<1x128xi32, #tpu.memory_space<vmem>>
      %dma_start3A_945 = tpu.memref_squeeze %dma_start3A_944 : memref<1x128xi32, #tpu.memory_space<vmem>> -> memref<128xi32, #tpu.memory_space<vmem>>
      tpu.enqueue_dma source(%dma_start3A_945 : memref<128xi32, #tpu.memory_space<vmem>>) target(%dma_start3A_942 : memref<128xi32, #tpu.memory_space<hbm>>) target_semaphore(%arg12 : memref<!tpu.dma_semaphore, #tpu.memory_space<semaphore_mem>>)
      %mul3A_946 = arith.constant 8 : i32
      %mul3A_947 = arith.muli %select_n3A, %mul3A_946 : i32
      %add3A_948 = arith.constant 4 : i32
      %add3A_949 = arith.addi %mul3A_947, %add3A_948 : i32
      %mul3A_950 = arith.constant 128 : i32
      %mul3A_951 = arith.muli %add3A_949, %mul3A_950 : i32
      %add3A_952 = arith.addi %mul3A_951, %rem3A_158 : i32
      %dma_start3A_953 = arith.constant 4 : i32
      %dma_start3A_954 = arith.constant 0 : i32
      %dma_start3A_955 = tpu.memref_slice %arg7[%dma_start3A_953, %dma_start3A_954] : memref<8x128xi32, #tpu.memory_space<vmem>> -> memref<1x128xi32, #tpu.memory_space<vmem>>
      %dma_start3A_956 = tpu.memref_squeeze %dma_start3A_955 : memref<1x128xi32, #tpu.memory_space<vmem>> -> memref<128xi32, #tpu.memory_space<vmem>>
      %dma_start3A_957 = arith.constant 0 : i32
      %dma_start3A_958 = tpu.memref_slice %arg5[%add3A_952, %dma_start3A_957] : memref<3328x128xi32, #tpu.memory_space<hbm>> -> memref<1x128xi32, #tpu.memory_space<hbm>>
      %dma_start3A_959 = tpu.memref_squeeze %dma_start3A_958 : memref<1x128xi32, #tpu.memory_space<hbm>> -> memref<128xi32, #tpu.memory_space<hbm>>
      %dma_start3A_960 = arith.constant 0 : i32
      %dma_start3A_961 = tpu.memref_slice %arg5[%add3A_952, %dma_start3A_960] : memref<3328x128xi32, #tpu.memory_space<hbm>> -> memref<1x128xi32, #tpu.memory_space<hbm>>
      %dma_start3A_962 = tpu.memref_squeeze %dma_start3A_961 : memref<1x128xi32, #tpu.memory_space<hbm>> -> memref<128xi32, #tpu.memory_space<hbm>>
      %dma_start3A_963 = arith.constant 0 : i32
      %dma_start3A_964 = tpu.memref_slice %arg7[%dma_start3A_953, %dma_start3A_963] : memref<8x128xi32, #tpu.memory_space<vmem>> -> memref<1x128xi32, #tpu.memory_space<vmem>>
      %dma_start3A_965 = tpu.memref_squeeze %dma_start3A_964 : memref<1x128xi32, #tpu.memory_space<vmem>> -> memref<128xi32, #tpu.memory_space<vmem>>
      tpu.enqueue_dma source(%dma_start3A_965 : memref<128xi32, #tpu.memory_space<vmem>>) target(%dma_start3A_962 : memref<128xi32, #tpu.memory_space<hbm>>) target_semaphore(%arg12 : memref<!tpu.dma_semaphore, #tpu.memory_space<semaphore_mem>>)
      %mul3A_966 = arith.constant 8 : i32
      %mul3A_967 = arith.muli %select_n3A, %mul3A_966 : i32
      %add3A_968 = arith.constant 5 : i32
      %add3A_969 = arith.addi %mul3A_967, %add3A_968 : i32
      %mul3A_970 = arith.constant 128 : i32
      %mul3A_971 = arith.muli %add3A_969, %mul3A_970 : i32
      %add3A_972 = arith.addi %mul3A_971, %rem3A_158 : i32
      %dma_start3A_973 = arith.constant 5 : i32
      %dma_start3A_974 = arith.constant 0 : i32
      %dma_start3A_975 = tpu.memref_slice %arg7[%dma_start3A_973, %dma_start3A_974] : memref<8x128xi32, #tpu.memory_space<vmem>> -> memref<1x128xi32, #tpu.memory_space<vmem>>
      %dma_start3A_976 = tpu.memref_squeeze %dma_start3A_975 : memref<1x128xi32, #tpu.memory_space<vmem>> -> memref<128xi32, #tpu.memory_space<vmem>>
      %dma_start3A_977 = arith.constant 0 : i32
      %dma_start3A_978 = tpu.memref_slice %arg5[%add3A_972, %dma_start3A_977] : memref<3328x128xi32, #tpu.memory_space<hbm>> -> memref<1x128xi32, #tpu.memory_space<hbm>>
      %dma_start3A_979 = tpu.memref_squeeze %dma_start3A_978 : memref<1x128xi32, #tpu.memory_space<hbm>> -> memref<128xi32, #tpu.memory_space<hbm>>
      %dma_start3A_980 = arith.constant 0 : i32
      %dma_start3A_981 = tpu.memref_slice %arg5[%add3A_972, %dma_start3A_980] : memref<3328x128xi32, #tpu.memory_space<hbm>> -> memref<1x128xi32, #tpu.memory_space<hbm>>
      %dma_start3A_982 = tpu.memref_squeeze %dma_start3A_981 : memref<1x128xi32, #tpu.memory_space<hbm>> -> memref<128xi32, #tpu.memory_space<hbm>>
      %dma_start3A_983 = arith.constant 0 : i32
      %dma_start3A_984 = tpu.memref_slice %arg7[%dma_start3A_973, %dma_start3A_983] : memref<8x128xi32, #tpu.memory_space<vmem>> -> memref<1x128xi32, #tpu.memory_space<vmem>>
      %dma_start3A_985 = tpu.memref_squeeze %dma_start3A_984 : memref<1x128xi32, #tpu.memory_space<vmem>> -> memref<128xi32, #tpu.memory_space<vmem>>
      tpu.enqueue_dma source(%dma_start3A_985 : memref<128xi32, #tpu.memory_space<vmem>>) target(%dma_start3A_982 : memref<128xi32, #tpu.memory_space<hbm>>) target_semaphore(%arg12 : memref<!tpu.dma_semaphore, #tpu.memory_space<semaphore_mem>>)
      %mul3A_986 = arith.constant 8 : i32
      %mul3A_987 = arith.muli %select_n3A, %mul3A_986 : i32
      %add3A_988 = arith.constant 6 : i32
      %add3A_989 = arith.addi %mul3A_987, %add3A_988 : i32
      %mul3A_990 = arith.constant 128 : i32
      %mul3A_991 = arith.muli %add3A_989, %mul3A_990 : i32
      %add3A_992 = arith.addi %mul3A_991, %rem3A_158 : i32
      %dma_start3A_993 = arith.constant 6 : i32
      %dma_start3A_994 = arith.constant 0 : i32
      %dma_start3A_995 = tpu.memref_slice %arg7[%dma_start3A_993, %dma_start3A_994] : memref<8x128xi32, #tpu.memory_space<vmem>> -> memref<1x128xi32, #tpu.memory_space<vmem>>
      %dma_start3A_996 = tpu.memref_squeeze %dma_start3A_995 : memref<1x128xi32, #tpu.memory_space<vmem>> -> memref<128xi32, #tpu.memory_space<vmem>>
      %dma_start3A_997 = arith.constant 0 : i32
      %dma_start3A_998 = tpu.memref_slice %arg5[%add3A_992, %dma_start3A_997] : memref<3328x128xi32, #tpu.memory_space<hbm>> -> memref<1x128xi32, #tpu.memory_space<hbm>>
      %dma_start3A_999 = tpu.memref_squeeze %dma_start3A_998 : memref<1x128xi32, #tpu.memory_space<hbm>> -> memref<128xi32, #tpu.memory_space<hbm>>
      %dma_start3A_1000 = arith.constant 0 : i32
      %dma_start3A_1001 = tpu.memref_slice %arg5[%add3A_992, %dma_start3A_1000] : memref<3328x128xi32, #tpu.memory_space<hbm>> -> memref<1x128xi32, #tpu.memory_space<hbm>>
      %dma_start3A_1002 = tpu.memref_squeeze %dma_start3A_1001 : memref<1x128xi32, #tpu.memory_space<hbm>> -> memref<128xi32, #tpu.memory_space<hbm>>
      %dma_start3A_1003 = arith.constant 0 : i32
      %dma_start3A_1004 = tpu.memref_slice %arg7[%dma_start3A_993, %dma_start3A_1003] : memref<8x128xi32, #tpu.memory_space<vmem>> -> memref<1x128xi32, #tpu.memory_space<vmem>>
      %dma_start3A_1005 = tpu.memref_squeeze %dma_start3A_1004 : memref<1x128xi32, #tpu.memory_space<vmem>> -> memref<128xi32, #tpu.memory_space<vmem>>
      tpu.enqueue_dma source(%dma_start3A_1005 : memref<128xi32, #tpu.memory_space<vmem>>) target(%dma_start3A_1002 : memref<128xi32, #tpu.memory_space<hbm>>) target_semaphore(%arg12 : memref<!tpu.dma_semaphore, #tpu.memory_space<semaphore_mem>>)
      %mul3A_1006 = arith.constant 8 : i32
      %mul3A_1007 = arith.muli %select_n3A, %mul3A_1006 : i32
      %add3A_1008 = arith.constant 7 : i32
      %add3A_1009 = arith.addi %mul3A_1007, %add3A_1008 : i32
      %mul3A_1010 = arith.constant 128 : i32
      %mul3A_1011 = arith.muli %add3A_1009, %mul3A_1010 : i32
      %add3A_1012 = arith.addi %mul3A_1011, %rem3A_158 : i32
      %dma_start3A_1013 = arith.constant 7 : i32
      %dma_start3A_1014 = arith.constant 0 : i32
      %dma_start3A_1015 = tpu.memref_slice %arg7[%dma_start3A_1013, %dma_start3A_1014] : memref<8x128xi32, #tpu.memory_space<vmem>> -> memref<1x128xi32, #tpu.memory_space<vmem>>
      %dma_start3A_1016 = tpu.memref_squeeze %dma_start3A_1015 : memref<1x128xi32, #tpu.memory_space<vmem>> -> memref<128xi32, #tpu.memory_space<vmem>>
      %dma_start3A_1017 = arith.constant 0 : i32
      %dma_start3A_1018 = tpu.memref_slice %arg5[%add3A_1012, %dma_start3A_1017] : memref<3328x128xi32, #tpu.memory_space<hbm>> -> memref<1x128xi32, #tpu.memory_space<hbm>>
      %dma_start3A_1019 = tpu.memref_squeeze %dma_start3A_1018 : memref<1x128xi32, #tpu.memory_space<hbm>> -> memref<128xi32, #tpu.memory_space<hbm>>
      %dma_start3A_1020 = arith.constant 0 : i32
      %dma_start3A_1021 = tpu.memref_slice %arg5[%add3A_1012, %dma_start3A_1020] : memref<3328x128xi32, #tpu.memory_space<hbm>> -> memref<1x128xi32, #tpu.memory_space<hbm>>
      %dma_start3A_1022 = tpu.memref_squeeze %dma_start3A_1021 : memref<1x128xi32, #tpu.memory_space<hbm>> -> memref<128xi32, #tpu.memory_space<hbm>>
      %dma_start3A_1023 = arith.constant 0 : i32
      %dma_start3A_1024 = tpu.memref_slice %arg7[%dma_start3A_1013, %dma_start3A_1023] : memref<8x128xi32, #tpu.memory_space<vmem>> -> memref<1x128xi32, #tpu.memory_space<vmem>>
      %dma_start3A_1025 = tpu.memref_squeeze %dma_start3A_1024 : memref<1x128xi32, #tpu.memory_space<vmem>> -> memref<128xi32, #tpu.memory_space<vmem>>
      tpu.enqueue_dma source(%dma_start3A_1025 : memref<128xi32, #tpu.memory_space<vmem>>) target(%dma_start3A_1022 : memref<128xi32, #tpu.memory_space<hbm>>) target_semaphore(%arg12 : memref<!tpu.dma_semaphore, #tpu.memory_space<semaphore_mem>>)
      %dma_wait3A_1026 = arith.constant 0 : i32
      %dma_wait3A_1027 = arith.constant 0 : i32
      %dma_wait3A_1028 = tpu.memref_slice %arg7[%dma_wait3A_1026, %dma_wait3A_1027] : memref<8x128xi32, #tpu.memory_space<vmem>> -> memref<1x128xi32, #tpu.memory_space<vmem>>
      %dma_wait3A_1029 = tpu.memref_squeeze %dma_wait3A_1028 : memref<1x128xi32, #tpu.memory_space<vmem>> -> memref<128xi32, #tpu.memory_space<vmem>>
      %dma_wait3A_1030 = arith.constant 0 : i32
      %dma_wait3A_1031 = tpu.memref_slice %arg5[%add3A_872, %dma_wait3A_1030] : memref<3328x128xi32, #tpu.memory_space<hbm>> -> memref<1x128xi32, #tpu.memory_space<hbm>>
      %dma_wait3A_1032 = tpu.memref_squeeze %dma_wait3A_1031 : memref<1x128xi32, #tpu.memory_space<hbm>> -> memref<128xi32, #tpu.memory_space<hbm>>
      %dma_wait3A_1033 = arith.constant 0 : i32
      %dma_wait3A_1034 = tpu.memref_slice %arg5[%add3A_872, %dma_wait3A_1033] : memref<3328x128xi32, #tpu.memory_space<hbm>> -> memref<1x128xi32, #tpu.memory_space<hbm>>
      %dma_wait3A_1035 = tpu.memref_squeeze %dma_wait3A_1034 : memref<1x128xi32, #tpu.memory_space<hbm>> -> memref<128xi32, #tpu.memory_space<hbm>>
      %dma_wait3A_1036 = arith.constant 0 : i32
      %dma_wait3A_1037 = tpu.memref_slice %arg7[%dma_wait3A_1026, %dma_wait3A_1036] : memref<8x128xi32, #tpu.memory_space<vmem>> -> memref<1x128xi32, #tpu.memory_space<vmem>>
      %dma_wait3A_1038 = tpu.memref_squeeze %dma_wait3A_1037 : memref<1x128xi32, #tpu.memory_space<vmem>> -> memref<128xi32, #tpu.memory_space<vmem>>
      tpu.wait_dma2 semaphore(%arg12 : memref<!tpu.dma_semaphore, #tpu.memory_space<semaphore_mem>>) src(%dma_wait3A_1038 : memref<128xi32, #tpu.memory_space<vmem>>) dst(%dma_wait3A_1035 : memref<128xi32, #tpu.memory_space<hbm>>)
      %dma_wait3A_1039 = arith.constant 1 : i32
      %dma_wait3A_1040 = arith.constant 0 : i32
      %dma_wait3A_1041 = tpu.memref_slice %arg7[%dma_wait3A_1039, %dma_wait3A_1040] : memref<8x128xi32, #tpu.memory_space<vmem>> -> memref<1x128xi32, #tpu.memory_space<vmem>>
      %dma_wait3A_1042 = tpu.memref_squeeze %dma_wait3A_1041 : memref<1x128xi32, #tpu.memory_space<vmem>> -> memref<128xi32, #tpu.memory_space<vmem>>
      %dma_wait3A_1043 = arith.constant 0 : i32
      %dma_wait3A_1044 = tpu.memref_slice %arg5[%add3A_892, %dma_wait3A_1043] : memref<3328x128xi32, #tpu.memory_space<hbm>> -> memref<1x128xi32, #tpu.memory_space<hbm>>
      %dma_wait3A_1045 = tpu.memref_squeeze %dma_wait3A_1044 : memref<1x128xi32, #tpu.memory_space<hbm>> -> memref<128xi32, #tpu.memory_space<hbm>>
      %dma_wait3A_1046 = arith.constant 0 : i32
      %dma_wait3A_1047 = tpu.memref_slice %arg5[%add3A_892, %dma_wait3A_1046] : memref<3328x128xi32, #tpu.memory_space<hbm>> -> memref<1x128xi32, #tpu.memory_space<hbm>>
      %dma_wait3A_1048 = tpu.memref_squeeze %dma_wait3A_1047 : memref<1x128xi32, #tpu.memory_space<hbm>> -> memref<128xi32, #tpu.memory_space<hbm>>
      %dma_wait3A_1049 = arith.constant 0 : i32
      %dma_wait3A_1050 = tpu.memref_slice %arg7[%dma_wait3A_1039, %dma_wait3A_1049] : memref<8x128xi32, #tpu.memory_space<vmem>> -> memref<1x128xi32, #tpu.memory_space<vmem>>
      %dma_wait3A_1051 = tpu.memref_squeeze %dma_wait3A_1050 : memref<1x128xi32, #tpu.memory_space<vmem>> -> memref<128xi32, #tpu.memory_space<vmem>>
      tpu.wait_dma2 semaphore(%arg12 : memref<!tpu.dma_semaphore, #tpu.memory_space<semaphore_mem>>) src(%dma_wait3A_1051 : memref<128xi32, #tpu.memory_space<vmem>>) dst(%dma_wait3A_1048 : memref<128xi32, #tpu.memory_space<hbm>>)
      %dma_wait3A_1052 = arith.constant 2 : i32
      %dma_wait3A_1053 = arith.constant 0 : i32
      %dma_wait3A_1054 = tpu.memref_slice %arg7[%dma_wait3A_1052, %dma_wait3A_1053] : memref<8x128xi32, #tpu.memory_space<vmem>> -> memref<1x128xi32, #tpu.memory_space<vmem>>
      %dma_wait3A_1055 = tpu.memref_squeeze %dma_wait3A_1054 : memref<1x128xi32, #tpu.memory_space<vmem>> -> memref<128xi32, #tpu.memory_space<vmem>>
      %dma_wait3A_1056 = arith.constant 0 : i32
      %dma_wait3A_1057 = tpu.memref_slice %arg5[%add3A_912, %dma_wait3A_1056] : memref<3328x128xi32, #tpu.memory_space<hbm>> -> memref<1x128xi32, #tpu.memory_space<hbm>>
      %dma_wait3A_1058 = tpu.memref_squeeze %dma_wait3A_1057 : memref<1x128xi32, #tpu.memory_space<hbm>> -> memref<128xi32, #tpu.memory_space<hbm>>
      %dma_wait3A_1059 = arith.constant 0 : i32
      %dma_wait3A_1060 = tpu.memref_slice %arg5[%add3A_912, %dma_wait3A_1059] : memref<3328x128xi32, #tpu.memory_space<hbm>> -> memref<1x128xi32, #tpu.memory_space<hbm>>
      %dma_wait3A_1061 = tpu.memref_squeeze %dma_wait3A_1060 : memref<1x128xi32, #tpu.memory_space<hbm>> -> memref<128xi32, #tpu.memory_space<hbm>>
      %dma_wait3A_1062 = arith.constant 0 : i32
      %dma_wait3A_1063 = tpu.memref_slice %arg7[%dma_wait3A_1052, %dma_wait3A_1062] : memref<8x128xi32, #tpu.memory_space<vmem>> -> memref<1x128xi32, #tpu.memory_space<vmem>>
      %dma_wait3A_1064 = tpu.memref_squeeze %dma_wait3A_1063 : memref<1x128xi32, #tpu.memory_space<vmem>> -> memref<128xi32, #tpu.memory_space<vmem>>
      tpu.wait_dma2 semaphore(%arg12 : memref<!tpu.dma_semaphore, #tpu.memory_space<semaphore_mem>>) src(%dma_wait3A_1064 : memref<128xi32, #tpu.memory_space<vmem>>) dst(%dma_wait3A_1061 : memref<128xi32, #tpu.memory_space<hbm>>)
      %dma_wait3A_1065 = arith.constant 3 : i32
      %dma_wait3A_1066 = arith.constant 0 : i32
      %dma_wait3A_1067 = tpu.memref_slice %arg7[%dma_wait3A_1065, %dma_wait3A_1066] : memref<8x128xi32, #tpu.memory_space<vmem>> -> memref<1x128xi32, #tpu.memory_space<vmem>>
      %dma_wait3A_1068 = tpu.memref_squeeze %dma_wait3A_1067 : memref<1x128xi32, #tpu.memory_space<vmem>> -> memref<128xi32, #tpu.memory_space<vmem>>
      %dma_wait3A_1069 = arith.constant 0 : i32
      %dma_wait3A_1070 = tpu.memref_slice %arg5[%add3A_932, %dma_wait3A_1069] : memref<3328x128xi32, #tpu.memory_space<hbm>> -> memref<1x128xi32, #tpu.memory_space<hbm>>
      %dma_wait3A_1071 = tpu.memref_squeeze %dma_wait3A_1070 : memref<1x128xi32, #tpu.memory_space<hbm>> -> memref<128xi32, #tpu.memory_space<hbm>>
      %dma_wait3A_1072 = arith.constant 0 : i32
      %dma_wait3A_1073 = tpu.memref_slice %arg5[%add3A_932, %dma_wait3A_1072] : memref<3328x128xi32, #tpu.memory_space<hbm>> -> memref<1x128xi32, #tpu.memory_space<hbm>>
      %dma_wait3A_1074 = tpu.memref_squeeze %dma_wait3A_1073 : memref<1x128xi32, #tpu.memory_space<hbm>> -> memref<128xi32, #tpu.memory_space<hbm>>
      %dma_wait3A_1075 = arith.constant 0 : i32
      %dma_wait3A_1076 = tpu.memref_slice %arg7[%dma_wait3A_1065, %dma_wait3A_1075] : memref<8x128xi32, #tpu.memory_space<vmem>> -> memref<1x128xi32, #tpu.memory_space<vmem>>
      %dma_wait3A_1077 = tpu.memref_squeeze %dma_wait3A_1076 : memref<1x128xi32, #tpu.memory_space<vmem>> -> memref<128xi32, #tpu.memory_space<vmem>>
      tpu.wait_dma2 semaphore(%arg12 : memref<!tpu.dma_semaphore, #tpu.memory_space<semaphore_mem>>) src(%dma_wait3A_1077 : memref<128xi32, #tpu.memory_space<vmem>>) dst(%dma_wait3A_1074 : memref<128xi32, #tpu.memory_space<hbm>>)
      %dma_wait3A_1078 = arith.constant 4 : i32
      %dma_wait3A_1079 = arith.constant 0 : i32
      %dma_wait3A_1080 = tpu.memref_slice %arg7[%dma_wait3A_1078, %dma_wait3A_1079] : memref<8x128xi32, #tpu.memory_space<vmem>> -> memref<1x128xi32, #tpu.memory_space<vmem>>
      %dma_wait3A_1081 = tpu.memref_squeeze %dma_wait3A_1080 : memref<1x128xi32, #tpu.memory_space<vmem>> -> memref<128xi32, #tpu.memory_space<vmem>>
      %dma_wait3A_1082 = arith.constant 0 : i32
      %dma_wait3A_1083 = tpu.memref_slice %arg5[%add3A_952, %dma_wait3A_1082] : memref<3328x128xi32, #tpu.memory_space<hbm>> -> memref<1x128xi32, #tpu.memory_space<hbm>>
      %dma_wait3A_1084 = tpu.memref_squeeze %dma_wait3A_1083 : memref<1x128xi32, #tpu.memory_space<hbm>> -> memref<128xi32, #tpu.memory_space<hbm>>
      %dma_wait3A_1085 = arith.constant 0 : i32
      %dma_wait3A_1086 = tpu.memref_slice %arg5[%add3A_952, %dma_wait3A_1085] : memref<3328x128xi32, #tpu.memory_space<hbm>> -> memref<1x128xi32, #tpu.memory_space<hbm>>
      %dma_wait3A_1087 = tpu.memref_squeeze %dma_wait3A_1086 : memref<1x128xi32, #tpu.memory_space<hbm>> -> memref<128xi32, #tpu.memory_space<hbm>>
      %dma_wait3A_1088 = arith.constant 0 : i32
      %dma_wait3A_1089 = tpu.memref_slice %arg7[%dma_wait3A_1078, %dma_wait3A_1088] : memref<8x128xi32, #tpu.memory_space<vmem>> -> memref<1x128xi32, #tpu.memory_space<vmem>>
      %dma_wait3A_1090 = tpu.memref_squeeze %dma_wait3A_1089 : memref<1x128xi32, #tpu.memory_space<vmem>> -> memref<128xi32, #tpu.memory_space<vmem>>
      tpu.wait_dma2 semaphore(%arg12 : memref<!tpu.dma_semaphore, #tpu.memory_space<semaphore_mem>>) src(%dma_wait3A_1090 : memref<128xi32, #tpu.memory_space<vmem>>) dst(%dma_wait3A_1087 : memref<128xi32, #tpu.memory_space<hbm>>)
      %dma_wait3A_1091 = arith.constant 5 : i32
      %dma_wait3A_1092 = arith.constant 0 : i32
      %dma_wait3A_1093 = tpu.memref_slice %arg7[%dma_wait3A_1091, %dma_wait3A_1092] : memref<8x128xi32, #tpu.memory_space<vmem>> -> memref<1x128xi32, #tpu.memory_space<vmem>>
      %dma_wait3A_1094 = tpu.memref_squeeze %dma_wait3A_1093 : memref<1x128xi32, #tpu.memory_space<vmem>> -> memref<128xi32, #tpu.memory_space<vmem>>
      %dma_wait3A_1095 = arith.constant 0 : i32
      %dma_wait3A_1096 = tpu.memref_slice %arg5[%add3A_972, %dma_wait3A_1095] : memref<3328x128xi32, #tpu.memory_space<hbm>> -> memref<1x128xi32, #tpu.memory_space<hbm>>
      %dma_wait3A_1097 = tpu.memref_squeeze %dma_wait3A_1096 : memref<1x128xi32, #tpu.memory_space<hbm>> -> memref<128xi32, #tpu.memory_space<hbm>>
      %dma_wait3A_1098 = arith.constant 0 : i32
      %dma_wait3A_1099 = tpu.memref_slice %arg5[%add3A_972, %dma_wait3A_1098] : memref<3328x128xi32, #tpu.memory_space<hbm>> -> memref<1x128xi32, #tpu.memory_space<hbm>>
      %dma_wait3A_1100 = tpu.memref_squeeze %dma_wait3A_1099 : memref<1x128xi32, #tpu.memory_space<hbm>> -> memref<128xi32, #tpu.memory_space<hbm>>
      %dma_wait3A_1101 = arith.constant 0 : i32
      %dma_wait3A_1102 = tpu.memref_slice %arg7[%dma_wait3A_1091, %dma_wait3A_1101] : memref<8x128xi32, #tpu.memory_space<vmem>> -> memref<1x128xi32, #tpu.memory_space<vmem>>
      %dma_wait3A_1103 = tpu.memref_squeeze %dma_wait3A_1102 : memref<1x128xi32, #tpu.memory_space<vmem>> -> memref<128xi32, #tpu.memory_space<vmem>>
      tpu.wait_dma2 semaphore(%arg12 : memref<!tpu.dma_semaphore, #tpu.memory_space<semaphore_mem>>) src(%dma_wait3A_1103 : memref<128xi32, #tpu.memory_space<vmem>>) dst(%dma_wait3A_1100 : memref<128xi32, #tpu.memory_space<hbm>>)
      %dma_wait3A_1104 = arith.constant 6 : i32
      %dma_wait3A_1105 = arith.constant 0 : i32
      %dma_wait3A_1106 = tpu.memref_slice %arg7[%dma_wait3A_1104, %dma_wait3A_1105] : memref<8x128xi32, #tpu.memory_space<vmem>> -> memref<1x128xi32, #tpu.memory_space<vmem>>
      %dma_wait3A_1107 = tpu.memref_squeeze %dma_wait3A_1106 : memref<1x128xi32, #tpu.memory_space<vmem>> -> memref<128xi32, #tpu.memory_space<vmem>>
      %dma_wait3A_1108 = arith.constant 0 : i32
      %dma_wait3A_1109 = tpu.memref_slice %arg5[%add3A_992, %dma_wait3A_1108] : memref<3328x128xi32, #tpu.memory_space<hbm>> -> memref<1x128xi32, #tpu.memory_space<hbm>>
      %dma_wait3A_1110 = tpu.memref_squeeze %dma_wait3A_1109 : memref<1x128xi32, #tpu.memory_space<hbm>> -> memref<128xi32, #tpu.memory_space<hbm>>
      %dma_wait3A_1111 = arith.constant 0 : i32
      %dma_wait3A_1112 = tpu.memref_slice %arg5[%add3A_992, %dma_wait3A_1111] : memref<3328x128xi32, #tpu.memory_space<hbm>> -> memref<1x128xi32, #tpu.memory_space<hbm>>
      %dma_wait3A_1113 = tpu.memref_squeeze %dma_wait3A_1112 : memref<1x128xi32, #tpu.memory_space<hbm>> -> memref<128xi32, #tpu.memory_space<hbm>>
      %dma_wait3A_1114 = arith.constant 0 : i32
      %dma_wait3A_1115 = tpu.memref_slice %arg7[%dma_wait3A_1104, %dma_wait3A_1114] : memref<8x128xi32, #tpu.memory_space<vmem>> -> memref<1x128xi32, #tpu.memory_space<vmem>>
      %dma_wait3A_1116 = tpu.memref_squeeze %dma_wait3A_1115 : memref<1x128xi32, #tpu.memory_space<vmem>> -> memref<128xi32, #tpu.memory_space<vmem>>
      tpu.wait_dma2 semaphore(%arg12 : memref<!tpu.dma_semaphore, #tpu.memory_space<semaphore_mem>>) src(%dma_wait3A_1116 : memref<128xi32, #tpu.memory_space<vmem>>) dst(%dma_wait3A_1113 : memref<128xi32, #tpu.memory_space<hbm>>)
      %dma_wait3A_1117 = arith.constant 7 : i32
      %dma_wait3A_1118 = arith.constant 0 : i32
      %dma_wait3A_1119 = tpu.memref_slice %arg7[%dma_wait3A_1117, %dma_wait3A_1118] : memref<8x128xi32, #tpu.memory_space<vmem>> -> memref<1x128xi32, #tpu.memory_space<vmem>>
      %dma_wait3A_1120 = tpu.memref_squeeze %dma_wait3A_1119 : memref<1x128xi32, #tpu.memory_space<vmem>> -> memref<128xi32, #tpu.memory_space<vmem>>
      %dma_wait3A_1121 = arith.constant 0 : i32
      %dma_wait3A_1122 = tpu.memref_slice %arg5[%add3A_1012, %dma_wait3A_1121] : memref<3328x128xi32, #tpu.memory_space<hbm>> -> memref<1x128xi32, #tpu.memory_space<hbm>>
      %dma_wait3A_1123 = tpu.memref_squeeze %dma_wait3A_1122 : memref<1x128xi32, #tpu.memory_space<hbm>> -> memref<128xi32, #tpu.memory_space<hbm>>
      %dma_wait3A_1124 = arith.constant 0 : i32
      %dma_wait3A_1125 = tpu.memref_slice %arg5[%add3A_1012, %dma_wait3A_1124] : memref<3328x128xi32, #tpu.memory_space<hbm>> -> memref<1x128xi32, #tpu.memory_space<hbm>>
      %dma_wait3A_1126 = tpu.memref_squeeze %dma_wait3A_1125 : memref<1x128xi32, #tpu.memory_space<hbm>> -> memref<128xi32, #tpu.memory_space<hbm>>
      %dma_wait3A_1127 = arith.constant 0 : i32
      %dma_wait3A_1128 = tpu.memref_slice %arg7[%dma_wait3A_1117, %dma_wait3A_1127] : memref<8x128xi32, #tpu.memory_space<vmem>> -> memref<1x128xi32, #tpu.memory_space<vmem>>
      %dma_wait3A_1129 = tpu.memref_squeeze %dma_wait3A_1128 : memref<1x128xi32, #tpu.memory_space<vmem>> -> memref<128xi32, #tpu.memory_space<vmem>>
      tpu.wait_dma2 semaphore(%arg12 : memref<!tpu.dma_semaphore, #tpu.memory_space<semaphore_mem>>) src(%dma_wait3A_1129 : memref<128xi32, #tpu.memory_space<vmem>>) dst(%dma_wait3A_1126 : memref<128xi32, #tpu.memory_space<hbm>>)
    }
    %scan3A_5 = arith.constant 12 : i32
    %scan3A_6 = arith.constant 0 : i32
    %scan3A_7 = arith.constant 0 : i32
    %scan3A_8 = arith.constant 4 : i32
    %scan3A_9 = arith.addi %scan3A_7, %scan3A_8 : i32
    %scan3A_10 = arith.constant 1 : i32
    scf.for %scan3A_154 = %scan3A_7 to %scan3A_9 step %scan3A_10  : i32 {
      %mul3A_155 = arith.constant 4 : i32
      %mul3A_156 = arith.muli %add3A, %mul3A_155 : i32
      %add3A_157 = arith.addi %mul3A_156, %scan3A_154 : i32
      %mul3A_158 = arith.constant 128 : i32
      %mul3A_159 = arith.muli %add3A_157, %mul3A_158 : i32
      "tpu.region"() ({
        %run_scoped3A = tpu.sem_alloc : memref<!tpu.dma_semaphore, #tpu.memory_space<semaphore_mem>>
        %dma_start3A_390 = arith.constant 0 : i32
        %dma_start3A_391 = arith.constant 0 : i32
        %dma_start3A_392 = tpu.memref_slice %arg7[%dma_start3A_390, %dma_start3A_391] : memref<8x128xi32, #tpu.memory_space<vmem>> -> memref<2x128xi32, #tpu.memory_space<vmem>>
        %dma_start3A_393 = arith.constant 24 : i32
        %dma_start3A_394 = tpu.memref_slice %arg2[%dma_start3A_393, %mul3A_159] : memref<26x16384xi32, #tpu.memory_space<hbm>> -> memref<2x128xi32, #tpu.memory_space<hbm>>
        %dma_start3A_395 = arith.constant 0 : i32
        %dma_start3A_396 = arith.constant 0 : i32
        %dma_start3A_397 = tpu.memref_slice %arg7[%dma_start3A_395, %dma_start3A_396] : memref<8x128xi32, #tpu.memory_space<vmem>> -> memref<2x128xi32, #tpu.memory_space<vmem>>
        %dma_start3A_398 = arith.constant 24 : i32
        %dma_start3A_399 = tpu.memref_slice %arg2[%dma_start3A_398, %mul3A_159] : memref<26x16384xi32, #tpu.memory_space<hbm>> -> memref<2x128xi32, #tpu.memory_space<hbm>>
        tpu.enqueue_dma source(%dma_start3A_399 : memref<2x128xi32, #tpu.memory_space<hbm>>) target(%dma_start3A_397 : memref<2x128xi32, #tpu.memory_space<vmem>>) target_semaphore(%run_scoped3A : memref<!tpu.dma_semaphore, #tpu.memory_space<semaphore_mem>>)
        %dma_wait3A_400 = arith.constant 0 : i32
        %dma_wait3A_401 = arith.constant 0 : i32
        %dma_wait3A_402 = tpu.memref_slice %arg7[%dma_wait3A_400, %dma_wait3A_401] : memref<8x128xi32, #tpu.memory_space<vmem>> -> memref<2x128xi32, #tpu.memory_space<vmem>>
        %dma_wait3A_403 = arith.constant 24 : i32
        %dma_wait3A_404 = tpu.memref_slice %arg2[%dma_wait3A_403, %mul3A_159] : memref<26x16384xi32, #tpu.memory_space<hbm>> -> memref<2x128xi32, #tpu.memory_space<hbm>>
        %dma_wait3A_405 = arith.constant 0 : i32
        %dma_wait3A_406 = arith.constant 0 : i32
        %dma_wait3A_407 = tpu.memref_slice %arg7[%dma_wait3A_405, %dma_wait3A_406] : memref<8x128xi32, #tpu.memory_space<vmem>> -> memref<2x128xi32, #tpu.memory_space<vmem>>
        %dma_wait3A_408 = arith.constant 24 : i32
        %dma_wait3A_409 = tpu.memref_slice %arg2[%dma_wait3A_408, %mul3A_159] : memref<26x16384xi32, #tpu.memory_space<hbm>> -> memref<2x128xi32, #tpu.memory_space<hbm>>
        tpu.wait_dma2 semaphore(%run_scoped3A : memref<!tpu.dma_semaphore, #tpu.memory_space<semaphore_mem>>) src(%dma_wait3A_409 : memref<2x128xi32, #tpu.memory_space<hbm>>) dst(%dma_wait3A_407 : memref<2x128xi32, #tpu.memory_space<vmem>>)
        tpu.yield
      }) : () -> ()
      %get3A = arith.constant 0 : i32
      %get3A_160 = arith.index_cast %get3A : i32 to index
      %get3A_161 = arith.constant 0 : index
      %get3A_162 = tpu.vector_load %arg7[%get3A_160, %get3A_161] {strides = array<i32>} : memref<8x128xi32, #tpu.memory_space<vmem>>, vector<16xi32>,
      %add3A_163 = arith.constant 2400000 : i32
      %add3A_164 = vector.broadcast %add3A_163 : i32 to vector<16xi32>
      %add3A_165 = arith.addi %get3A_162, %add3A_164 : vector<16xi32>
      %swap3A = arith.constant 0 : i32
      %swap3A_166 = arith.index_cast %swap3A : i32 to index
      %swap3A_167 = arith.constant 0 : index
      %swap3A_168 = tpu.vector_load %arg7[%swap3A_166, %swap3A_167] {strides = array<i32>} : memref<8x128xi32, #tpu.memory_space<vmem>>, vector<16xi32>,
      tpu.vector_store %arg7[%swap3A_166, %swap3A_167], %add3A_165 {strides = array<i32>} : memref<8x128xi32, #tpu.memory_space<vmem>>, vector<16xi32>,
      %get3A_169 = arith.constant 0 : i32
      %get3A_170 = arith.index_cast %get3A_169 : i32 to index
      %get3A_171 = arith.constant 16 : index
      %get3A_172 = tpu.vector_load %arg7[%get3A_170, %get3A_171] {strides = array<i32>} : memref<8x128xi32, #tpu.memory_space<vmem>>, vector<16xi32>,
      %add3A_173 = arith.constant 2400000 : i32
      %add3A_174 = vector.broadcast %add3A_173 : i32 to vector<16xi32>
      %add3A_175 = arith.addi %get3A_172, %add3A_174 : vector<16xi32>
      %swap3A_176 = arith.constant 0 : i32
      %swap3A_177 = arith.index_cast %swap3A_176 : i32 to index
      %swap3A_178 = arith.constant 16 : index
      %swap3A_179 = tpu.vector_load %arg7[%swap3A_177, %swap3A_178] {strides = array<i32>} : memref<8x128xi32, #tpu.memory_space<vmem>>, vector<16xi32>,
      tpu.vector_store %arg7[%swap3A_177, %swap3A_178], %add3A_175 {strides = array<i32>} : memref<8x128xi32, #tpu.memory_space<vmem>>, vector<16xi32>,
      %get3A_180 = arith.constant 0 : i32
      %get3A_181 = arith.index_cast %get3A_180 : i32 to index
      %get3A_182 = arith.constant 32 : index
      %get3A_183 = tpu.vector_load %arg7[%get3A_181, %get3A_182] {strides = array<i32>} : memref<8x128xi32, #tpu.memory_space<vmem>>, vector<16xi32>,
      %add3A_184 = arith.constant 2400000 : i32
      %add3A_185 = vector.broadcast %add3A_184 : i32 to vector<16xi32>
      %add3A_186 = arith.addi %get3A_183, %add3A_185 : vector<16xi32>
      %swap3A_187 = arith.constant 0 : i32
      %swap3A_188 = arith.index_cast %swap3A_187 : i32 to index
      %swap3A_189 = arith.constant 32 : index
      %swap3A_190 = tpu.vector_load %arg7[%swap3A_188, %swap3A_189] {strides = array<i32>} : memref<8x128xi32, #tpu.memory_space<vmem>>, vector<16xi32>,
      tpu.vector_store %arg7[%swap3A_188, %swap3A_189], %add3A_186 {strides = array<i32>} : memref<8x128xi32, #tpu.memory_space<vmem>>, vector<16xi32>,
      %get3A_191 = arith.constant 0 : i32
      %get3A_192 = arith.index_cast %get3A_191 : i32 to index
      %get3A_193 = arith.constant 48 : index
      %get3A_194 = tpu.vector_load %arg7[%get3A_192, %get3A_193] {strides = array<i32>} : memref<8x128xi32, #tpu.memory_space<vmem>>, vector<16xi32>,
      %add3A_195 = arith.constant 2400000 : i32
      %add3A_196 = vector.broadcast %add3A_195 : i32 to vector<16xi32>
      %add3A_197 = arith.addi %get3A_194, %add3A_196 : vector<16xi32>
      %swap3A_198 = arith.constant 0 : i32
      %swap3A_199 = arith.index_cast %swap3A_198 : i32 to index
      %swap3A_200 = arith.constant 48 : index
      %swap3A_201 = tpu.vector_load %arg7[%swap3A_199, %swap3A_200] {strides = array<i32>} : memref<8x128xi32, #tpu.memory_space<vmem>>, vector<16xi32>,
      tpu.vector_store %arg7[%swap3A_199, %swap3A_200], %add3A_197 {strides = array<i32>} : memref<8x128xi32, #tpu.memory_space<vmem>>, vector<16xi32>,
      %get3A_202 = arith.constant 0 : i32
      %get3A_203 = arith.index_cast %get3A_202 : i32 to index
      %get3A_204 = arith.constant 64 : index
      %get3A_205 = tpu.vector_load %arg7[%get3A_203, %get3A_204] {strides = array<i32>} : memref<8x128xi32, #tpu.memory_space<vmem>>, vector<16xi32>,
      %add3A_206 = arith.constant 2400000 : i32
      %add3A_207 = vector.broadcast %add3A_206 : i32 to vector<16xi32>
      %add3A_208 = arith.addi %get3A_205, %add3A_207 : vector<16xi32>
      %swap3A_209 = arith.constant 0 : i32
      %swap3A_210 = arith.index_cast %swap3A_209 : i32 to index
      %swap3A_211 = arith.constant 64 : index
      %swap3A_212 = tpu.vector_load %arg7[%swap3A_210, %swap3A_211] {strides = array<i32>} : memref<8x128xi32, #tpu.memory_space<vmem>>, vector<16xi32>,
      tpu.vector_store %arg7[%swap3A_210, %swap3A_211], %add3A_208 {strides = array<i32>} : memref<8x128xi32, #tpu.memory_space<vmem>>, vector<16xi32>,
      %get3A_213 = arith.constant 0 : i32
      %get3A_214 = arith.index_cast %get3A_213 : i32 to index
      %get3A_215 = arith.constant 80 : index
      %get3A_216 = tpu.vector_load %arg7[%get3A_214, %get3A_215] {strides = array<i32>} : memref<8x128xi32, #tpu.memory_space<vmem>>, vector<16xi32>,
      %add3A_217 = arith.constant 2400000 : i32
      %add3A_218 = vector.broadcast %add3A_217 : i32 to vector<16xi32>
      %add3A_219 = arith.addi %get3A_216, %add3A_218 : vector<16xi32>
      %swap3A_220 = arith.constant 0 : i32
      %swap3A_221 = arith.index_cast %swap3A_220 : i32 to index
      %swap3A_222 = arith.constant 80 : index
      %swap3A_223 = tpu.vector_load %arg7[%swap3A_221, %swap3A_222] {strides = array<i32>} : memref<8x128xi32, #tpu.memory_space<vmem>>, vector<16xi32>,
      tpu.vector_store %arg7[%swap3A_221, %swap3A_222], %add3A_219 {strides = array<i32>} : memref<8x128xi32, #tpu.memory_space<vmem>>, vector<16xi32>,
      %get3A_224 = arith.constant 0 : i32
      %get3A_225 = arith.index_cast %get3A_224 : i32 to index
      %get3A_226 = arith.constant 96 : index
      %get3A_227 = tpu.vector_load %arg7[%get3A_225, %get3A_226] {strides = array<i32>} : memref<8x128xi32, #tpu.memory_space<vmem>>, vector<16xi32>,
      %add3A_228 = arith.constant 2400000 : i32
      %add3A_229 = vector.broadcast %add3A_228 : i32 to vector<16xi32>
      %add3A_230 = arith.addi %get3A_227, %add3A_229 : vector<16xi32>
      %swap3A_231 = arith.constant 0 : i32
      %swap3A_232 = arith.index_cast %swap3A_231 : i32 to index
      %swap3A_233 = arith.constant 96 : index
      %swap3A_234 = tpu.vector_load %arg7[%swap3A_232, %swap3A_233] {strides = array<i32>} : memref<8x128xi32, #tpu.memory_space<vmem>>, vector<16xi32>,
      tpu.vector_store %arg7[%swap3A_232, %swap3A_233], %add3A_230 {strides = array<i32>} : memref<8x128xi32, #tpu.memory_space<vmem>>, vector<16xi32>,
      %get3A_235 = arith.constant 0 : i32
      %get3A_236 = arith.index_cast %get3A_235 : i32 to index
      %get3A_237 = arith.constant 112 : index
      %get3A_238 = tpu.vector_load %arg7[%get3A_236, %get3A_237] {strides = array<i32>} : memref<8x128xi32, #tpu.memory_space<vmem>>, vector<16xi32>,
      %add3A_239 = arith.constant 2400000 : i32
      %add3A_240 = vector.broadcast %add3A_239 : i32 to vector<16xi32>
      %add3A_241 = arith.addi %get3A_238, %add3A_240 : vector<16xi32>
      %swap3A_242 = arith.constant 0 : i32
      %swap3A_243 = arith.index_cast %swap3A_242 : i32 to index
      %swap3A_244 = arith.constant 112 : index
      %swap3A_245 = tpu.vector_load %arg7[%swap3A_243, %swap3A_244] {strides = array<i32>} : memref<8x128xi32, #tpu.memory_space<vmem>>, vector<16xi32>,
      tpu.vector_store %arg7[%swap3A_243, %swap3A_244], %add3A_241 {strides = array<i32>} : memref<8x128xi32, #tpu.memory_space<vmem>>, vector<16xi32>,
      %get3A_246 = arith.constant 1 : i32
      %get3A_247 = arith.index_cast %get3A_246 : i32 to index
      %get3A_248 = arith.constant 0 : index
      %get3A_249 = tpu.vector_load %arg7[%get3A_247, %get3A_248] {strides = array<i32>} : memref<8x128xi32, #tpu.memory_space<vmem>>, vector<16xi32>,
      %add3A_250 = arith.constant 2500000 : i32
      %add3A_251 = vector.broadcast %add3A_250 : i32 to vector<16xi32>
      %add3A_252 = arith.addi %get3A_249, %add3A_251 : vector<16xi32>
      %swap3A_253 = arith.constant 1 : i32
      %swap3A_254 = arith.index_cast %swap3A_253 : i32 to index
      %swap3A_255 = arith.constant 0 : index
      %swap3A_256 = tpu.vector_load %arg7[%swap3A_254, %swap3A_255] {strides = array<i32>} : memref<8x128xi32, #tpu.memory_space<vmem>>, vector<16xi32>,
      tpu.vector_store %arg7[%swap3A_254, %swap3A_255], %add3A_252 {strides = array<i32>} : memref<8x128xi32, #tpu.memory_space<vmem>>, vector<16xi32>,
      %get3A_257 = arith.constant 1 : i32
      %get3A_258 = arith.index_cast %get3A_257 : i32 to index
      %get3A_259 = arith.constant 16 : index
      %get3A_260 = tpu.vector_load %arg7[%get3A_258, %get3A_259] {strides = array<i32>} : memref<8x128xi32, #tpu.memory_space<vmem>>, vector<16xi32>,
      %add3A_261 = arith.constant 2500000 : i32
      %add3A_262 = vector.broadcast %add3A_261 : i32 to vector<16xi32>
      %add3A_263 = arith.addi %get3A_260, %add3A_262 : vector<16xi32>
      %swap3A_264 = arith.constant 1 : i32
      %swap3A_265 = arith.index_cast %swap3A_264 : i32 to index
      %swap3A_266 = arith.constant 16 : index
      %swap3A_267 = tpu.vector_load %arg7[%swap3A_265, %swap3A_266] {strides = array<i32>} : memref<8x128xi32, #tpu.memory_space<vmem>>, vector<16xi32>,
      tpu.vector_store %arg7[%swap3A_265, %swap3A_266], %add3A_263 {strides = array<i32>} : memref<8x128xi32, #tpu.memory_space<vmem>>, vector<16xi32>,
      %get3A_268 = arith.constant 1 : i32
      %get3A_269 = arith.index_cast %get3A_268 : i32 to index
      %get3A_270 = arith.constant 32 : index
      %get3A_271 = tpu.vector_load %arg7[%get3A_269, %get3A_270] {strides = array<i32>} : memref<8x128xi32, #tpu.memory_space<vmem>>, vector<16xi32>,
      %add3A_272 = arith.constant 2500000 : i32
      %add3A_273 = vector.broadcast %add3A_272 : i32 to vector<16xi32>
      %add3A_274 = arith.addi %get3A_271, %add3A_273 : vector<16xi32>
      %swap3A_275 = arith.constant 1 : i32
      %swap3A_276 = arith.index_cast %swap3A_275 : i32 to index
      %swap3A_277 = arith.constant 32 : index
      %swap3A_278 = tpu.vector_load %arg7[%swap3A_276, %swap3A_277] {strides = array<i32>} : memref<8x128xi32, #tpu.memory_space<vmem>>, vector<16xi32>,
      tpu.vector_store %arg7[%swap3A_276, %swap3A_277], %add3A_274 {strides = array<i32>} : memref<8x128xi32, #tpu.memory_space<vmem>>, vector<16xi32>,
      %get3A_279 = arith.constant 1 : i32
      %get3A_280 = arith.index_cast %get3A_279 : i32 to index
      %get3A_281 = arith.constant 48 : index
      %get3A_282 = tpu.vector_load %arg7[%get3A_280, %get3A_281] {strides = array<i32>} : memref<8x128xi32, #tpu.memory_space<vmem>>, vector<16xi32>,
      %add3A_283 = arith.constant 2500000 : i32
      %add3A_284 = vector.broadcast %add3A_283 : i32 to vector<16xi32>
      %add3A_285 = arith.addi %get3A_282, %add3A_284 : vector<16xi32>
      %swap3A_286 = arith.constant 1 : i32
      %swap3A_287 = arith.index_cast %swap3A_286 : i32 to index
      %swap3A_288 = arith.constant 48 : index
      %swap3A_289 = tpu.vector_load %arg7[%swap3A_287, %swap3A_288] {strides = array<i32>} : memref<8x128xi32, #tpu.memory_space<vmem>>, vector<16xi32>,
      tpu.vector_store %arg7[%swap3A_287, %swap3A_288], %add3A_285 {strides = array<i32>} : memref<8x128xi32, #tpu.memory_space<vmem>>, vector<16xi32>,
      %get3A_290 = arith.constant 1 : i32
      %get3A_291 = arith.index_cast %get3A_290 : i32 to index
      %get3A_292 = arith.constant 64 : index
      %get3A_293 = tpu.vector_load %arg7[%get3A_291, %get3A_292] {strides = array<i32>} : memref<8x128xi32, #tpu.memory_space<vmem>>, vector<16xi32>,
      %add3A_294 = arith.constant 2500000 : i32
      %add3A_295 = vector.broadcast %add3A_294 : i32 to vector<16xi32>
      %add3A_296 = arith.addi %get3A_293, %add3A_295 : vector<16xi32>
      %swap3A_297 = arith.constant 1 : i32
      %swap3A_298 = arith.index_cast %swap3A_297 : i32 to index
      %swap3A_299 = arith.constant 64 : index
      %swap3A_300 = tpu.vector_load %arg7[%swap3A_298, %swap3A_299] {strides = array<i32>} : memref<8x128xi32, #tpu.memory_space<vmem>>, vector<16xi32>,
      tpu.vector_store %arg7[%swap3A_298, %swap3A_299], %add3A_296 {strides = array<i32>} : memref<8x128xi32, #tpu.memory_space<vmem>>, vector<16xi32>,
      %get3A_301 = arith.constant 1 : i32
      %get3A_302 = arith.index_cast %get3A_301 : i32 to index
      %get3A_303 = arith.constant 80 : index
      %get3A_304 = tpu.vector_load %arg7[%get3A_302, %get3A_303] {strides = array<i32>} : memref<8x128xi32, #tpu.memory_space<vmem>>, vector<16xi32>,
      %add3A_305 = arith.constant 2500000 : i32
      %add3A_306 = vector.broadcast %add3A_305 : i32 to vector<16xi32>
      %add3A_307 = arith.addi %get3A_304, %add3A_306 : vector<16xi32>
      %swap3A_308 = arith.constant 1 : i32
      %swap3A_309 = arith.index_cast %swap3A_308 : i32 to index
      %swap3A_310 = arith.constant 80 : index
      %swap3A_311 = tpu.vector_load %arg7[%swap3A_309, %swap3A_310] {strides = array<i32>} : memref<8x128xi32, #tpu.memory_space<vmem>>, vector<16xi32>,
      tpu.vector_store %arg7[%swap3A_309, %swap3A_310], %add3A_307 {strides = array<i32>} : memref<8x128xi32, #tpu.memory_space<vmem>>, vector<16xi32>,
      %get3A_312 = arith.constant 1 : i32
      %get3A_313 = arith.index_cast %get3A_312 : i32 to index
      %get3A_314 = arith.constant 96 : index
      %get3A_315 = tpu.vector_load %arg7[%get3A_313, %get3A_314] {strides = array<i32>} : memref<8x128xi32, #tpu.memory_space<vmem>>, vector<16xi32>,
      %add3A_316 = arith.constant 2500000 : i32
      %add3A_317 = vector.broadcast %add3A_316 : i32 to vector<16xi32>
      %add3A_318 = arith.addi %get3A_315, %add3A_317 : vector<16xi32>
      %swap3A_319 = arith.constant 1 : i32
      %swap3A_320 = arith.index_cast %swap3A_319 : i32 to index
      %swap3A_321 = arith.constant 96 : index
      %swap3A_322 = tpu.vector_load %arg7[%swap3A_320, %swap3A_321] {strides = array<i32>} : memref<8x128xi32, #tpu.memory_space<vmem>>, vector<16xi32>,
      tpu.vector_store %arg7[%swap3A_320, %swap3A_321], %add3A_318 {strides = array<i32>} : memref<8x128xi32, #tpu.memory_space<vmem>>, vector<16xi32>,
      %get3A_323 = arith.constant 1 : i32
      %get3A_324 = arith.index_cast %get3A_323 : i32 to index
      %get3A_325 = arith.constant 112 : index
      %get3A_326 = tpu.vector_load %arg7[%get3A_324, %get3A_325] {strides = array<i32>} : memref<8x128xi32, #tpu.memory_space<vmem>>, vector<16xi32>,
      %add3A_327 = arith.constant 2500000 : i32
      %add3A_328 = vector.broadcast %add3A_327 : i32 to vector<16xi32>
      %add3A_329 = arith.addi %get3A_326, %add3A_328 : vector<16xi32>
      %swap3A_330 = arith.constant 1 : i32
      %swap3A_331 = arith.index_cast %swap3A_330 : i32 to index
      %swap3A_332 = arith.constant 112 : index
      %swap3A_333 = tpu.vector_load %arg7[%swap3A_331, %swap3A_332] {strides = array<i32>} : memref<8x128xi32, #tpu.memory_space<vmem>>, vector<16xi32>,
      tpu.vector_store %arg7[%swap3A_331, %swap3A_332], %add3A_329 {strides = array<i32>} : memref<8x128xi32, #tpu.memory_space<vmem>>, vector<16xi32>,
      %add3A_334 = arith.constant 3072 : i32
      %add3A_335 = arith.addi %add3A_334, %add3A_157 : i32
      %dma_start3A_336 = arith.constant 0 : i32
      %dma_start3A_337 = arith.constant 0 : i32
      %dma_start3A_338 = tpu.memref_slice %arg7[%dma_start3A_336, %dma_start3A_337] : memref<8x128xi32, #tpu.memory_space<vmem>> -> memref<1x128xi32, #tpu.memory_space<vmem>>
      %dma_start3A_339 = tpu.memref_squeeze %dma_start3A_338 : memref<1x128xi32, #tpu.memory_space<vmem>> -> memref<128xi32, #tpu.memory_space<vmem>>
      %dma_start3A_340 = arith.constant 0 : i32
      %dma_start3A_341 = tpu.memref_slice %arg5[%add3A_335, %dma_start3A_340] : memref<3328x128xi32, #tpu.memory_space<hbm>> -> memref<1x128xi32, #tpu.memory_space<hbm>>
      %dma_start3A_342 = tpu.memref_squeeze %dma_start3A_341 : memref<1x128xi32, #tpu.memory_space<hbm>> -> memref<128xi32, #tpu.memory_space<hbm>>
      %dma_start3A_343 = arith.constant 0 : i32
      %dma_start3A_344 = tpu.memref_slice %arg5[%add3A_335, %dma_start3A_343] : memref<3328x128xi32, #tpu.memory_space<hbm>> -> memref<1x128xi32, #tpu.memory_space<hbm>>
      %dma_start3A_345 = tpu.memref_squeeze %dma_start3A_344 : memref<1x128xi32, #tpu.memory_space<hbm>> -> memref<128xi32, #tpu.memory_space<hbm>>
      %dma_start3A_346 = arith.constant 0 : i32
      %dma_start3A_347 = tpu.memref_slice %arg7[%dma_start3A_336, %dma_start3A_346] : memref<8x128xi32, #tpu.memory_space<vmem>> -> memref<1x128xi32, #tpu.memory_space<vmem>>
      %dma_start3A_348 = tpu.memref_squeeze %dma_start3A_347 : memref<1x128xi32, #tpu.memory_space<vmem>> -> memref<128xi32, #tpu.memory_space<vmem>>
      tpu.enqueue_dma source(%dma_start3A_348 : memref<128xi32, #tpu.memory_space<vmem>>) target(%dma_start3A_345 : memref<128xi32, #tpu.memory_space<hbm>>) target_semaphore(%arg12 : memref<!tpu.dma_semaphore, #tpu.memory_space<semaphore_mem>>)
      %add3A_349 = arith.constant 3200 : i32
      %add3A_350 = arith.addi %add3A_349, %add3A_157 : i32
      %dma_start3A_351 = arith.constant 1 : i32
      %dma_start3A_352 = arith.constant 0 : i32
      %dma_start3A_353 = tpu.memref_slice %arg7[%dma_start3A_351, %dma_start3A_352] : memref<8x128xi32, #tpu.memory_space<vmem>> -> memref<1x128xi32, #tpu.memory_space<vmem>>
      %dma_start3A_354 = tpu.memref_squeeze %dma_start3A_353 : memref<1x128xi32, #tpu.memory_space<vmem>> -> memref<128xi32, #tpu.memory_space<vmem>>
      %dma_start3A_355 = arith.constant 0 : i32
      %dma_start3A_356 = tpu.memref_slice %arg5[%add3A_350, %dma_start3A_355] : memref<3328x128xi32, #tpu.memory_space<hbm>> -> memref<1x128xi32, #tpu.memory_space<hbm>>
      %dma_start3A_357 = tpu.memref_squeeze %dma_start3A_356 : memref<1x128xi32, #tpu.memory_space<hbm>> -> memref<128xi32, #tpu.memory_space<hbm>>
      %dma_start3A_358 = arith.constant 0 : i32
      %dma_start3A_359 = tpu.memref_slice %arg5[%add3A_350, %dma_start3A_358] : memref<3328x128xi32, #tpu.memory_space<hbm>> -> memref<1x128xi32, #tpu.memory_space<hbm>>
      %dma_start3A_360 = tpu.memref_squeeze %dma_start3A_359 : memref<1x128xi32, #tpu.memory_space<hbm>> -> memref<128xi32, #tpu.memory_space<hbm>>
      %dma_start3A_361 = arith.constant 0 : i32
      %dma_start3A_362 = tpu.memref_slice %arg7[%dma_start3A_351, %dma_start3A_361] : memref<8x128xi32, #tpu.memory_space<vmem>> -> memref<1x128xi32, #tpu.memory_space<vmem>>
      %dma_start3A_363 = tpu.memref_squeeze %dma_start3A_362 : memref<1x128xi32, #tpu.memory_space<vmem>> -> memref<128xi32, #tpu.memory_space<vmem>>
      tpu.enqueue_dma source(%dma_start3A_363 : memref<128xi32, #tpu.memory_space<vmem>>) target(%dma_start3A_360 : memref<128xi32, #tpu.memory_space<hbm>>) target_semaphore(%arg12 : memref<!tpu.dma_semaphore, #tpu.memory_space<semaphore_mem>>)
      %dma_wait3A_364 = arith.constant 0 : i32
      %dma_wait3A_365 = arith.constant 0 : i32
      %dma_wait3A_366 = tpu.memref_slice %arg7[%dma_wait3A_364, %dma_wait3A_365] : memref<8x128xi32, #tpu.memory_space<vmem>> -> memref<1x128xi32, #tpu.memory_space<vmem>>
      %dma_wait3A_367 = tpu.memref_squeeze %dma_wait3A_366 : memref<1x128xi32, #tpu.memory_space<vmem>> -> memref<128xi32, #tpu.memory_space<vmem>>
      %dma_wait3A_368 = arith.constant 0 : i32
      %dma_wait3A_369 = tpu.memref_slice %arg5[%add3A_335, %dma_wait3A_368] : memref<3328x128xi32, #tpu.memory_space<hbm>> -> memref<1x128xi32, #tpu.memory_space<hbm>>
      %dma_wait3A_370 = tpu.memref_squeeze %dma_wait3A_369 : memref<1x128xi32, #tpu.memory_space<hbm>> -> memref<128xi32, #tpu.memory_space<hbm>>
      %dma_wait3A_371 = arith.constant 0 : i32
      %dma_wait3A_372 = tpu.memref_slice %arg5[%add3A_335, %dma_wait3A_371] : memref<3328x128xi32, #tpu.memory_space<hbm>> -> memref<1x128xi32, #tpu.memory_space<hbm>>
      %dma_wait3A_373 = tpu.memref_squeeze %dma_wait3A_372 : memref<1x128xi32, #tpu.memory_space<hbm>> -> memref<128xi32, #tpu.memory_space<hbm>>
      %dma_wait3A_374 = arith.constant 0 : i32
      %dma_wait3A_375 = tpu.memref_slice %arg7[%dma_wait3A_364, %dma_wait3A_374] : memref<8x128xi32, #tpu.memory_space<vmem>> -> memref<1x128xi32, #tpu.memory_space<vmem>>
      %dma_wait3A_376 = tpu.memref_squeeze %dma_wait3A_375 : memref<1x128xi32, #tpu.memory_space<vmem>> -> memref<128xi32, #tpu.memory_space<vmem>>
      tpu.wait_dma2 semaphore(%arg12 : memref<!tpu.dma_semaphore, #tpu.memory_space<semaphore_mem>>) src(%dma_wait3A_376 : memref<128xi32, #tpu.memory_space<vmem>>) dst(%dma_wait3A_373 : memref<128xi32, #tpu.memory_space<hbm>>)
      %dma_wait3A_377 = arith.constant 1 : i32
      %dma_wait3A_378 = arith.constant 0 : i32
      %dma_wait3A_379 = tpu.memref_slice %arg7[%dma_wait3A_377, %dma_wait3A_378] : memref<8x128xi32, #tpu.memory_space<vmem>> -> memref<1x128xi32, #tpu.memory_space<vmem>>
      %dma_wait3A_380 = tpu.memref_squeeze %dma_wait3A_379 : memref<1x128xi32, #tpu.memory_space<vmem>> -> memref<128xi32, #tpu.memory_space<vmem>>
      %dma_wait3A_381 = arith.constant 0 : i32
      %dma_wait3A_382 = tpu.memref_slice %arg5[%add3A_350, %dma_wait3A_381] : memref<3328x128xi32, #tpu.memory_space<hbm>> -> memref<1x128xi32, #tpu.memory_space<hbm>>
      %dma_wait3A_383 = tpu.memref_squeeze %dma_wait3A_382 : memref<1x128xi32, #tpu.memory_space<hbm>> -> memref<128xi32, #tpu.memory_space<hbm>>
      %dma_wait3A_384 = arith.constant 0 : i32
      %dma_wait3A_385 = tpu.memref_slice %arg5[%add3A_350, %dma_wait3A_384] : memref<3328x128xi32, #tpu.memory_space<hbm>> -> memref<1x128xi32, #tpu.memory_space<hbm>>
      %dma_wait3A_386 = tpu.memref_squeeze %dma_wait3A_385 : memref<1x128xi32, #tpu.memory_space<hbm>> -> memref<128xi32, #tpu.memory_space<hbm>>
      %dma_wait3A_387 = arith.constant 0 : i32
      %dma_wait3A_388 = tpu.memref_slice %arg7[%dma_wait3A_377, %dma_wait3A_387] : memref<8x128xi32, #tpu.memory_space<vmem>> -> memref<1x128xi32, #tpu.memory_space<vmem>>
      %dma_wait3A_389 = tpu.memref_squeeze %dma_wait3A_388 : memref<1x128xi32, #tpu.memory_space<vmem>> -> memref<128xi32, #tpu.memory_space<vmem>>
      tpu.wait_dma2 semaphore(%arg12 : memref<!tpu.dma_semaphore, #tpu.memory_space<semaphore_mem>>) src(%dma_wait3A_389 : memref<128xi32, #tpu.memory_space<vmem>>) dst(%dma_wait3A_386 : memref<128xi32, #tpu.memory_space<hbm>>)
    }
    %scan3A_11 = arith.constant 4 : i32
    %mul3A_12 = arith.constant 632 : i32
    %mul3A_13 = arith.muli %add3A, %mul3A_12 : i32
    %add3A_14 = arith.constant 0 : i32
    %add3A_15 = arith.addi %mul3A_13, %add3A_14 : i32
    %mul3A_16 = arith.constant 128 : i32
    %mul3A_17 = arith.muli %add3A_15, %mul3A_16 : i32
    %dma_start3A = arith.constant 0 : i32
    %dma_start3A_18 = tpu.memref_slice %arg3[%dma_start3A, %mul3A_17] : memref<16x2600000xf32, #tpu.memory_space<hbm>> -> memref<16x128xf32, #tpu.memory_space<hbm>>
    %dma_start3A_19 = arith.constant 0 : i32
    %dma_start3A_20 = tpu.memref_slice %arg3[%dma_start3A_19, %mul3A_17] : memref<16x2600000xf32, #tpu.memory_space<hbm>> -> memref<16x128xf32, #tpu.memory_space<hbm>>
    tpu.enqueue_dma source(%dma_start3A_20 : memref<16x128xf32, #tpu.memory_space<hbm>>) target(%arg8 : memref<16x128xf32, #tpu.memory_space<vmem>>) target_semaphore(%arg13 : memref<!tpu.dma_semaphore, #tpu.memory_space<semaphore_mem>>)
    %add3A_21 = arith.constant 1 : i32
    %add3A_22 = arith.addi %mul3A_13, %add3A_21 : i32
    %mul3A_23 = arith.constant 128 : i32
    %mul3A_24 = arith.muli %add3A_22, %mul3A_23 : i32
    %dma_start3A_25 = arith.constant 0 : i32
    %dma_start3A_26 = tpu.memref_slice %arg3[%dma_start3A_25, %mul3A_24] : memref<16x2600000xf32, #tpu.memory_space<hbm>> -> memref<16x128xf32, #tpu.memory_space<hbm>>
    %dma_start3A_27 = arith.constant 0 : i32
    %dma_start3A_28 = tpu.memref_slice %arg3[%dma_start3A_27, %mul3A_24] : memref<16x2600000xf32, #tpu.memory_space<hbm>> -> memref<16x128xf32, #tpu.memory_space<hbm>>
    tpu.enqueue_dma source(%dma_start3A_28 : memref<16x128xf32, #tpu.memory_space<hbm>>) target(%arg9 : memref<16x128xf32, #tpu.memory_space<vmem>>) target_semaphore(%arg14 : memref<!tpu.dma_semaphore, #tpu.memory_space<semaphore_mem>>)
    %add3A_29 = arith.constant 2 : i32
    %add3A_30 = arith.addi %mul3A_13, %add3A_29 : i32
    %mul3A_31 = arith.constant 128 : i32
    %mul3A_32 = arith.muli %add3A_30, %mul3A_31 : i32
    %dma_start3A_33 = arith.constant 0 : i32
    %dma_start3A_34 = tpu.memref_slice %arg3[%dma_start3A_33, %mul3A_32] : memref<16x2600000xf32, #tpu.memory_space<hbm>> -> memref<16x128xf32, #tpu.memory_space<hbm>>
    %dma_start3A_35 = arith.constant 0 : i32
    %dma_start3A_36 = tpu.memref_slice %arg3[%dma_start3A_35, %mul3A_32] : memref<16x2600000xf32, #tpu.memory_space<hbm>> -> memref<16x128xf32, #tpu.memory_space<hbm>>
    tpu.enqueue_dma source(%dma_start3A_36 : memref<16x128xf32, #tpu.memory_space<hbm>>) target(%arg10 : memref<16x128xf32, #tpu.memory_space<vmem>>) target_semaphore(%arg15 : memref<!tpu.dma_semaphore, #tpu.memory_space<semaphore_mem>>)
    %add3A_37 = arith.constant 3 : i32
    %add3A_38 = arith.addi %mul3A_13, %add3A_37 : i32
    %mul3A_39 = arith.constant 128 : i32
    %mul3A_40 = arith.muli %add3A_38, %mul3A_39 : i32
    %dma_start3A_41 = arith.constant 0 : i32
    %dma_start3A_42 = tpu.memref_slice %arg3[%dma_start3A_41, %mul3A_40] : memref<16x2600000xf32, #tpu.memory_space<hbm>> -> memref<16x128xf32, #tpu.memory_space<hbm>>
    %dma_start3A_43 = arith.constant 0 : i32
    %dma_start3A_44 = tpu.memref_slice %arg3[%dma_start3A_43, %mul3A_40] : memref<16x2600000xf32, #tpu.memory_space<hbm>> -> memref<16x128xf32, #tpu.memory_space<hbm>>
    tpu.enqueue_dma source(%dma_start3A_44 : memref<16x128xf32, #tpu.memory_space<hbm>>) target(%arg11 : memref<16x128xf32, #tpu.memory_space<vmem>>) target_semaphore(%arg16 : memref<!tpu.dma_semaphore, #tpu.memory_space<semaphore_mem>>)
    %scan3A_45 = arith.constant 0 : i32
    %scan3A_46 = arith.constant 0 : i32
    %scan3A_47 = arith.constant 158 : i32
    %scan3A_48 = arith.addi %scan3A_46, %scan3A_47 : i32
    %scan3A_49 = arith.constant 1 : i32
    scf.for %scan3A_154 = %scan3A_46 to %scan3A_48 step %scan3A_49  : i32 {
      %mul3A_155 = arith.constant 4 : i32
      %mul3A_156 = arith.muli %mul3A_155, %scan3A_154 : i32
      %add3A_157 = arith.constant 0 : i32
      %add3A_158 = arith.addi %mul3A_156, %add3A_157 : i32
      %dma_wait3A_159 = arith.constant 0 : i32
      %dma_wait3A_160 = arith.constant 0 : i32
      %dma_wait3A_161 = tpu.memref_slice %arg3[%dma_wait3A_159, %dma_wait3A_160] : memref<16x2600000xf32, #tpu.memory_space<hbm>> -> memref<16x128xf32, #tpu.memory_space<hbm>>
      %dma_wait3A_162 = arith.constant 0 : i32
      %dma_wait3A_163 = arith.constant 0 : i32
      %dma_wait3A_164 = tpu.memref_slice %arg3[%dma_wait3A_162, %dma_wait3A_163] : memref<16x2600000xf32, #tpu.memory_space<hbm>> -> memref<16x128xf32, #tpu.memory_space<hbm>>
      tpu.wait_dma2 semaphore(%arg13 : memref<!tpu.dma_semaphore, #tpu.memory_space<semaphore_mem>>) src(%dma_wait3A_164 : memref<16x128xf32, #tpu.memory_space<hbm>>) dst(%arg8 : memref<16x128xf32, #tpu.memory_space<vmem>>)
      %ge3A = arith.constant 4 : i32
      %ge3A_165 = arith.cmpi sge, %add3A_158, %ge3A : i32
      %convert_element_type3A_166 = arith.extui %ge3A_165 : i1 to i32
      %cond3A_167 = arith.constant 0 : i32
      %cond3A_168 = arith.cmpi ne, %convert_element_type3A_166, %cond3A_167 : i32
      scf.if %cond3A_168 {
        %dma_wait3A_349 = arith.constant 0 : i32
        %dma_wait3A_350 = arith.constant 0 : i32
        %dma_wait3A_351 = tpu.memref_slice %arg8[%dma_wait3A_349, %dma_wait3A_350] : memref<16x128xf32, #tpu.memory_space<vmem>> -> memref<8x128xf32, #tpu.memory_space<vmem>>
        %dma_wait3A_352 = arith.constant 0 : i32
        %dma_wait3A_353 = arith.constant 0 : i32
        %dma_wait3A_354 = tpu.memref_slice %arg6[%dma_wait3A_352, %dma_wait3A_353] : memref<325008x128xf32, #tpu.memory_space<hbm>> -> memref<8x128xf32, #tpu.memory_space<hbm>>
        %dma_wait3A_355 = arith.constant 0 : i32
        %dma_wait3A_356 = arith.constant 0 : i32
        %dma_wait3A_357 = tpu.memref_slice %arg6[%dma_wait3A_355, %dma_wait3A_356] : memref<325008x128xf32, #tpu.memory_space<hbm>> -> memref<8x128xf32, #tpu.memory_space<hbm>>
        %dma_wait3A_358 = arith.constant 0 : i32
        %dma_wait3A_359 = arith.constant 0 : i32
        %dma_wait3A_360 = tpu.memref_slice %arg8[%dma_wait3A_358, %dma_wait3A_359] : memref<16x128xf32, #tpu.memory_space<vmem>> -> memref<8x128xf32, #tpu.memory_space<vmem>>
        tpu.wait_dma2 semaphore(%arg17 : memref<!tpu.dma_semaphore, #tpu.memory_space<semaphore_mem>>) src(%dma_wait3A_360 : memref<8x128xf32, #tpu.memory_space<vmem>>) dst(%dma_wait3A_357 : memref<8x128xf32, #tpu.memory_space<hbm>>)
        %dma_wait3A_361 = arith.constant 8 : i32
        %dma_wait3A_362 = arith.constant 0 : i32
        %dma_wait3A_363 = tpu.memref_slice %arg8[%dma_wait3A_361, %dma_wait3A_362] : memref<16x128xf32, #tpu.memory_space<vmem>> -> memref<8x128xf32, #tpu.memory_space<vmem>>
        %dma_wait3A_364 = arith.constant 0 : i32
        %dma_wait3A_365 = arith.constant 0 : i32
        %dma_wait3A_366 = tpu.memref_slice %arg6[%dma_wait3A_364, %dma_wait3A_365] : memref<325008x128xf32, #tpu.memory_space<hbm>> -> memref<8x128xf32, #tpu.memory_space<hbm>>
        %dma_wait3A_367 = arith.constant 0 : i32
        %dma_wait3A_368 = arith.constant 0 : i32
        %dma_wait3A_369 = tpu.memref_slice %arg6[%dma_wait3A_367, %dma_wait3A_368] : memref<325008x128xf32, #tpu.memory_space<hbm>> -> memref<8x128xf32, #tpu.memory_space<hbm>>
        %dma_wait3A_370 = arith.constant 8 : i32
        %dma_wait3A_371 = arith.constant 0 : i32
        %dma_wait3A_372 = tpu.memref_slice %arg8[%dma_wait3A_370, %dma_wait3A_371] : memref<16x128xf32, #tpu.memory_space<vmem>> -> memref<8x128xf32, #tpu.memory_space<vmem>>
        tpu.wait_dma2 semaphore(%arg17 : memref<!tpu.dma_semaphore, #tpu.memory_space<semaphore_mem>>) src(%dma_wait3A_372 : memref<8x128xf32, #tpu.memory_space<vmem>>) dst(%dma_wait3A_369 : memref<8x128xf32, #tpu.memory_space<hbm>>)
      } else {
      }
      %add3A_169 = arith.addi %mul3A_13, %add3A_158 : i32
      %mul3A_170 = arith.constant 8 : i32
      %mul3A_171 = arith.muli %add3A_169, %mul3A_170 : i32
      %dma_start3A_172 = arith.constant 0 : i32
      %dma_start3A_173 = arith.constant 0 : i32
      %dma_start3A_174 = tpu.memref_slice %arg8[%dma_start3A_172, %dma_start3A_173] : memref<16x128xf32, #tpu.memory_space<vmem>> -> memref<8x128xf32, #tpu.memory_space<vmem>>
      %dma_start3A_175 = arith.constant 0 : i32
      %dma_start3A_176 = tpu.memref_slice %arg6[%mul3A_171, %dma_start3A_175] : memref<325008x128xf32, #tpu.memory_space<hbm>> -> memref<8x128xf32, #tpu.memory_space<hbm>>
      %dma_start3A_177 = arith.constant 0 : i32
      %dma_start3A_178 = tpu.memref_slice %arg6[%mul3A_171, %dma_start3A_177] : memref<325008x128xf32, #tpu.memory_space<hbm>> -> memref<8x128xf32, #tpu.memory_space<hbm>>
      %dma_start3A_179 = arith.constant 0 : i32
      %dma_start3A_180 = arith.constant 0 : i32
      %dma_start3A_181 = tpu.memref_slice %arg8[%dma_start3A_179, %dma_start3A_180] : memref<16x128xf32, #tpu.memory_space<vmem>> -> memref<8x128xf32, #tpu.memory_space<vmem>>
      tpu.enqueue_dma source(%dma_start3A_181 : memref<8x128xf32, #tpu.memory_space<vmem>>) target(%dma_start3A_178 : memref<8x128xf32, #tpu.memory_space<hbm>>) target_semaphore(%arg17 : memref<!tpu.dma_semaphore, #tpu.memory_space<semaphore_mem>>)
      %add3A_182 = arith.constant 20313 : i32
      %add3A_183 = arith.addi %add3A_182, %add3A_169 : i32
      %mul3A_184 = arith.constant 8 : i32
      %mul3A_185 = arith.muli %add3A_183, %mul3A_184 : i32
      %dma_start3A_186 = arith.constant 8 : i32
      %dma_start3A_187 = arith.constant 0 : i32
      %dma_start3A_188 = tpu.memref_slice %arg8[%dma_start3A_186, %dma_start3A_187] : memref<16x128xf32, #tpu.memory_space<vmem>> -> memref<8x128xf32, #tpu.memory_space<vmem>>
      %dma_start3A_189 = arith.constant 0 : i32
      %dma_start3A_190 = tpu.memref_slice %arg6[%mul3A_185, %dma_start3A_189] : memref<325008x128xf32, #tpu.memory_space<hbm>> -> memref<8x128xf32, #tpu.memory_space<hbm>>
      %dma_start3A_191 = arith.constant 0 : i32
      %dma_start3A_192 = tpu.memref_slice %arg6[%mul3A_185, %dma_start3A_191] : memref<325008x128xf32, #tpu.memory_space<hbm>> -> memref<8x128xf32, #tpu.memory_space<hbm>>
      %dma_start3A_193 = arith.constant 8 : i32
      %dma_start3A_194 = arith.constant 0 : i32
      %dma_start3A_195 = tpu.memref_slice %arg8[%dma_start3A_193, %dma_start3A_194] : memref<16x128xf32, #tpu.memory_space<vmem>> -> memref<8x128xf32, #tpu.memory_space<vmem>>
      tpu.enqueue_dma source(%dma_start3A_195 : memref<8x128xf32, #tpu.memory_space<vmem>>) target(%dma_start3A_192 : memref<8x128xf32, #tpu.memory_space<hbm>>) target_semaphore(%arg17 : memref<!tpu.dma_semaphore, #tpu.memory_space<semaphore_mem>>)
      %add3A_196 = arith.constant 4 : i32
      %add3A_197 = arith.addi %add3A_158, %add3A_196 : i32
      %lt3A = arith.constant 632 : i32
      %lt3A_198 = arith.cmpi slt, %add3A_197, %lt3A : i32
      %convert_element_type3A_199 = arith.extui %lt3A_198 : i1 to i32
      %cond3A_200 = arith.constant 0 : i32
      %cond3A_201 = arith.cmpi ne, %convert_element_type3A_199, %cond3A_200 : i32
      scf.if %cond3A_201 {
        %add3A_349 = arith.addi %mul3A_13, %add3A_158 : i32
        %add3A_350 = arith.constant 4 : i32
        %add3A_351 = arith.addi %add3A_349, %add3A_350 : i32
        %mul3A_352 = arith.constant 128 : i32
        %mul3A_353 = arith.muli %add3A_351, %mul3A_352 : i32
        %dma_start3A_354 = arith.constant 0 : i32
        %dma_start3A_355 = tpu.memref_slice %arg3[%dma_start3A_354, %mul3A_353] : memref<16x2600000xf32, #tpu.memory_space<hbm>> -> memref<16x128xf32, #tpu.memory_space<hbm>>
        %dma_start3A_356 = arith.constant 0 : i32
        %dma_start3A_357 = tpu.memref_slice %arg3[%dma_start3A_356, %mul3A_353] : memref<16x2600000xf32, #tpu.memory_space<hbm>> -> memref<16x128xf32, #tpu.memory_space<hbm>>
        tpu.enqueue_dma source(%dma_start3A_357 : memref<16x128xf32, #tpu.memory_space<hbm>>) target(%arg8 : memref<16x128xf32, #tpu.memory_space<vmem>>) target_semaphore(%arg13 : memref<!tpu.dma_semaphore, #tpu.memory_space<semaphore_mem>>)
      } else {
      }
      %mul3A_202 = arith.constant 4 : i32
      %mul3A_203 = arith.muli %mul3A_202, %scan3A_154 : i32
      %add3A_204 = arith.constant 1 : i32
      %add3A_205 = arith.addi %mul3A_203, %add3A_204 : i32
      %dma_wait3A_206 = arith.constant 0 : i32
      %dma_wait3A_207 = arith.constant 0 : i32
      %dma_wait3A_208 = tpu.memref_slice %arg3[%dma_wait3A_206, %dma_wait3A_207] : memref<16x2600000xf32, #tpu.memory_space<hbm>> -> memref<16x128xf32, #tpu.memory_space<hbm>>
      %dma_wait3A_209 = arith.constant 0 : i32
      %dma_wait3A_210 = arith.constant 0 : i32
      %dma_wait3A_211 = tpu.memref_slice %arg3[%dma_wait3A_209, %dma_wait3A_210] : memref<16x2600000xf32, #tpu.memory_space<hbm>> -> memref<16x128xf32, #tpu.memory_space<hbm>>
      tpu.wait_dma2 semaphore(%arg14 : memref<!tpu.dma_semaphore, #tpu.memory_space<semaphore_mem>>) src(%dma_wait3A_211 : memref<16x128xf32, #tpu.memory_space<hbm>>) dst(%arg9 : memref<16x128xf32, #tpu.memory_space<vmem>>)
      %ge3A_212 = arith.constant 4 : i32
      %ge3A_213 = arith.cmpi sge, %add3A_205, %ge3A_212 : i32
      %convert_element_type3A_214 = arith.extui %ge3A_213 : i1 to i32
      %cond3A_215 = arith.constant 0 : i32
      %cond3A_216 = arith.cmpi ne, %convert_element_type3A_214, %cond3A_215 : i32
      scf.if %cond3A_216 {
        %dma_wait3A_349 = arith.constant 0 : i32
        %dma_wait3A_350 = arith.constant 0 : i32
        %dma_wait3A_351 = tpu.memref_slice %arg9[%dma_wait3A_349, %dma_wait3A_350] : memref<16x128xf32, #tpu.memory_space<vmem>> -> memref<8x128xf32, #tpu.memory_space<vmem>>
        %dma_wait3A_352 = arith.constant 0 : i32
        %dma_wait3A_353 = arith.constant 0 : i32
        %dma_wait3A_354 = tpu.memref_slice %arg6[%dma_wait3A_352, %dma_wait3A_353] : memref<325008x128xf32, #tpu.memory_space<hbm>> -> memref<8x128xf32, #tpu.memory_space<hbm>>
        %dma_wait3A_355 = arith.constant 0 : i32
        %dma_wait3A_356 = arith.constant 0 : i32
        %dma_wait3A_357 = tpu.memref_slice %arg6[%dma_wait3A_355, %dma_wait3A_356] : memref<325008x128xf32, #tpu.memory_space<hbm>> -> memref<8x128xf32, #tpu.memory_space<hbm>>
        %dma_wait3A_358 = arith.constant 0 : i32
        %dma_wait3A_359 = arith.constant 0 : i32
        %dma_wait3A_360 = tpu.memref_slice %arg9[%dma_wait3A_358, %dma_wait3A_359] : memref<16x128xf32, #tpu.memory_space<vmem>> -> memref<8x128xf32, #tpu.memory_space<vmem>>
        tpu.wait_dma2 semaphore(%arg18 : memref<!tpu.dma_semaphore, #tpu.memory_space<semaphore_mem>>) src(%dma_wait3A_360 : memref<8x128xf32, #tpu.memory_space<vmem>>) dst(%dma_wait3A_357 : memref<8x128xf32, #tpu.memory_space<hbm>>)
        %dma_wait3A_361 = arith.constant 8 : i32
        %dma_wait3A_362 = arith.constant 0 : i32
        %dma_wait3A_363 = tpu.memref_slice %arg9[%dma_wait3A_361, %dma_wait3A_362] : memref<16x128xf32, #tpu.memory_space<vmem>> -> memref<8x128xf32, #tpu.memory_space<vmem>>
        %dma_wait3A_364 = arith.constant 0 : i32
        %dma_wait3A_365 = arith.constant 0 : i32
        %dma_wait3A_366 = tpu.memref_slice %arg6[%dma_wait3A_364, %dma_wait3A_365] : memref<325008x128xf32, #tpu.memory_space<hbm>> -> memref<8x128xf32, #tpu.memory_space<hbm>>
        %dma_wait3A_367 = arith.constant 0 : i32
        %dma_wait3A_368 = arith.constant 0 : i32
        %dma_wait3A_369 = tpu.memref_slice %arg6[%dma_wait3A_367, %dma_wait3A_368] : memref<325008x128xf32, #tpu.memory_space<hbm>> -> memref<8x128xf32, #tpu.memory_space<hbm>>
        %dma_wait3A_370 = arith.constant 8 : i32
        %dma_wait3A_371 = arith.constant 0 : i32
        %dma_wait3A_372 = tpu.memref_slice %arg9[%dma_wait3A_370, %dma_wait3A_371] : memref<16x128xf32, #tpu.memory_space<vmem>> -> memref<8x128xf32, #tpu.memory_space<vmem>>
        tpu.wait_dma2 semaphore(%arg18 : memref<!tpu.dma_semaphore, #tpu.memory_space<semaphore_mem>>) src(%dma_wait3A_372 : memref<8x128xf32, #tpu.memory_space<vmem>>) dst(%dma_wait3A_369 : memref<8x128xf32, #tpu.memory_space<hbm>>)
      } else {
      }
      %add3A_217 = arith.addi %mul3A_13, %add3A_205 : i32
      %mul3A_218 = arith.constant 8 : i32
      %mul3A_219 = arith.muli %add3A_217, %mul3A_218 : i32
      %dma_start3A_220 = arith.constant 0 : i32
      %dma_start3A_221 = arith.constant 0 : i32
      %dma_start3A_222 = tpu.memref_slice %arg9[%dma_start3A_220, %dma_start3A_221] : memref<16x128xf32, #tpu.memory_space<vmem>> -> memref<8x128xf32, #tpu.memory_space<vmem>>
      %dma_start3A_223 = arith.constant 0 : i32
      %dma_start3A_224 = tpu.memref_slice %arg6[%mul3A_219, %dma_start3A_223] : memref<325008x128xf32, #tpu.memory_space<hbm>> -> memref<8x128xf32, #tpu.memory_space<hbm>>
      %dma_start3A_225 = arith.constant 0 : i32
      %dma_start3A_226 = tpu.memref_slice %arg6[%mul3A_219, %dma_start3A_225] : memref<325008x128xf32, #tpu.memory_space<hbm>> -> memref<8x128xf32, #tpu.memory_space<hbm>>
      %dma_start3A_227 = arith.constant 0 : i32
      %dma_start3A_228 = arith.constant 0 : i32
      %dma_start3A_229 = tpu.memref_slice %arg9[%dma_start3A_227, %dma_start3A_228] : memref<16x128xf32, #tpu.memory_space<vmem>> -> memref<8x128xf32, #tpu.memory_space<vmem>>
      tpu.enqueue_dma source(%dma_start3A_229 : memref<8x128xf32, #tpu.memory_space<vmem>>) target(%dma_start3A_226 : memref<8x128xf32, #tpu.memory_space<hbm>>) target_semaphore(%arg18 : memref<!tpu.dma_semaphore, #tpu.memory_space<semaphore_mem>>)
      %add3A_230 = arith.constant 20313 : i32
      %add3A_231 = arith.addi %add3A_230, %add3A_217 : i32
      %mul3A_232 = arith.constant 8 : i32
      %mul3A_233 = arith.muli %add3A_231, %mul3A_232 : i32
      %dma_start3A_234 = arith.constant 8 : i32
      %dma_start3A_235 = arith.constant 0 : i32
      %dma_start3A_236 = tpu.memref_slice %arg9[%dma_start3A_234, %dma_start3A_235] : memref<16x128xf32, #tpu.memory_space<vmem>> -> memref<8x128xf32, #tpu.memory_space<vmem>>
      %dma_start3A_237 = arith.constant 0 : i32
      %dma_start3A_238 = tpu.memref_slice %arg6[%mul3A_233, %dma_start3A_237] : memref<325008x128xf32, #tpu.memory_space<hbm>> -> memref<8x128xf32, #tpu.memory_space<hbm>>
      %dma_start3A_239 = arith.constant 0 : i32
      %dma_start3A_240 = tpu.memref_slice %arg6[%mul3A_233, %dma_start3A_239] : memref<325008x128xf32, #tpu.memory_space<hbm>> -> memref<8x128xf32, #tpu.memory_space<hbm>>
      %dma_start3A_241 = arith.constant 8 : i32
      %dma_start3A_242 = arith.constant 0 : i32
      %dma_start3A_243 = tpu.memref_slice %arg9[%dma_start3A_241, %dma_start3A_242] : memref<16x128xf32, #tpu.memory_space<vmem>> -> memref<8x128xf32, #tpu.memory_space<vmem>>
      tpu.enqueue_dma source(%dma_start3A_243 : memref<8x128xf32, #tpu.memory_space<vmem>>) target(%dma_start3A_240 : memref<8x128xf32, #tpu.memory_space<hbm>>) target_semaphore(%arg18 : memref<!tpu.dma_semaphore, #tpu.memory_space<semaphore_mem>>)
      %add3A_244 = arith.constant 4 : i32
      %add3A_245 = arith.addi %add3A_205, %add3A_244 : i32
      %lt3A_246 = arith.constant 632 : i32
      %lt3A_247 = arith.cmpi slt, %add3A_245, %lt3A_246 : i32
      %convert_element_type3A_248 = arith.extui %lt3A_247 : i1 to i32
      %cond3A_249 = arith.constant 0 : i32
      %cond3A_250 = arith.cmpi ne, %convert_element_type3A_248, %cond3A_249 : i32
      scf.if %cond3A_250 {
        %add3A_349 = arith.addi %mul3A_13, %add3A_205 : i32
        %add3A_350 = arith.constant 4 : i32
        %add3A_351 = arith.addi %add3A_349, %add3A_350 : i32
        %mul3A_352 = arith.constant 128 : i32
        %mul3A_353 = arith.muli %add3A_351, %mul3A_352 : i32
        %dma_start3A_354 = arith.constant 0 : i32
        %dma_start3A_355 = tpu.memref_slice %arg3[%dma_start3A_354, %mul3A_353] : memref<16x2600000xf32, #tpu.memory_space<hbm>> -> memref<16x128xf32, #tpu.memory_space<hbm>>
        %dma_start3A_356 = arith.constant 0 : i32
        %dma_start3A_357 = tpu.memref_slice %arg3[%dma_start3A_356, %mul3A_353] : memref<16x2600000xf32, #tpu.memory_space<hbm>> -> memref<16x128xf32, #tpu.memory_space<hbm>>
        tpu.enqueue_dma source(%dma_start3A_357 : memref<16x128xf32, #tpu.memory_space<hbm>>) target(%arg9 : memref<16x128xf32, #tpu.memory_space<vmem>>) target_semaphore(%arg14 : memref<!tpu.dma_semaphore, #tpu.memory_space<semaphore_mem>>)
      } else {
      }
      %mul3A_251 = arith.constant 4 : i32
      %mul3A_252 = arith.muli %mul3A_251, %scan3A_154 : i32
      %add3A_253 = arith.constant 2 : i32
      %add3A_254 = arith.addi %mul3A_252, %add3A_253 : i32
      %dma_wait3A_255 = arith.constant 0 : i32
      %dma_wait3A_256 = arith.constant 0 : i32
      %dma_wait3A_257 = tpu.memref_slice %arg3[%dma_wait3A_255, %dma_wait3A_256] : memref<16x2600000xf32, #tpu.memory_space<hbm>> -> memref<16x128xf32, #tpu.memory_space<hbm>>
      %dma_wait3A_258 = arith.constant 0 : i32
      %dma_wait3A_259 = arith.constant 0 : i32
      %dma_wait3A_260 = tpu.memref_slice %arg3[%dma_wait3A_258, %dma_wait3A_259] : memref<16x2600000xf32, #tpu.memory_space<hbm>> -> memref<16x128xf32, #tpu.memory_space<hbm>>
      tpu.wait_dma2 semaphore(%arg15 : memref<!tpu.dma_semaphore, #tpu.memory_space<semaphore_mem>>) src(%dma_wait3A_260 : memref<16x128xf32, #tpu.memory_space<hbm>>) dst(%arg10 : memref<16x128xf32, #tpu.memory_space<vmem>>)
      %ge3A_261 = arith.constant 4 : i32
      %ge3A_262 = arith.cmpi sge, %add3A_254, %ge3A_261 : i32
      %convert_element_type3A_263 = arith.extui %ge3A_262 : i1 to i32
      %cond3A_264 = arith.constant 0 : i32
      %cond3A_265 = arith.cmpi ne, %convert_element_type3A_263, %cond3A_264 : i32
      scf.if %cond3A_265 {
        %dma_wait3A_349 = arith.constant 0 : i32
        %dma_wait3A_350 = arith.constant 0 : i32
        %dma_wait3A_351 = tpu.memref_slice %arg10[%dma_wait3A_349, %dma_wait3A_350] : memref<16x128xf32, #tpu.memory_space<vmem>> -> memref<8x128xf32, #tpu.memory_space<vmem>>
        %dma_wait3A_352 = arith.constant 0 : i32
        %dma_wait3A_353 = arith.constant 0 : i32
        %dma_wait3A_354 = tpu.memref_slice %arg6[%dma_wait3A_352, %dma_wait3A_353] : memref<325008x128xf32, #tpu.memory_space<hbm>> -> memref<8x128xf32, #tpu.memory_space<hbm>>
        %dma_wait3A_355 = arith.constant 0 : i32
        %dma_wait3A_356 = arith.constant 0 : i32
        %dma_wait3A_357 = tpu.memref_slice %arg6[%dma_wait3A_355, %dma_wait3A_356] : memref<325008x128xf32, #tpu.memory_space<hbm>> -> memref<8x128xf32, #tpu.memory_space<hbm>>
        %dma_wait3A_358 = arith.constant 0 : i32
        %dma_wait3A_359 = arith.constant 0 : i32
        %dma_wait3A_360 = tpu.memref_slice %arg10[%dma_wait3A_358, %dma_wait3A_359] : memref<16x128xf32, #tpu.memory_space<vmem>> -> memref<8x128xf32, #tpu.memory_space<vmem>>
        tpu.wait_dma2 semaphore(%arg19 : memref<!tpu.dma_semaphore, #tpu.memory_space<semaphore_mem>>) src(%dma_wait3A_360 : memref<8x128xf32, #tpu.memory_space<vmem>>) dst(%dma_wait3A_357 : memref<8x128xf32, #tpu.memory_space<hbm>>)
        %dma_wait3A_361 = arith.constant 8 : i32
        %dma_wait3A_362 = arith.constant 0 : i32
        %dma_wait3A_363 = tpu.memref_slice %arg10[%dma_wait3A_361, %dma_wait3A_362] : memref<16x128xf32, #tpu.memory_space<vmem>> -> memref<8x128xf32, #tpu.memory_space<vmem>>
        %dma_wait3A_364 = arith.constant 0 : i32
        %dma_wait3A_365 = arith.constant 0 : i32
        %dma_wait3A_366 = tpu.memref_slice %arg6[%dma_wait3A_364, %dma_wait3A_365] : memref<325008x128xf32, #tpu.memory_space<hbm>> -> memref<8x128xf32, #tpu.memory_space<hbm>>
        %dma_wait3A_367 = arith.constant 0 : i32
        %dma_wait3A_368 = arith.constant 0 : i32
        %dma_wait3A_369 = tpu.memref_slice %arg6[%dma_wait3A_367, %dma_wait3A_368] : memref<325008x128xf32, #tpu.memory_space<hbm>> -> memref<8x128xf32, #tpu.memory_space<hbm>>
        %dma_wait3A_370 = arith.constant 8 : i32
        %dma_wait3A_371 = arith.constant 0 : i32
        %dma_wait3A_372 = tpu.memref_slice %arg10[%dma_wait3A_370, %dma_wait3A_371] : memref<16x128xf32, #tpu.memory_space<vmem>> -> memref<8x128xf32, #tpu.memory_space<vmem>>
        tpu.wait_dma2 semaphore(%arg19 : memref<!tpu.dma_semaphore, #tpu.memory_space<semaphore_mem>>) src(%dma_wait3A_372 : memref<8x128xf32, #tpu.memory_space<vmem>>) dst(%dma_wait3A_369 : memref<8x128xf32, #tpu.memory_space<hbm>>)
      } else {
      }
      %add3A_266 = arith.addi %mul3A_13, %add3A_254 : i32
      %mul3A_267 = arith.constant 8 : i32
      %mul3A_268 = arith.muli %add3A_266, %mul3A_267 : i32
      %dma_start3A_269 = arith.constant 0 : i32
      %dma_start3A_270 = arith.constant 0 : i32
      %dma_start3A_271 = tpu.memref_slice %arg10[%dma_start3A_269, %dma_start3A_270] : memref<16x128xf32, #tpu.memory_space<vmem>> -> memref<8x128xf32, #tpu.memory_space<vmem>>
      %dma_start3A_272 = arith.constant 0 : i32
      %dma_start3A_273 = tpu.memref_slice %arg6[%mul3A_268, %dma_start3A_272] : memref<325008x128xf32, #tpu.memory_space<hbm>> -> memref<8x128xf32, #tpu.memory_space<hbm>>
      %dma_start3A_274 = arith.constant 0 : i32
      %dma_start3A_275 = tpu.memref_slice %arg6[%mul3A_268, %dma_start3A_274] : memref<325008x128xf32, #tpu.memory_space<hbm>> -> memref<8x128xf32, #tpu.memory_space<hbm>>
      %dma_start3A_276 = arith.constant 0 : i32
      %dma_start3A_277 = arith.constant 0 : i32
      %dma_start3A_278 = tpu.memref_slice %arg10[%dma_start3A_276, %dma_start3A_277] : memref<16x128xf32, #tpu.memory_space<vmem>> -> memref<8x128xf32, #tpu.memory_space<vmem>>
      tpu.enqueue_dma source(%dma_start3A_278 : memref<8x128xf32, #tpu.memory_space<vmem>>) target(%dma_start3A_275 : memref<8x128xf32, #tpu.memory_space<hbm>>) target_semaphore(%arg19 : memref<!tpu.dma_semaphore, #tpu.memory_space<semaphore_mem>>)
      %add3A_279 = arith.constant 20313 : i32
      %add3A_280 = arith.addi %add3A_279, %add3A_266 : i32
      %mul3A_281 = arith.constant 8 : i32
      %mul3A_282 = arith.muli %add3A_280, %mul3A_281 : i32
      %dma_start3A_283 = arith.constant 8 : i32
      %dma_start3A_284 = arith.constant 0 : i32
      %dma_start3A_285 = tpu.memref_slice %arg10[%dma_start3A_283, %dma_start3A_284] : memref<16x128xf32, #tpu.memory_space<vmem>> -> memref<8x128xf32, #tpu.memory_space<vmem>>
      %dma_start3A_286 = arith.constant 0 : i32
      %dma_start3A_287 = tpu.memref_slice %arg6[%mul3A_282, %dma_start3A_286] : memref<325008x128xf32, #tpu.memory_space<hbm>> -> memref<8x128xf32, #tpu.memory_space<hbm>>
      %dma_start3A_288 = arith.constant 0 : i32
      %dma_start3A_289 = tpu.memref_slice %arg6[%mul3A_282, %dma_start3A_288] : memref<325008x128xf32, #tpu.memory_space<hbm>> -> memref<8x128xf32, #tpu.memory_space<hbm>>
      %dma_start3A_290 = arith.constant 8 : i32
      %dma_start3A_291 = arith.constant 0 : i32
      %dma_start3A_292 = tpu.memref_slice %arg10[%dma_start3A_290, %dma_start3A_291] : memref<16x128xf32, #tpu.memory_space<vmem>> -> memref<8x128xf32, #tpu.memory_space<vmem>>
      tpu.enqueue_dma source(%dma_start3A_292 : memref<8x128xf32, #tpu.memory_space<vmem>>) target(%dma_start3A_289 : memref<8x128xf32, #tpu.memory_space<hbm>>) target_semaphore(%arg19 : memref<!tpu.dma_semaphore, #tpu.memory_space<semaphore_mem>>)
      %add3A_293 = arith.constant 4 : i32
      %add3A_294 = arith.addi %add3A_254, %add3A_293 : i32
      %lt3A_295 = arith.constant 632 : i32
      %lt3A_296 = arith.cmpi slt, %add3A_294, %lt3A_295 : i32
      %convert_element_type3A_297 = arith.extui %lt3A_296 : i1 to i32
      %cond3A_298 = arith.constant 0 : i32
      %cond3A_299 = arith.cmpi ne, %convert_element_type3A_297, %cond3A_298 : i32
      scf.if %cond3A_299 {
        %add3A_349 = arith.addi %mul3A_13, %add3A_254 : i32
        %add3A_350 = arith.constant 4 : i32
        %add3A_351 = arith.addi %add3A_349, %add3A_350 : i32
        %mul3A_352 = arith.constant 128 : i32
        %mul3A_353 = arith.muli %add3A_351, %mul3A_352 : i32
        %dma_start3A_354 = arith.constant 0 : i32
        %dma_start3A_355 = tpu.memref_slice %arg3[%dma_start3A_354, %mul3A_353] : memref<16x2600000xf32, #tpu.memory_space<hbm>> -> memref<16x128xf32, #tpu.memory_space<hbm>>
        %dma_start3A_356 = arith.constant 0 : i32
        %dma_start3A_357 = tpu.memref_slice %arg3[%dma_start3A_356, %mul3A_353] : memref<16x2600000xf32, #tpu.memory_space<hbm>> -> memref<16x128xf32, #tpu.memory_space<hbm>>
        tpu.enqueue_dma source(%dma_start3A_357 : memref<16x128xf32, #tpu.memory_space<hbm>>) target(%arg10 : memref<16x128xf32, #tpu.memory_space<vmem>>) target_semaphore(%arg15 : memref<!tpu.dma_semaphore, #tpu.memory_space<semaphore_mem>>)
      } else {
      }
      %mul3A_300 = arith.constant 4 : i32
      %mul3A_301 = arith.muli %mul3A_300, %scan3A_154 : i32
      %add3A_302 = arith.constant 3 : i32
      %add3A_303 = arith.addi %mul3A_301, %add3A_302 : i32
      %dma_wait3A_304 = arith.constant 0 : i32
      %dma_wait3A_305 = arith.constant 0 : i32
      %dma_wait3A_306 = tpu.memref_slice %arg3[%dma_wait3A_304, %dma_wait3A_305] : memref<16x2600000xf32, #tpu.memory_space<hbm>> -> memref<16x128xf32, #tpu.memory_space<hbm>>
      %dma_wait3A_307 = arith.constant 0 : i32
      %dma_wait3A_308 = arith.constant 0 : i32
      %dma_wait3A_309 = tpu.memref_slice %arg3[%dma_wait3A_307, %dma_wait3A_308] : memref<16x2600000xf32, #tpu.memory_space<hbm>> -> memref<16x128xf32, #tpu.memory_space<hbm>>
      tpu.wait_dma2 semaphore(%arg16 : memref<!tpu.dma_semaphore, #tpu.memory_space<semaphore_mem>>) src(%dma_wait3A_309 : memref<16x128xf32, #tpu.memory_space<hbm>>) dst(%arg11 : memref<16x128xf32, #tpu.memory_space<vmem>>)
      %ge3A_310 = arith.constant 4 : i32
      %ge3A_311 = arith.cmpi sge, %add3A_303, %ge3A_310 : i32
      %convert_element_type3A_312 = arith.extui %ge3A_311 : i1 to i32
      %cond3A_313 = arith.constant 0 : i32
      %cond3A_314 = arith.cmpi ne, %convert_element_type3A_312, %cond3A_313 : i32
      scf.if %cond3A_314 {
        %dma_wait3A_349 = arith.constant 0 : i32
        %dma_wait3A_350 = arith.constant 0 : i32
        %dma_wait3A_351 = tpu.memref_slice %arg11[%dma_wait3A_349, %dma_wait3A_350] : memref<16x128xf32, #tpu.memory_space<vmem>> -> memref<8x128xf32, #tpu.memory_space<vmem>>
        %dma_wait3A_352 = arith.constant 0 : i32
        %dma_wait3A_353 = arith.constant 0 : i32
        %dma_wait3A_354 = tpu.memref_slice %arg6[%dma_wait3A_352, %dma_wait3A_353] : memref<325008x128xf32, #tpu.memory_space<hbm>> -> memref<8x128xf32, #tpu.memory_space<hbm>>
        %dma_wait3A_355 = arith.constant 0 : i32
        %dma_wait3A_356 = arith.constant 0 : i32
        %dma_wait3A_357 = tpu.memref_slice %arg6[%dma_wait3A_355, %dma_wait3A_356] : memref<325008x128xf32, #tpu.memory_space<hbm>> -> memref<8x128xf32, #tpu.memory_space<hbm>>
        %dma_wait3A_358 = arith.constant 0 : i32
        %dma_wait3A_359 = arith.constant 0 : i32
        %dma_wait3A_360 = tpu.memref_slice %arg11[%dma_wait3A_358, %dma_wait3A_359] : memref<16x128xf32, #tpu.memory_space<vmem>> -> memref<8x128xf32, #tpu.memory_space<vmem>>
        tpu.wait_dma2 semaphore(%arg20 : memref<!tpu.dma_semaphore, #tpu.memory_space<semaphore_mem>>) src(%dma_wait3A_360 : memref<8x128xf32, #tpu.memory_space<vmem>>) dst(%dma_wait3A_357 : memref<8x128xf32, #tpu.memory_space<hbm>>)
        %dma_wait3A_361 = arith.constant 8 : i32
        %dma_wait3A_362 = arith.constant 0 : i32
        %dma_wait3A_363 = tpu.memref_slice %arg11[%dma_wait3A_361, %dma_wait3A_362] : memref<16x128xf32, #tpu.memory_space<vmem>> -> memref<8x128xf32, #tpu.memory_space<vmem>>
        %dma_wait3A_364 = arith.constant 0 : i32
        %dma_wait3A_365 = arith.constant 0 : i32
        %dma_wait3A_366 = tpu.memref_slice %arg6[%dma_wait3A_364, %dma_wait3A_365] : memref<325008x128xf32, #tpu.memory_space<hbm>> -> memref<8x128xf32, #tpu.memory_space<hbm>>
        %dma_wait3A_367 = arith.constant 0 : i32
        %dma_wait3A_368 = arith.constant 0 : i32
        %dma_wait3A_369 = tpu.memref_slice %arg6[%dma_wait3A_367, %dma_wait3A_368] : memref<325008x128xf32, #tpu.memory_space<hbm>> -> memref<8x128xf32, #tpu.memory_space<hbm>>
        %dma_wait3A_370 = arith.constant 8 : i32
        %dma_wait3A_371 = arith.constant 0 : i32
        %dma_wait3A_372 = tpu.memref_slice %arg11[%dma_wait3A_370, %dma_wait3A_371] : memref<16x128xf32, #tpu.memory_space<vmem>> -> memref<8x128xf32, #tpu.memory_space<vmem>>
        tpu.wait_dma2 semaphore(%arg20 : memref<!tpu.dma_semaphore, #tpu.memory_space<semaphore_mem>>) src(%dma_wait3A_372 : memref<8x128xf32, #tpu.memory_space<vmem>>) dst(%dma_wait3A_369 : memref<8x128xf32, #tpu.memory_space<hbm>>)
      } else {
      }
      %add3A_315 = arith.addi %mul3A_13, %add3A_303 : i32
      %mul3A_316 = arith.constant 8 : i32
      %mul3A_317 = arith.muli %add3A_315, %mul3A_316 : i32
      %dma_start3A_318 = arith.constant 0 : i32
      %dma_start3A_319 = arith.constant 0 : i32
      %dma_start3A_320 = tpu.memref_slice %arg11[%dma_start3A_318, %dma_start3A_319] : memref<16x128xf32, #tpu.memory_space<vmem>> -> memref<8x128xf32, #tpu.memory_space<vmem>>
      %dma_start3A_321 = arith.constant 0 : i32
      %dma_start3A_322 = tpu.memref_slice %arg6[%mul3A_317, %dma_start3A_321] : memref<325008x128xf32, #tpu.memory_space<hbm>> -> memref<8x128xf32, #tpu.memory_space<hbm>>
      %dma_start3A_323 = arith.constant 0 : i32
      %dma_start3A_324 = tpu.memref_slice %arg6[%mul3A_317, %dma_start3A_323] : memref<325008x128xf32, #tpu.memory_space<hbm>> -> memref<8x128xf32, #tpu.memory_space<hbm>>
      %dma_start3A_325 = arith.constant 0 : i32
      %dma_start3A_326 = arith.constant 0 : i32
      %dma_start3A_327 = tpu.memref_slice %arg11[%dma_start3A_325, %dma_start3A_326] : memref<16x128xf32, #tpu.memory_space<vmem>> -> memref<8x128xf32, #tpu.memory_space<vmem>>
      tpu.enqueue_dma source(%dma_start3A_327 : memref<8x128xf32, #tpu.memory_space<vmem>>) target(%dma_start3A_324 : memref<8x128xf32, #tpu.memory_space<hbm>>) target_semaphore(%arg20 : memref<!tpu.dma_semaphore, #tpu.memory_space<semaphore_mem>>)
      %add3A_328 = arith.constant 20313 : i32
      %add3A_329 = arith.addi %add3A_328, %add3A_315 : i32
      %mul3A_330 = arith.constant 8 : i32
      %mul3A_331 = arith.muli %add3A_329, %mul3A_330 : i32
      %dma_start3A_332 = arith.constant 8 : i32
      %dma_start3A_333 = arith.constant 0 : i32
      %dma_start3A_334 = tpu.memref_slice %arg11[%dma_start3A_332, %dma_start3A_333] : memref<16x128xf32, #tpu.memory_space<vmem>> -> memref<8x128xf32, #tpu.memory_space<vmem>>
      %dma_start3A_335 = arith.constant 0 : i32
      %dma_start3A_336 = tpu.memref_slice %arg6[%mul3A_331, %dma_start3A_335] : memref<325008x128xf32, #tpu.memory_space<hbm>> -> memref<8x128xf32, #tpu.memory_space<hbm>>
      %dma_start3A_337 = arith.constant 0 : i32
      %dma_start3A_338 = tpu.memref_slice %arg6[%mul3A_331, %dma_start3A_337] : memref<325008x128xf32, #tpu.memory_space<hbm>> -> memref<8x128xf32, #tpu.memory_space<hbm>>
      %dma_start3A_339 = arith.constant 8 : i32
      %dma_start3A_340 = arith.constant 0 : i32
      %dma_start3A_341 = tpu.memref_slice %arg11[%dma_start3A_339, %dma_start3A_340] : memref<16x128xf32, #tpu.memory_space<vmem>> -> memref<8x128xf32, #tpu.memory_space<vmem>>
      tpu.enqueue_dma source(%dma_start3A_341 : memref<8x128xf32, #tpu.memory_space<vmem>>) target(%dma_start3A_338 : memref<8x128xf32, #tpu.memory_space<hbm>>) target_semaphore(%arg20 : memref<!tpu.dma_semaphore, #tpu.memory_space<semaphore_mem>>)
      %add3A_342 = arith.constant 4 : i32
      %add3A_343 = arith.addi %add3A_303, %add3A_342 : i32
      %lt3A_344 = arith.constant 632 : i32
      %lt3A_345 = arith.cmpi slt, %add3A_343, %lt3A_344 : i32
      %convert_element_type3A_346 = arith.extui %lt3A_345 : i1 to i32
      %cond3A_347 = arith.constant 0 : i32
      %cond3A_348 = arith.cmpi ne, %convert_element_type3A_346, %cond3A_347 : i32
      scf.if %cond3A_348 {
        %add3A_349 = arith.addi %mul3A_13, %add3A_303 : i32
        %add3A_350 = arith.constant 4 : i32
        %add3A_351 = arith.addi %add3A_349, %add3A_350 : i32
        %mul3A_352 = arith.constant 128 : i32
        %mul3A_353 = arith.muli %add3A_351, %mul3A_352 : i32
        %dma_start3A_354 = arith.constant 0 : i32
        %dma_start3A_355 = tpu.memref_slice %arg3[%dma_start3A_354, %mul3A_353] : memref<16x2600000xf32, #tpu.memory_space<hbm>> -> memref<16x128xf32, #tpu.memory_space<hbm>>
        %dma_start3A_356 = arith.constant 0 : i32
        %dma_start3A_357 = tpu.memref_slice %arg3[%dma_start3A_356, %mul3A_353] : memref<16x2600000xf32, #tpu.memory_space<hbm>> -> memref<16x128xf32, #tpu.memory_space<hbm>>
        tpu.enqueue_dma source(%dma_start3A_357 : memref<16x128xf32, #tpu.memory_space<hbm>>) target(%arg11 : memref<16x128xf32, #tpu.memory_space<vmem>>) target_semaphore(%arg16 : memref<!tpu.dma_semaphore, #tpu.memory_space<semaphore_mem>>)
      } else {
      }
    }
    %scan3A_50 = arith.constant 158 : i32
    %dma_wait3A = arith.constant 0 : i32
    %dma_wait3A_51 = arith.constant 0 : i32
    %dma_wait3A_52 = tpu.memref_slice %arg8[%dma_wait3A, %dma_wait3A_51] : memref<16x128xf32, #tpu.memory_space<vmem>> -> memref<8x128xf32, #tpu.memory_space<vmem>>
    %dma_wait3A_53 = arith.constant 0 : i32
    %dma_wait3A_54 = arith.constant 0 : i32
    %dma_wait3A_55 = tpu.memref_slice %arg6[%dma_wait3A_53, %dma_wait3A_54] : memref<325008x128xf32, #tpu.memory_space<hbm>> -> memref<8x128xf32, #tpu.memory_space<hbm>>
    %dma_wait3A_56 = arith.constant 0 : i32
    %dma_wait3A_57 = arith.constant 0 : i32
    %dma_wait3A_58 = tpu.memref_slice %arg6[%dma_wait3A_56, %dma_wait3A_57] : memref<325008x128xf32, #tpu.memory_space<hbm>> -> memref<8x128xf32, #tpu.memory_space<hbm>>
    %dma_wait3A_59 = arith.constant 0 : i32
    %dma_wait3A_60 = arith.constant 0 : i32
    %dma_wait3A_61 = tpu.memref_slice %arg8[%dma_wait3A_59, %dma_wait3A_60] : memref<16x128xf32, #tpu.memory_space<vmem>> -> memref<8x128xf32, #tpu.memory_space<vmem>>
    tpu.wait_dma2 semaphore(%arg17 : memref<!tpu.dma_semaphore, #tpu.memory_space<semaphore_mem>>) src(%dma_wait3A_61 : memref<8x128xf32, #tpu.memory_space<vmem>>) dst(%dma_wait3A_58 : memref<8x128xf32, #tpu.memory_space<hbm>>)
    %dma_wait3A_62 = arith.constant 8 : i32
    %dma_wait3A_63 = arith.constant 0 : i32
    %dma_wait3A_64 = tpu.memref_slice %arg8[%dma_wait3A_62, %dma_wait3A_63] : memref<16x128xf32, #tpu.memory_space<vmem>> -> memref<8x128xf32, #tpu.memory_space<vmem>>
    %dma_wait3A_65 = arith.constant 0 : i32
    %dma_wait3A_66 = arith.constant 0 : i32
    %dma_wait3A_67 = tpu.memref_slice %arg6[%dma_wait3A_65, %dma_wait3A_66] : memref<325008x128xf32, #tpu.memory_space<hbm>> -> memref<8x128xf32, #tpu.memory_space<hbm>>
    %dma_wait3A_68 = arith.constant 0 : i32
    %dma_wait3A_69 = arith.constant 0 : i32
    %dma_wait3A_70 = tpu.memref_slice %arg6[%dma_wait3A_68, %dma_wait3A_69] : memref<325008x128xf32, #tpu.memory_space<hbm>> -> memref<8x128xf32, #tpu.memory_space<hbm>>
    %dma_wait3A_71 = arith.constant 8 : i32
    %dma_wait3A_72 = arith.constant 0 : i32
    %dma_wait3A_73 = tpu.memref_slice %arg8[%dma_wait3A_71, %dma_wait3A_72] : memref<16x128xf32, #tpu.memory_space<vmem>> -> memref<8x128xf32, #tpu.memory_space<vmem>>
    tpu.wait_dma2 semaphore(%arg17 : memref<!tpu.dma_semaphore, #tpu.memory_space<semaphore_mem>>) src(%dma_wait3A_73 : memref<8x128xf32, #tpu.memory_space<vmem>>) dst(%dma_wait3A_70 : memref<8x128xf32, #tpu.memory_space<hbm>>)
    %dma_wait3A_74 = arith.constant 0 : i32
    %dma_wait3A_75 = arith.constant 0 : i32
    %dma_wait3A_76 = tpu.memref_slice %arg9[%dma_wait3A_74, %dma_wait3A_75] : memref<16x128xf32, #tpu.memory_space<vmem>> -> memref<8x128xf32, #tpu.memory_space<vmem>>
    %dma_wait3A_77 = arith.constant 0 : i32
    %dma_wait3A_78 = arith.constant 0 : i32
    %dma_wait3A_79 = tpu.memref_slice %arg6[%dma_wait3A_77, %dma_wait3A_78] : memref<325008x128xf32, #tpu.memory_space<hbm>> -> memref<8x128xf32, #tpu.memory_space<hbm>>
    %dma_wait3A_80 = arith.constant 0 : i32
    %dma_wait3A_81 = arith.constant 0 : i32
    %dma_wait3A_82 = tpu.memref_slice %arg6[%dma_wait3A_80, %dma_wait3A_81] : memref<325008x128xf32, #tpu.memory_space<hbm>> -> memref<8x128xf32, #tpu.memory_space<hbm>>
    %dma_wait3A_83 = arith.constant 0 : i32
    %dma_wait3A_84 = arith.constant 0 : i32
    %dma_wait3A_85 = tpu.memref_slice %arg9[%dma_wait3A_83, %dma_wait3A_84] : memref<16x128xf32, #tpu.memory_space<vmem>> -> memref<8x128xf32, #tpu.memory_space<vmem>>
    tpu.wait_dma2 semaphore(%arg18 : memref<!tpu.dma_semaphore, #tpu.memory_space<semaphore_mem>>) src(%dma_wait3A_85 : memref<8x128xf32, #tpu.memory_space<vmem>>) dst(%dma_wait3A_82 : memref<8x128xf32, #tpu.memory_space<hbm>>)
    %dma_wait3A_86 = arith.constant 8 : i32
    %dma_wait3A_87 = arith.constant 0 : i32
    %dma_wait3A_88 = tpu.memref_slice %arg9[%dma_wait3A_86, %dma_wait3A_87] : memref<16x128xf32, #tpu.memory_space<vmem>> -> memref<8x128xf32, #tpu.memory_space<vmem>>
    %dma_wait3A_89 = arith.constant 0 : i32
    %dma_wait3A_90 = arith.constant 0 : i32
    %dma_wait3A_91 = tpu.memref_slice %arg6[%dma_wait3A_89, %dma_wait3A_90] : memref<325008x128xf32, #tpu.memory_space<hbm>> -> memref<8x128xf32, #tpu.memory_space<hbm>>
    %dma_wait3A_92 = arith.constant 0 : i32
    %dma_wait3A_93 = arith.constant 0 : i32
    %dma_wait3A_94 = tpu.memref_slice %arg6[%dma_wait3A_92, %dma_wait3A_93] : memref<325008x128xf32, #tpu.memory_space<hbm>> -> memref<8x128xf32, #tpu.memory_space<hbm>>
    %dma_wait3A_95 = arith.constant 8 : i32
    %dma_wait3A_96 = arith.constant 0 : i32
    %dma_wait3A_97 = tpu.memref_slice %arg9[%dma_wait3A_95, %dma_wait3A_96] : memref<16x128xf32, #tpu.memory_space<vmem>> -> memref<8x128xf32, #tpu.memory_space<vmem>>
    tpu.wait_dma2 semaphore(%arg18 : memref<!tpu.dma_semaphore, #tpu.memory_space<semaphore_mem>>) src(%dma_wait3A_97 : memref<8x128xf32, #tpu.memory_space<vmem>>) dst(%dma_wait3A_94 : memref<8x128xf32, #tpu.memory_space<hbm>>)
    %dma_wait3A_98 = arith.constant 0 : i32
    %dma_wait3A_99 = arith.constant 0 : i32
    %dma_wait3A_100 = tpu.memref_slice %arg10[%dma_wait3A_98, %dma_wait3A_99] : memref<16x128xf32, #tpu.memory_space<vmem>> -> memref<8x128xf32, #tpu.memory_space<vmem>>
    %dma_wait3A_101 = arith.constant 0 : i32
    %dma_wait3A_102 = arith.constant 0 : i32
    %dma_wait3A_103 = tpu.memref_slice %arg6[%dma_wait3A_101, %dma_wait3A_102] : memref<325008x128xf32, #tpu.memory_space<hbm>> -> memref<8x128xf32, #tpu.memory_space<hbm>>
    %dma_wait3A_104 = arith.constant 0 : i32
    %dma_wait3A_105 = arith.constant 0 : i32
    %dma_wait3A_106 = tpu.memref_slice %arg6[%dma_wait3A_104, %dma_wait3A_105] : memref<325008x128xf32, #tpu.memory_space<hbm>> -> memref<8x128xf32, #tpu.memory_space<hbm>>
    %dma_wait3A_107 = arith.constant 0 : i32
    %dma_wait3A_108 = arith.constant 0 : i32
    %dma_wait3A_109 = tpu.memref_slice %arg10[%dma_wait3A_107, %dma_wait3A_108] : memref<16x128xf32, #tpu.memory_space<vmem>> -> memref<8x128xf32, #tpu.memory_space<vmem>>
    tpu.wait_dma2 semaphore(%arg19 : memref<!tpu.dma_semaphore, #tpu.memory_space<semaphore_mem>>) src(%dma_wait3A_109 : memref<8x128xf32, #tpu.memory_space<vmem>>) dst(%dma_wait3A_106 : memref<8x128xf32, #tpu.memory_space<hbm>>)
    %dma_wait3A_110 = arith.constant 8 : i32
    %dma_wait3A_111 = arith.constant 0 : i32
    %dma_wait3A_112 = tpu.memref_slice %arg10[%dma_wait3A_110, %dma_wait3A_111] : memref<16x128xf32, #tpu.memory_space<vmem>> -> memref<8x128xf32, #tpu.memory_space<vmem>>
    %dma_wait3A_113 = arith.constant 0 : i32
    %dma_wait3A_114 = arith.constant 0 : i32
    %dma_wait3A_115 = tpu.memref_slice %arg6[%dma_wait3A_113, %dma_wait3A_114] : memref<325008x128xf32, #tpu.memory_space<hbm>> -> memref<8x128xf32, #tpu.memory_space<hbm>>
    %dma_wait3A_116 = arith.constant 0 : i32
    %dma_wait3A_117 = arith.constant 0 : i32
    %dma_wait3A_118 = tpu.memref_slice %arg6[%dma_wait3A_116, %dma_wait3A_117] : memref<325008x128xf32, #tpu.memory_space<hbm>> -> memref<8x128xf32, #tpu.memory_space<hbm>>
    %dma_wait3A_119 = arith.constant 8 : i32
    %dma_wait3A_120 = arith.constant 0 : i32
    %dma_wait3A_121 = tpu.memref_slice %arg10[%dma_wait3A_119, %dma_wait3A_120] : memref<16x128xf32, #tpu.memory_space<vmem>> -> memref<8x128xf32, #tpu.memory_space<vmem>>
    tpu.wait_dma2 semaphore(%arg19 : memref<!tpu.dma_semaphore, #tpu.memory_space<semaphore_mem>>) src(%dma_wait3A_121 : memref<8x128xf32, #tpu.memory_space<vmem>>) dst(%dma_wait3A_118 : memref<8x128xf32, #tpu.memory_space<hbm>>)
    %dma_wait3A_122 = arith.constant 0 : i32
    %dma_wait3A_123 = arith.constant 0 : i32
    %dma_wait3A_124 = tpu.memref_slice %arg11[%dma_wait3A_122, %dma_wait3A_123] : memref<16x128xf32, #tpu.memory_space<vmem>> -> memref<8x128xf32, #tpu.memory_space<vmem>>
    %dma_wait3A_125 = arith.constant 0 : i32
    %dma_wait3A_126 = arith.constant 0 : i32
    %dma_wait3A_127 = tpu.memref_slice %arg6[%dma_wait3A_125, %dma_wait3A_126] : memref<325008x128xf32, #tpu.memory_space<hbm>> -> memref<8x128xf32, #tpu.memory_space<hbm>>
    %dma_wait3A_128 = arith.constant 0 : i32
    %dma_wait3A_129 = arith.constant 0 : i32
    %dma_wait3A_130 = tpu.memref_slice %arg6[%dma_wait3A_128, %dma_wait3A_129] : memref<325008x128xf32, #tpu.memory_space<hbm>> -> memref<8x128xf32, #tpu.memory_space<hbm>>
    %dma_wait3A_131 = arith.constant 0 : i32
    %dma_wait3A_132 = arith.constant 0 : i32
    %dma_wait3A_133 = tpu.memref_slice %arg11[%dma_wait3A_131, %dma_wait3A_132] : memref<16x128xf32, #tpu.memory_space<vmem>> -> memref<8x128xf32, #tpu.memory_space<vmem>>
    tpu.wait_dma2 semaphore(%arg20 : memref<!tpu.dma_semaphore, #tpu.memory_space<semaphore_mem>>) src(%dma_wait3A_133 : memref<8x128xf32, #tpu.memory_space<vmem>>) dst(%dma_wait3A_130 : memref<8x128xf32, #tpu.memory_space<hbm>>)
    %dma_wait3A_134 = arith.constant 8 : i32
    %dma_wait3A_135 = arith.constant 0 : i32
    %dma_wait3A_136 = tpu.memref_slice %arg11[%dma_wait3A_134, %dma_wait3A_135] : memref<16x128xf32, #tpu.memory_space<vmem>> -> memref<8x128xf32, #tpu.memory_space<vmem>>
    %dma_wait3A_137 = arith.constant 0 : i32
    %dma_wait3A_138 = arith.constant 0 : i32
    %dma_wait3A_139 = tpu.memref_slice %arg6[%dma_wait3A_137, %dma_wait3A_138] : memref<325008x128xf32, #tpu.memory_space<hbm>> -> memref<8x128xf32, #tpu.memory_space<hbm>>
    %dma_wait3A_140 = arith.constant 0 : i32
    %dma_wait3A_141 = arith.constant 0 : i32
    %dma_wait3A_142 = tpu.memref_slice %arg6[%dma_wait3A_140, %dma_wait3A_141] : memref<325008x128xf32, #tpu.memory_space<hbm>> -> memref<8x128xf32, #tpu.memory_space<hbm>>
    %dma_wait3A_143 = arith.constant 8 : i32
    %dma_wait3A_144 = arith.constant 0 : i32
    %dma_wait3A_145 = tpu.memref_slice %arg11[%dma_wait3A_143, %dma_wait3A_144] : memref<16x128xf32, #tpu.memory_space<vmem>> -> memref<8x128xf32, #tpu.memory_space<vmem>>
    tpu.wait_dma2 semaphore(%arg20 : memref<!tpu.dma_semaphore, #tpu.memory_space<semaphore_mem>>) src(%dma_wait3A_145 : memref<8x128xf32, #tpu.memory_space<vmem>>) dst(%dma_wait3A_142 : memref<8x128xf32, #tpu.memory_space<hbm>>)
    %scan3A_146 = arith.constant 0 : i32
    %scan3A_147 = arith.constant 0 : i32
    %scan3A_148 = arith.constant 3 : i32
    %scan3A_149 = arith.addi %scan3A_147, %scan3A_148 : i32
    %scan3A_150 = arith.constant 1 : i32
    scf.for %scan3A_154 = %scan3A_147 to %scan3A_149 step %scan3A_150  : i32 {
      %add3A_155 = arith.constant 20224 : i32
      %add3A_156 = arith.addi %add3A_155, %add3A : i32
      %mul3A_157 = arith.constant 32 : i32
      %mul3A_158 = arith.muli %scan3A_154, %mul3A_157 : i32
      %add3A_159 = arith.addi %add3A_156, %mul3A_158 : i32
      %lt3A = arith.constant 20312 : i32
      %lt3A_160 = arith.cmpi slt, %add3A_159, %lt3A : i32
      %convert_element_type3A_161 = arith.extui %lt3A_160 : i1 to i32
      %cond3A_162 = arith.constant 0 : i32
      %cond3A_163 = arith.cmpi ne, %convert_element_type3A_161, %cond3A_162 : i32
      scf.if %cond3A_163 {
        %mul3A_164 = arith.constant 128 : i32
        %mul3A_165 = arith.muli %add3A_159, %mul3A_164 : i32
        "tpu.region"() ({
          %run_scoped3A = tpu.sem_alloc : memref<!tpu.dma_semaphore, #tpu.memory_space<semaphore_mem>>
          %dma_start3A_172 = arith.constant 0 : i32
          %dma_start3A_173 = tpu.memref_slice %arg3[%dma_start3A_172, %mul3A_165] : memref<16x2600000xf32, #tpu.memory_space<hbm>> -> memref<16x128xf32, #tpu.memory_space<hbm>>
          %dma_start3A_174 = arith.constant 0 : i32
          %dma_start3A_175 = tpu.memref_slice %arg3[%dma_start3A_174, %mul3A_165] : memref<16x2600000xf32, #tpu.memory_space<hbm>> -> memref<16x128xf32, #tpu.memory_space<hbm>>
          tpu.enqueue_dma source(%dma_start3A_175 : memref<16x128xf32, #tpu.memory_space<hbm>>) target(%arg8 : memref<16x128xf32, #tpu.memory_space<vmem>>) target_semaphore(%run_scoped3A : memref<!tpu.dma_semaphore, #tpu.memory_space<semaphore_mem>>)
          %dma_wait3A_176 = arith.constant 0 : i32
          %dma_wait3A_177 = tpu.memref_slice %arg3[%dma_wait3A_176, %mul3A_165] : memref<16x2600000xf32, #tpu.memory_space<hbm>> -> memref<16x128xf32, #tpu.memory_space<hbm>>
          %dma_wait3A_178 = arith.constant 0 : i32
          %dma_wait3A_179 = tpu.memref_slice %arg3[%dma_wait3A_178, %mul3A_165] : memref<16x2600000xf32, #tpu.memory_space<hbm>> -> memref<16x128xf32, #tpu.memory_space<hbm>>
          tpu.wait_dma2 semaphore(%run_scoped3A : memref<!tpu.dma_semaphore, #tpu.memory_space<semaphore_mem>>) src(%dma_wait3A_179 : memref<16x128xf32, #tpu.memory_space<hbm>>) dst(%arg8 : memref<16x128xf32, #tpu.memory_space<vmem>>)
          tpu.yield
        }) : () -> ()
        %mul3A_166 = arith.constant 8 : i32
        %mul3A_167 = arith.muli %add3A_159, %mul3A_166 : i32
        "tpu.region"() ({
          %run_scoped3A = tpu.sem_alloc : memref<!tpu.dma_semaphore, #tpu.memory_space<semaphore_mem>>
          %dma_start3A_172 = arith.constant 0 : i32
          %dma_start3A_173 = arith.constant 0 : i32
          %dma_start3A_174 = tpu.memref_slice %arg8[%dma_start3A_172, %dma_start3A_173] : memref<16x128xf32, #tpu.memory_space<vmem>> -> memref<8x128xf32, #tpu.memory_space<vmem>>
          %dma_start3A_175 = arith.constant 0 : i32
          %dma_start3A_176 = tpu.memref_slice %arg6[%mul3A_167, %dma_start3A_175] : memref<325008x128xf32, #tpu.memory_space<hbm>> -> memref<8x128xf32, #tpu.memory_space<hbm>>
          %dma_start3A_177 = arith.constant 0 : i32
          %dma_start3A_178 = tpu.memref_slice %arg6[%mul3A_167, %dma_start3A_177] : memref<325008x128xf32, #tpu.memory_space<hbm>> -> memref<8x128xf32, #tpu.memory_space<hbm>>
          %dma_start3A_179 = arith.constant 0 : i32
          %dma_start3A_180 = arith.constant 0 : i32
          %dma_start3A_181 = tpu.memref_slice %arg8[%dma_start3A_179, %dma_start3A_180] : memref<16x128xf32, #tpu.memory_space<vmem>> -> memref<8x128xf32, #tpu.memory_space<vmem>>
          tpu.enqueue_dma source(%dma_start3A_181 : memref<8x128xf32, #tpu.memory_space<vmem>>) target(%dma_start3A_178 : memref<8x128xf32, #tpu.memory_space<hbm>>) target_semaphore(%run_scoped3A : memref<!tpu.dma_semaphore, #tpu.memory_space<semaphore_mem>>)
          %dma_wait3A_182 = arith.constant 0 : i32
          %dma_wait3A_183 = arith.constant 0 : i32
          %dma_wait3A_184 = tpu.memref_slice %arg8[%dma_wait3A_182, %dma_wait3A_183] : memref<16x128xf32, #tpu.memory_space<vmem>> -> memref<8x128xf32, #tpu.memory_space<vmem>>
          %dma_wait3A_185 = arith.constant 0 : i32
          %dma_wait3A_186 = tpu.memref_slice %arg6[%mul3A_167, %dma_wait3A_185] : memref<325008x128xf32, #tpu.memory_space<hbm>> -> memref<8x128xf32, #tpu.memory_space<hbm>>
          %dma_wait3A_187 = arith.constant 0 : i32
          %dma_wait3A_188 = tpu.memref_slice %arg6[%mul3A_167, %dma_wait3A_187] : memref<325008x128xf32, #tpu.memory_space<hbm>> -> memref<8x128xf32, #tpu.memory_space<hbm>>
          %dma_wait3A_189 = arith.constant 0 : i32
          %dma_wait3A_190 = arith.constant 0 : i32
          %dma_wait3A_191 = tpu.memref_slice %arg8[%dma_wait3A_189, %dma_wait3A_190] : memref<16x128xf32, #tpu.memory_space<vmem>> -> memref<8x128xf32, #tpu.memory_space<vmem>>
          tpu.wait_dma2 semaphore(%run_scoped3A : memref<!tpu.dma_semaphore, #tpu.memory_space<semaphore_mem>>) src(%dma_wait3A_191 : memref<8x128xf32, #tpu.memory_space<vmem>>) dst(%dma_wait3A_188 : memref<8x128xf32, #tpu.memory_space<hbm>>)
          tpu.yield
        }) : () -> ()
        %add3A_168 = arith.constant 20313 : i32
        %add3A_169 = arith.addi %add3A_168, %add3A_159 : i32
        %mul3A_170 = arith.constant 8 : i32
        %mul3A_171 = arith.muli %add3A_169, %mul3A_170 : i32
        "tpu.region"() ({
          %run_scoped3A = tpu.sem_alloc : memref<!tpu.dma_semaphore, #tpu.memory_space<semaphore_mem>>
          %dma_start3A_172 = arith.constant 8 : i32
          %dma_start3A_173 = arith.constant 0 : i32
          %dma_start3A_174 = tpu.memref_slice %arg8[%dma_start3A_172, %dma_start3A_173] : memref<16x128xf32, #tpu.memory_space<vmem>> -> memref<8x128xf32, #tpu.memory_space<vmem>>
          %dma_start3A_175 = arith.constant 0 : i32
          %dma_start3A_176 = tpu.memref_slice %arg6[%mul3A_171, %dma_start3A_175] : memref<325008x128xf32, #tpu.memory_space<hbm>> -> memref<8x128xf32, #tpu.memory_space<hbm>>
          %dma_start3A_177 = arith.constant 0 : i32
          %dma_start3A_178 = tpu.memref_slice %arg6[%mul3A_171, %dma_start3A_177] : memref<325008x128xf32, #tpu.memory_space<hbm>> -> memref<8x128xf32, #tpu.memory_space<hbm>>
          %dma_start3A_179 = arith.constant 8 : i32
          %dma_start3A_180 = arith.constant 0 : i32
          %dma_start3A_181 = tpu.memref_slice %arg8[%dma_start3A_179, %dma_start3A_180] : memref<16x128xf32, #tpu.memory_space<vmem>> -> memref<8x128xf32, #tpu.memory_space<vmem>>
          tpu.enqueue_dma source(%dma_start3A_181 : memref<8x128xf32, #tpu.memory_space<vmem>>) target(%dma_start3A_178 : memref<8x128xf32, #tpu.memory_space<hbm>>) target_semaphore(%run_scoped3A : memref<!tpu.dma_semaphore, #tpu.memory_space<semaphore_mem>>)
          %dma_wait3A_182 = arith.constant 8 : i32
          %dma_wait3A_183 = arith.constant 0 : i32
          %dma_wait3A_184 = tpu.memref_slice %arg8[%dma_wait3A_182, %dma_wait3A_183] : memref<16x128xf32, #tpu.memory_space<vmem>> -> memref<8x128xf32, #tpu.memory_space<vmem>>
          %dma_wait3A_185 = arith.constant 0 : i32
          %dma_wait3A_186 = tpu.memref_slice %arg6[%mul3A_171, %dma_wait3A_185] : memref<325008x128xf32, #tpu.memory_space<hbm>> -> memref<8x128xf32, #tpu.memory_space<hbm>>
          %dma_wait3A_187 = arith.constant 0 : i32
          %dma_wait3A_188 = tpu.memref_slice %arg6[%mul3A_171, %dma_wait3A_187] : memref<325008x128xf32, #tpu.memory_space<hbm>> -> memref<8x128xf32, #tpu.memory_space<hbm>>
          %dma_wait3A_189 = arith.constant 8 : i32
          %dma_wait3A_190 = arith.constant 0 : i32
          %dma_wait3A_191 = tpu.memref_slice %arg8[%dma_wait3A_189, %dma_wait3A_190] : memref<16x128xf32, #tpu.memory_space<vmem>> -> memref<8x128xf32, #tpu.memory_space<vmem>>
          tpu.wait_dma2 semaphore(%run_scoped3A : memref<!tpu.dma_semaphore, #tpu.memory_space<semaphore_mem>>) src(%dma_wait3A_191 : memref<8x128xf32, #tpu.memory_space<vmem>>) dst(%dma_wait3A_188 : memref<8x128xf32, #tpu.memory_space<hbm>>)
          tpu.yield
        }) : () -> ()
      } else {
      }
    }
    %scan3A_151 = arith.constant 3 : i32
    %eq3A = arith.constant 31 : i32
    %eq3A_152 = arith.cmpi eq, %add3A, %eq3A : i32
    %convert_element_type3A = arith.extui %eq3A_152 : i1 to i32
    %cond3A = arith.constant 0 : i32
    %cond3A_153 = arith.cmpi ne, %convert_element_type3A, %cond3A : i32
    scf.if %cond3A_153 {
      "tpu.region"() ({
        %run_scoped3A = tpu.sem_alloc : memref<!tpu.dma_semaphore, #tpu.memory_space<semaphore_mem>>
        tpu.enqueue_dma source(%arg4 : memref<16x128xf32, #tpu.memory_space<hbm>>) target(%arg9 : memref<16x128xf32, #tpu.memory_space<vmem>>) target_semaphore(%run_scoped3A : memref<!tpu.dma_semaphore, #tpu.memory_space<semaphore_mem>>)
        tpu.wait_dma2 semaphore(%run_scoped3A : memref<!tpu.dma_semaphore, #tpu.memory_space<semaphore_mem>>) src(%arg4 : memref<16x128xf32, #tpu.memory_space<hbm>>) dst(%arg9 : memref<16x128xf32, #tpu.memory_space<vmem>>)
        tpu.yield
      }) : () -> ()
      "tpu.region"() ({
        %run_scoped3A = tpu.sem_alloc : memref<!tpu.dma_semaphore, #tpu.memory_space<semaphore_mem>>
        %dma_start3A_154 = arith.constant 0 : i32
        %dma_start3A_155 = arith.constant 64 : i32
        %dma_start3A_156 = tpu.memref_slice %arg9[%dma_start3A_154, %dma_start3A_155] : memref<16x128xf32, #tpu.memory_space<vmem>> -> memref<8x64xf32, #tpu.memory_space<vmem>>
        %dma_start3A_157 = arith.constant 162496 : i32
        %dma_start3A_158 = arith.constant 0 : i32
        %dma_start3A_159 = tpu.memref_slice %arg6[%dma_start3A_157, %dma_start3A_158] : memref<325008x128xf32, #tpu.memory_space<hbm>> -> memref<8x64xf32, #tpu.memory_space<hbm>>
        %dma_start3A_160 = arith.constant 162496 : i32
        %dma_start3A_161 = arith.constant 0 : i32
        %dma_start3A_162 = tpu.memref_slice %arg6[%dma_start3A_160, %dma_start3A_161] : memref<325008x128xf32, #tpu.memory_space<hbm>> -> memref<8x64xf32, #tpu.memory_space<hbm>>
        %dma_start3A_163 = arith.constant 0 : i32
        %dma_start3A_164 = arith.constant 64 : i32
        %dma_start3A_165 = tpu.memref_slice %arg9[%dma_start3A_163, %dma_start3A_164] : memref<16x128xf32, #tpu.memory_space<vmem>> -> memref<8x64xf32, #tpu.memory_space<vmem>>
        tpu.enqueue_dma source(%dma_start3A_165 : memref<8x64xf32, #tpu.memory_space<vmem>>) target(%dma_start3A_162 : memref<8x64xf32, #tpu.memory_space<hbm>>) target_semaphore(%run_scoped3A : memref<!tpu.dma_semaphore, #tpu.memory_space<semaphore_mem>>)
        %dma_wait3A_166 = arith.constant 0 : i32
        %dma_wait3A_167 = arith.constant 64 : i32
        %dma_wait3A_168 = tpu.memref_slice %arg9[%dma_wait3A_166, %dma_wait3A_167] : memref<16x128xf32, #tpu.memory_space<vmem>> -> memref<8x64xf32, #tpu.memory_space<vmem>>
        %dma_wait3A_169 = arith.constant 162496 : i32
        %dma_wait3A_170 = arith.constant 0 : i32
        %dma_wait3A_171 = tpu.memref_slice %arg6[%dma_wait3A_169, %dma_wait3A_170] : memref<325008x128xf32, #tpu.memory_space<hbm>> -> memref<8x64xf32, #tpu.memory_space<hbm>>
        %dma_wait3A_172 = arith.constant 162496 : i32
        %dma_wait3A_173 = arith.constant 0 : i32
        %dma_wait3A_174 = tpu.memref_slice %arg6[%dma_wait3A_172, %dma_wait3A_173] : memref<325008x128xf32, #tpu.memory_space<hbm>> -> memref<8x64xf32, #tpu.memory_space<hbm>>
        %dma_wait3A_175 = arith.constant 0 : i32
        %dma_wait3A_176 = arith.constant 64 : i32
        %dma_wait3A_177 = tpu.memref_slice %arg9[%dma_wait3A_175, %dma_wait3A_176] : memref<16x128xf32, #tpu.memory_space<vmem>> -> memref<8x64xf32, #tpu.memory_space<vmem>>
        tpu.wait_dma2 semaphore(%run_scoped3A : memref<!tpu.dma_semaphore, #tpu.memory_space<semaphore_mem>>) src(%dma_wait3A_177 : memref<8x64xf32, #tpu.memory_space<vmem>>) dst(%dma_wait3A_174 : memref<8x64xf32, #tpu.memory_space<hbm>>)
        tpu.yield
      }) : () -> ()
      "tpu.region"() ({
        %run_scoped3A = tpu.sem_alloc : memref<!tpu.dma_semaphore, #tpu.memory_space<semaphore_mem>>
        %dma_start3A_154 = arith.constant 8 : i32
        %dma_start3A_155 = arith.constant 64 : i32
        %dma_start3A_156 = tpu.memref_slice %arg9[%dma_start3A_154, %dma_start3A_155] : memref<16x128xf32, #tpu.memory_space<vmem>> -> memref<8x64xf32, #tpu.memory_space<vmem>>
        %dma_start3A_157 = arith.constant 325000 : i32
        %dma_start3A_158 = arith.constant 0 : i32
        %dma_start3A_159 = tpu.memref_slice %arg6[%dma_start3A_157, %dma_start3A_158] : memref<325008x128xf32, #tpu.memory_space<hbm>> -> memref<8x64xf32, #tpu.memory_space<hbm>>
        %dma_start3A_160 = arith.constant 325000 : i32
        %dma_start3A_161 = arith.constant 0 : i32
        %dma_start3A_162 = tpu.memref_slice %arg6[%dma_start3A_160, %dma_start3A_161] : memref<325008x128xf32, #tpu.memory_space<hbm>> -> memref<8x64xf32, #tpu.memory_space<hbm>>
        %dma_start3A_163 = arith.constant 8 : i32
        %dma_start3A_164 = arith.constant 64 : i32
        %dma_start3A_165 = tpu.memref_slice %arg9[%dma_start3A_163, %dma_start3A_164] : memref<16x128xf32, #tpu.memory_space<vmem>> -> memref<8x64xf32, #tpu.memory_space<vmem>>
        tpu.enqueue_dma source(%dma_start3A_165 : memref<8x64xf32, #tpu.memory_space<vmem>>) target(%dma_start3A_162 : memref<8x64xf32, #tpu.memory_space<hbm>>) target_semaphore(%run_scoped3A : memref<!tpu.dma_semaphore, #tpu.memory_space<semaphore_mem>>)
        %dma_wait3A_166 = arith.constant 8 : i32
        %dma_wait3A_167 = arith.constant 64 : i32
        %dma_wait3A_168 = tpu.memref_slice %arg9[%dma_wait3A_166, %dma_wait3A_167] : memref<16x128xf32, #tpu.memory_space<vmem>> -> memref<8x64xf32, #tpu.memory_space<vmem>>
        %dma_wait3A_169 = arith.constant 325000 : i32
        %dma_wait3A_170 = arith.constant 0 : i32
        %dma_wait3A_171 = tpu.memref_slice %arg6[%dma_wait3A_169, %dma_wait3A_170] : memref<325008x128xf32, #tpu.memory_space<hbm>> -> memref<8x64xf32, #tpu.memory_space<hbm>>
        %dma_wait3A_172 = arith.constant 325000 : i32
        %dma_wait3A_173 = arith.constant 0 : i32
        %dma_wait3A_174 = tpu.memref_slice %arg6[%dma_wait3A_172, %dma_wait3A_173] : memref<325008x128xf32, #tpu.memory_space<hbm>> -> memref<8x64xf32, #tpu.memory_space<hbm>>
        %dma_wait3A_175 = arith.constant 8 : i32
        %dma_wait3A_176 = arith.constant 64 : i32
        %dma_wait3A_177 = tpu.memref_slice %arg9[%dma_wait3A_175, %dma_wait3A_176] : memref<16x128xf32, #tpu.memory_space<vmem>> -> memref<8x64xf32, #tpu.memory_space<vmem>>
        tpu.wait_dma2 semaphore(%run_scoped3A : memref<!tpu.dma_semaphore, #tpu.memory_space<semaphore_mem>>) src(%dma_wait3A_177 : memref<8x64xf32, #tpu.memory_space<vmem>>) dst(%dma_wait3A_174 : memref<8x64xf32, #tpu.memory_space<hbm>>)
        tpu.yield
      }) : () -> ()
    } else {
    }
    return
  }
}

</mosaic_0001>

<sc_bundles>
// kernel: _prep_call.3.cloned.1.call-start
scs
__scs_entry_jumppad:
0x0: {  	(pc) =	sbr.rel $0x88, $3  }
0x1: {  	(tag) =	ssettag $0x0;
	lr =	simm.s32 $0x1  }
0x2: {  	[smem:$0x3F9E] =	sst lr;
	_ =	strace $0xD0000000  }
0x3: {  	_ = 	snop  }
0x4: {  	_ = 	snop  }
0x5: {  	_ = 	snop  }
0x6: {  	_ = 	snop  }
0x7: {  	_ = 	snop  }
__scs_overlays_trampoline_lowered:
0x8: {  	[smem:$0x3FAD] =	sst s0  }
0x9: {  	[smem:$0x3FAE] =	sst s1  }
0xa: {  	[smem:$0x3FAF] =	sst s2  }
0xb: {  	[smem:$0x3FB0] =	sst s3  }
0xc: {  	[smem:$0x3FB1] =	sst s4  }
0xd: {  	[smem:$0x3FB2] =	sst s5  }
0xe: {  	[smem:$0x3FB3] =	sst s6  }
0xf: {  	[smem:$0x3FB4] =	sst s7  }
0x10: {  	[smem:$0x3FB5] =	sst s8  }
0x11: {  	[smem:$0x3FB6] =	sst s9;
	s0 =	simm.s32 @!p0 $0x0  }
0x12: {  	s1 =	sld [smem:$0x3F9C];
	s0 =	simm.s32 @p0 $0x1  }
0x13: {  	[smem:$0x3FB7] =	sst s0;
	s0 =	simm.s32 @!p1 $0x0  }
0x14: {  	s2 =	sld [smem:$0x3F9B];
	s0 =	simm.s32 @p1 $0x1  }
0x15: {  	[smem:$0x3FB8] =	sst s0;
	s0 =	simm.s32 @!p2 $0x0  }
0x16: {  	s3 =	sld [smem:$0x3FDB];
	s0 =	simm.s32 @p2 $0x1  }
0x17: {  	s4 =	simm.s32 $0x1BF5;
	[smem:$0x3FBA] =	sst s0  }
0x18: {  	s0 =	sld [smem:$0x3F9D];
	_ =	swait.ge [sflag:s4], $0x0  }
0x19: {  	s7 =	sld [smem:$0x3F9E]  }
0x1a: {  	s8 =	sadd.s32 $0xFFFFE003, lr  }
0x1b: {  	s9 =	sadd.s32 $0xFFFFFEF7, lr;
	s5 =	simm.s32 $0xFFFFFFFF;
	p2 =	slt.u32 s8, $0xFFFFF086  }
0x1c: {  	p1 =	slt.u32 s9, $0xF7A;
	s5 =	simm.s32 @!p2 $0x0  }
0x1d: {  	s5 =	simm.s32 @p1 $0x1;
	p0 =	seq.s32 s7, s2  }
0x1e: {  	s7 =	smul.u32 @!p0 $0xF7A, s2;
	p2 =	seq.s32 @!p0 s5, $0x0  }
0x1f: {  	s9 =	smul.u32 $0xF7A, s1;
	s8 =	simm.s32 @!p0 $0x1BF5;
	p2 =	por !p2, p0  }
0x20: {  	[sflag:s8] =	ssyncset.s32 @!p0 $0xFFFFF086;
	s6 =	sadd.s32 @!p0 s3, s7;
	s7 =	simm.s32 @!p0 $0x108  }
0x21: {  	s3 =	sadd.s32 s3, s9;
	s6 =	sadd.s32 @!p0 $0x88, s6;
	s7 =	simm.s32 @p2 $0x1082  }
0x22: {  	[simem:s7], [sflag:s8] =	dma.local @!p0 [hbm:s6], $0xF7A  }
0x23: {  	s9 =	sor.u32 $0xD0000000, s2;
	s6 =	simm.s32 $0x108;
	_ =	swait.ge @!p0 [sflag:s8], $0x0  }
0x24: {  	s3 =	sadd.s32 $0x88, s3;
	s6 =	simm.s32 @!p1 $0x1082;
	[sflag:s4] =	ssyncset.s32 $0xFFFFF086  }
0x25: {  	[simem:s6], [sflag:s4] =	dma.local [hbm:s3], $0xF7A  }
0x26: {  	[smem:$0x3F9E] =	sst s1;
	(tag) =	ssettag s2;
	_ =	strace s9  }
0x27: {  	s1 =	sld [smem:$0x3FAE]  }
0x28: {  	s2 =	sld [smem:$0x3FAF]  }
0x29: {  	s4 =	sld [smem:$0x3FB1]  }
0x2a: {  	p0 =	seq.s32 s5, $0x0;
	s5 =	sld [smem:$0x3FB2]  }
0x2b: {  	s6 =	sld [smem:$0x3FB3]  }
0x2c: {  	s7 =	sld [smem:$0x3FB4]  }
0x2d: {  	s3 =	simm.s32 $0x108;
	s8 =	sld [smem:$0x3FB5]  }
0x2e: {  	s3 =	simm.s32 @!p0 $0x1082;
	s9 =	sld [smem:$0x3FB6]  }
0x2f: {  	lr =	sadd.s32 s0, s3;
	s0 =	sld [smem:$0x3FAD]  }
0x30: {  	s3 =	sld [smem:$0x3FB0]  }
0x31: {  	[smem:$0x3FB9] =	sst s10  }
0x32: {  	s10 =	sld [smem:$0x3FB7];
	_ =	sdelay $0x3  }
0x33: {  	p0 =	seq.s32 s10, $0x1;
	s10 =	sld [smem:$0x3FB9];
	_ =	sdelay $0x3  }
0x34: {  	[smem:$0x3FB9] =	sst s10  }
0x35: {  	s10 =	sld [smem:$0x3FB8];
	_ =	sdelay $0x3  }
0x36: {  	p1 =	seq.s32 s10, $0x1;
	s10 =	sld [smem:$0x3FB9];
	_ =	sdelay $0x3  }
0x37: {  	[smem:$0x3FB9] =	sst s10  }
0x38: {  	s10 =	sld [smem:$0x3FBA]  }
0x39: {  	_ = 	snop;
	(pc) =	sbr.ind lr, $3  }
0x3a: {  	_ = 	snop  }
0x3b: {  	_ = 	snop  }
0x3c: {  	p2 =	seq.s32 s10, $0x1;
	s10 =	sld [smem:$0x3FB9]  }
0x3d: {  	_ =	shalt  }
0x3e: {  	_ =	shalt  }
0x3f: {  	_ =	shalt  }
0x40: {  	_ =	shalt  }
0x41: {  	_ =	shalt  }
0x42: {  	_ =	shalt  }
0x43: {  	_ =	shalt  }
0x44: {  	_ =	shalt  }
0x45: {  	_ =	shalt  }
0x46: {  	_ =	shalt  }
0x47: {  	_ =	shalt  }
0x48: {  	_ =	shalt  }
0x49: {  	_ =	shalt  }
0x4a: {  	_ =	shalt  }
0x4b: {  	_ =	shalt  }
0x4c: {  	_ =	shalt  }
0x4d: {  	_ =	shalt  }
0x4e: {  	_ =	shalt  }
0x4f: {  	_ =	shalt  }
0x50: {  	_ =	shalt  }
0x51: {  	_ =	shalt  }
0x52: {  	_ =	shalt  }
0x53: {  	_ =	shalt  }
0x54: {  	_ =	shalt  }
0x55: {  	_ =	shalt  }
0x56: {  	_ =	shalt  }
0x57: {  	_ =	shalt  }
0x58: {  	_ =	shalt  }
0x59: {  	_ =	shalt  }
0x5a: {  	_ =	shalt  }
0x5b: {  	_ =	shalt  }
0x5c: {  	_ =	shalt  }
0x5d: {  	_ =	shalt  }
0x5e: {  	_ =	shalt  }
0x5f: {  	_ =	shalt  }
0x60: {  	_ =	shalt  }
0x61: {  	_ =	shalt  }
0x62: {  	_ =	shalt  }
0x63: {  	_ =	shalt  }
0x64: {  	_ =	shalt  }
0x65: {  	_ =	shalt  }
0x66: {  	_ =	shalt  }
0x67: {  	_ =	shalt  }
0x68: {  	_ =	shalt  }
0x69: {  	_ =	shalt  }
0x6a: {  	_ =	shalt  }
0x6b: {  	_ =	shalt  }
0x6c: {  	_ =	shalt  }
0x6d: {  	_ =	shalt  }
0x6e: {  	_ =	shalt  }
0x6f: {  	_ =	shalt  }
0x70: {  	_ =	shalt  }
0x71: {  	_ =	shalt  }
0x72: {  	_ =	shalt  }
0x73: {  	_ =	shalt  }
0x74: {  	_ =	shalt  }
0x75: {  	_ =	shalt  }
0x76: {  	_ =	shalt  }
0x77: {  	_ =	shalt  }
0x78: {  	_ =	shalt  }
0x79: {  	_ =	shalt  }
0x7a: {  	_ =	shalt  }
0x7b: {  	_ =	shalt  }
0x7c: {  	_ =	shalt  }
0x7d: {  	_ =	shalt  }
0x7e: {  	_ =	shalt  }
0x7f: {  	_ =	shalt  }
0x80: {  	_ =	shalt  }
0x81: {  	_ =	shalt  }
0x82: {  	_ =	shalt  }
0x83: {  	_ =	shalt  }
0x84: {  	_ =	shalt  }
0x85: {  	_ =	shalt  }
0x86: {  	_ =	shalt  }
0x87: {  	_ =	shalt  }
.Lfunc_end0:
.L_simem_size_0:
called_computation_lowered:
.L_overlay_start_0:
0x88: {  	s2 =	sld [smem:$0x3FD9]  }
0x89: {  	s3 =	sld [smem:$0x3FFE];
	_ =	sdelay $0x1  }
0x8a: {  	s1 =	srdreg.scid  }
0x8b: {  	s0 =	sand.u32 $0x1, s1  }
0x8c: {  	s15 =	sshll.u32 s0, $0xA;
	s2 =	sadd.s32 s3, s2  }
0x8d: {  	s2 =	sadd.s32 s2, s15  }
0x8e: {  	[smem:$0x3FC5] =	sst s2  }
0x8f: {  	_ = 	snop  }
0x90: {  	s2 =	sld [smem:$0x3FD0]  }
0x91: {  	s16 =	sld [smem:$0x3FC9]  }
0x92: {  	s4 =	sld [smem:$0x3FC8]  }
0x93: {  	s6 =	simm.s32 $0xA;
	s7 =	simm.s32 $0x10;
	s5 =	sld [smem:$0x3FC7]  }
0x94: {  	[smem:s7], [sflag:s6] =	dma.local [hbm:s2], $0x1  }
0x95: {  	_ =	swait.eq [sflag:s6], $0x1  }
0x96: {  	[sflag:s6] =	ssyncset.done $0x0  }
0x97: {  	s17 =	sld [smem:$0x10];
	[sflag:s6] =	ssyncadd.s32 $0xFFFFFFFF  }
0x98: {  	s18 =	sld [smem:$0x11];
	(tm) =	ssettm $0x1  }
0x99: {  	s19 =	sld [smem:$0x3FFB];
	_ =	sdelay $0x3  }
0x9a: {  	_ =	strace s19  }
0x9b: {  	s7 =	sld [smem:$0x3FFC];
	_ =	sdelay $0x3  }
0x9c: {  	_ =	strace s7  }
0x9d: {  	s7 =	sld [smem:$0x3FFD];
	_ =	sdelay $0x3  }
0x9e: {  	_ =	strace s7  }
0x9f: {  	_ =	strace $0x8FFFFFFF  }
0xa0: {  	s20 =	sld [smem:$0x3FDB];
	_ =	sdelay $0x1  }
0xa1: {  	s8 =	simm.s32 $_scs_section_size  }
0xa2: {  	s9 =	simm.s32 $_size__tile_overlayer_lowered;
	s10 =	simm.s32 $_tile_overlayer_lowered  }
0xa3: {  	s23 =	simm.s32 $0x1BFF;
	s22 =	sshll.u32 s10, $0x1;
	s7 =	sadd.s32 s8, s20  }
0xa4: {  	s11 =	simm.s32 $0x0;
	s21 =	sshll.u32 s9, $0x1;
	s9 =	sadd.s32 s22, s7  }
0xa5: {  	[timem:s11], [sflag:s23] =	dma.local [hbm:s9], s21  }
0xa6: {  	_ =	swait.ge [sflag:s23], s21  }
0xa7: {  	s8 =	ssub.s32 $0x0, s21;
	[sflag:s23] =	ssyncset.done $0x0  }
0xa8: {  	[sflag:s23] =	ssyncadd.s32 s8;
	_ =	sdelay $0x1  }
0xa9: {  	s24 =	simm.s32 $0x1B8B  }
0xaa: {  	_ =	swait.ge [sflag:s24], $0x1  }
0xab: {  	[sflag:s24] =	ssyncset.done $0x0  }
0xac: {  	s25 =	simm.s32 $0x1B8E;
	[sflag:s24] =	ssyncadd.s32 $0xFFFFFFFF  }
0xad: {  	s26 =	simm.s32 $execute0_lowered;
	[smem:$0x3FD2] =	sst s25  }
0xae: {  	s8 =	sshll.u32 s26, $0x1;
	_ =	strace $0x80000046;
	[dreg:$0x1] =	wrdreg $0xFFFFFFFF  }
0xaf: {  	s28 =	simm.s32 $_size_execute0_lowered;
	s7 =	sadd.s32 s7, s8;
	[dreg:$0x0] =	wrdreg $0x0  }
0xb0: {  	s8 =	sshll.u32 s28, $0x1;
	[dreg:$0x2] =	wrdreg s7  }
0xb1: {  	[dreg:$0x3] =	wrdreg s8  }
0xb2: {  	[dreg:$0x4] =	wrdreg $0xC0  }
0xb3: {  	_ =	task [dreg:s11], $0x5FFFF  }
0xb4: {  	[dreg:$0x1] =	wrdreg $0xFFFFFFFF  }
0xb5: {  	[dreg:$0x0] =	wrdreg $0x60  }
0xb6: {  	[dreg:$0x2] =	wrdreg s16  }
0xb7: {  	[dreg:$0x3] =	wrdreg s4  }
0xb8: {  	[dreg:$0x4] =	wrdreg s5  }
0xb9: {  	[dreg:$0x5] =	wrdreg s17  }
0xba: {  	[dreg:$0x6] =	wrdreg s18  }
0xbb: {  	[dreg:$0x7] =	wrdreg $0x9  }
0xbc: {  	_ =	task.clear_ibuf [dreg:s11], $0x8FFFF;
	_ =	strace $0x90000046  }
0xbd: {  	s29 =	simm.s32 $0x9;
	_ =	strace $0x80000048  }
0xbe: {  	_ =	swait.ge [sflag:s29], $0x1  }
0xbf: {  	[sflag:s29] =	ssyncadd.s32 $0xFFFFFFFF  }
0xc0: {  	_ =	strace $0x90000048  }
0xc1: {  	_ =	sfence  }
0xc2: {  	s30 =	sld [smem:$0x0];
	_ =	sdelay $0x2  }
0xc3: {  	s31 =	sshll.u32 s1, $0xD;
	s1 =	sshrl.u32 s1, $0x2  }
0xc4: {  	s3 =	sand.u32 $0x4000, s31;
	s1 =	sadd.s32 s1, s30  }
0xc5: {  	s0 =	sor.u32 s3, s0;
	s1 =	sshll.u32 s1, $0x11  }
0xc6: {  	s0 =	sor.u32 s1, s0  }
0xc7: {  	s0 =	sadd.s32 $0x8F2B, s0  }
0xc8: {  	[sflag:s0] =	ssyncadd.remote.s32 $0x1  }
0xc9: {  	_ =	sfence.sel $0xFFFF  }
0xca: {  	[dreg:$0x0] =	wrdreg $0xFFFFFFFF;
	(pc) =	sbr.abs _section_cstart, $3  }
0xcb: {  	[dreg:$0x1] =	wrdreg $0xFFFFFFFF  }
0xcc: {  	_ =	task.clear_ibuf [dreg:s11], $0x2FFFF;
	_ =	strace $0x9FFFFFFF  }
0xcd: {  	(tm) =	ssettm $0x7FFFFFFF  }
tec
execute0_lowered:
.L_overlay_start_1:
0x0: {  	(tag) =	ssettag $0x1  }
0x1: {  	s17 =	rddreg [dreg:$0x0]  }
0x2: {  	s1 =	rddreg [dreg:$0x1]  }
0x3: {  	s4 =	rddreg [dreg:$0x3]  }
0x4: {  	s0 =	rddreg [dreg:$0x4]  }
0x5: {  	s2 =	srdreg.scid;
	s16 =	stileid.u32;
	s5 =	simm.s32 $0x0  }
0x6: {  	s20 =	simm.s32 $0x100;
	s22 =	simm.s32 $0x180;
	s30 =	simm.s32 $0x8  }
0x7: {  	s2 =	sand.u32 $0x1, s2;
	s3 =	sshll.u32 s16, $0x1;
	[smem:$0x7FF] =	sst s5  }
0x8: {  	s10 =	smul.u32 $0x18, s16;
	s11 =	sadd.s32 $0x27AC80, s0;
	s14 =	sadd.s32 $0x27AC00, s0  }
0x9: {  	s26 =	smul.u32 $0x27800, s16;
	s28 =	sshll.u32 s16, $0xA;
	s6 =	ssub.s32 $0x2, s2  }
0xa: {  	_ =	strace $0x80000047;
	s13 =	smul.u32 $0xC, s2;
	[dreg:$0xe] =	wrdreg s14  }
0xb: {  	s3 =	sor.u32 s2, s3;
	s29 =	smul.u32 $0x13C00, s2;
	[dreg:$0x7] =	wrdreg s20  }
0xc: {  	s31 =	sshll.u32 s2, $0x9;
	s21 =	smul.u32 $0x278, s2;
	[dreg:$0x8] =	wrdreg s22  }
0xd: {  	s2 =	sshll.u32 s2, $0x6;
	s7 =	sshrl.u32 s6, $0x1;
	s8 =	smul.u32 $0x13C00, s3  }
0xe: {  	s23 =	sshll.u32 s3, $0x7;
	s15 =	sadd.s32 s26, s1;
	s9 =	ssub.s32 s6, s7  }
0xf: {  	s6 =	sshll.u32 s16, $0x7;
	s12 =	sor.u32 $0x278000, s23;
	s10 =	sadd.s32 s13, s10  }
0x10: {  	s7 =	sadd.s32 $0xC000, s4;
	s24 =	sadd.s32 s1, s12;
	[dreg:$0x6] =	wrdreg s10  }
0x11: {  	s13 =	sadd.s32 s29, s15;
	s25 =	sadd.s32 s0, s12;
	[dreg:$0xf] =	wrdreg s24  }
0x12: {  	s18 =	sadd.s32 s1, s8;
	s12 =	sadd.s32 s12, s11;
	[dreg:$0x10] =	wrdreg s25  }
0x13: {  	s8 =	sor.u32 $0x279000, s23;
	s23 =	simm.s32 $0x200;
	[dreg:$0x11] =	wrdreg s12  }
0x14: {  	s10 =	sadd.s32 s28, s17;
	s28 =	simm.s32 $0x380;
	[dreg:$0x9] =	wrdreg s23  }
0x15: {  	s16 =	smul.u32 $0x4F0, s16;
	s22 =	smax.u32 s9, $0x1;
	[dreg:$0xc] =	wrdreg s28  }
0x16: {  	s9 =	simm.s32 $0x9;
	s10 =	sadd.s32 s31, s10;
	[dreg:$0x1b] =	wrdreg s22  }
0x17: {  	s12 =	sadd.s32 s26, s0;
	s24 =	simm.s32 $0x280;
	[dreg:$0xd] =	wrdreg s18  }
0x18: {  	s25 =	sor.u32 $0x4F40, s3;
	s26 =	simm.s32 $0x300;
	[dreg:$0xa] =	wrdreg s24  }
0x19: {  	s31 =	sadd.s32 s0, s8;
	s14 =	sadd.s32 s8, s11;
	[dreg:$0xb] =	wrdreg s26  }
0x1a: {  	s28 =	sadd.s32 $0x100, s18;
	s19 =	sadd.s32 s29, s12;
	[dreg:$0x14] =	wrdreg s31  }
0x1b: {  	s12 =	sadd.s32 s21, s16;
	p0 =	sgt.u32 s25, $0x4F57;
	[dreg:$0x15] =	wrdreg s14  }
0x1c: {  	s29 =	sadd.s32 s1, s8;
	s15 =	sshll.u32 s25, $0x7;
	[dreg:$0x1e] =	wrdreg s28  }
0x1d: {  	s24 =	sor.u32 s2, s6;
	s23 =	sadd.s32 $0xC000, s10;
	[dreg:$0x13] =	wrdreg s29  }
0x1e: {  	s26 =	sadd.s32 $0xC800, s4;
	s25 =	sadd.s32 $0x80, s18;
	[dreg:$0x1c] =	wrdreg s23  }
0x1f: {  	s2 =	simm.s32 $0x1;
	s10 =	simm.s32 $0x400;
	[dreg:$0x1d] =	wrdreg s25  }
0x20: {  	p1 =	sne.s32 @p0 s3, $0x1F;
	s1 =	sadd.s32 s1, s15;
	[dreg:$0x12] =	wrdreg s19  }
0x21: {  	s16 =	sadd.s32 s15, s11;
	s20 =	sshll.u32 s12, $0x7;
	[dreg:$0x16] =	wrdreg s1  }
0x22: {  	s3 =	sadd.s32 s0, s15;
	s29 =	sadd.s32 $0x180, s18;
	[dreg:$0x17] =	wrdreg s16  }
.Ltmp0:
0x23: {  	s11 =	simm.s32 $0x20000;
	[dreg:$0x18] =	wrdreg s3;
	(pc) =	sbr.rel .LBB2_1-.Ltmp0, $4  }
0x24: {  	s21 =	sadd.s32 s20, s0;
	s0 =	sadd.s32 $0x4F5880, s0;
	[dreg:$0x1f] =	wrdreg s29  }
0x25: {  	s23 =	simm.s32 $0x7;
	s12 =	simm.s32 $0x0;
	[dreg:$0x1a] =	wrdreg s0  }
0x26: {  	p1 =	por p1, !p0;
	s31 =	sadd.s32 $0x100, s21;
	[dreg:$0x19] =	wrdreg s21  }
0x27: {  	s3 =	simm.s32 $0x80;
	s0 =	simm.s32 $0xA;
	[smem:$0x7FD] =	sst s31  }
.LBB2_20:
0x28: {  	s1 =	simm.s32 $0x6  }
0x29: {  	_ =	swait.ge [sflag:s1], $0x400  }
0x2a: {  	[sflag:s1] =	ssyncset.done $0x0  }
0x2b: {  	[sflag:s1] =	ssyncadd.s32 $0xFFFFFC00  }
0x2c: {  	_ =	swait.ge [sflag:s1], $0x400  }
0x2d: {  	[sflag:s1] =	ssyncset.done $0x0  }
0x2e: {  	[sflag:s1] =	ssyncadd.s32 $0xFFFFFC00  }
0x2f: {  	_ =	swait.ge [sflag:s23], $0x400  }
0x30: {  	[sflag:s23] =	ssyncset.done $0x0  }
0x31: {  	[sflag:s23] =	ssyncadd.s32 $0xFFFFFC00  }
0x32: {  	_ =	swait.ge [sflag:s23], $0x400  }
0x33: {  	[sflag:s23] =	ssyncset.done $0x0  }
0x34: {  	[sflag:s23] =	ssyncadd.s32 $0xFFFFFC00  }
0x35: {  	_ =	swait.ge [sflag:s30], $0x400  }
0x36: {  	[sflag:s30] =	ssyncset.done $0x0  }
0x37: {  	[sflag:s30] =	ssyncadd.s32 $0xFFFFFC00  }
0x38: {  	_ =	swait.ge [sflag:s30], $0x400  }
0x39: {  	[sflag:s30] =	ssyncset.done $0x0  }
0x3a: {  	[sflag:s30] =	ssyncadd.s32 $0xFFFFFC00  }
0x3b: {  	_ =	swait.ge [sflag:s9], $0x400  }
0x3c: {  	[sflag:s9] =	ssyncset.done $0x0  }
0x3d: {  	[sflag:s9] =	ssyncadd.s32 $0xFFFFFC00  }
0x3e: {  	_ =	swait.ge [sflag:s9], $0x400  }
0x3f: {  	[sflag:s9] =	ssyncset.done $0x0  }
0x40: {  	s8 =	simm.s32 $0xB;
	s19 =	rddreg [dreg:$0xf];
	[sflag:s9] =	ssyncadd.s32 $0xFFFFFC00  }
0x41: {  	[tilespmem:s10], [sflag:$0xB] =	stream.strided.gather [hbm4b:s19+s10], $0x800, s15, s10, $0x38;
	[tilespmem:$0x2400] =	vst v63  }
0x42: {  	_ =	swait.ge [sflag:s8], $0x800  }
0x43: {  	[sflag:s8] =	ssyncset.done $0x0  }
0x44: {  	s20 =	rddreg [dreg:$0x10];
	[sflag:s8] =	ssyncadd.s32 $0xFFFFF800  }
0x45: {  	[hbm4b:s20+s5] =	stream.linear.scatter [tilespmem:s10], [sflag:$0xB], $0x400, $0x38;
	[tilespmem:$0x2400] =	vst v63  }
0x46: {  	_ =	swait.ge [sflag:s8], $0x400  }
0x47: {  	[sflag:s8] =	ssyncset.done $0x0  }
0x48: {  	s21 =	rddreg [dreg:$0x11];
	[sflag:s8] =	ssyncadd.s32 $0xFFFFFC00  }
0x49: {  	[hbm4b:s21+s5] =	stream.linear.scatter [tilespmem:s29], [sflag:$0xA], $0x400, $0x38;
	[tilespmem:$0x2400] =	vst v63  }
0x4a: {  	_ =	swait.ge [sflag:s0], $0x400  }
0x4b: {  	[sflag:s0] =	ssyncset.done $0x0  }
0x4c: {  	s22 =	rddreg [dreg:$0x13];
	[sflag:s0] =	ssyncadd.s32 $0xFFFFFC00  }
0x4d: {  	[tilespmem:s10], [sflag:$0xB] =	stream.strided.gather [hbm4b:s22+s10], $0x800, s15, s10, $0x38;
	[tilespmem:$0x2400] =	vst v63  }
0x4e: {  	_ =	swait.ge [sflag:s8], $0x800  }
0x4f: {  	[sflag:s8] =	ssyncset.done $0x0  }
0x50: {  	s25 =	rddreg [dreg:$0x14];
	[sflag:s8] =	ssyncadd.s32 $0xFFFFF800  }
0x51: {  	[hbm4b:s25+s5] =	stream.linear.scatter [tilespmem:s10], [sflag:$0xB], $0x400, $0x38;
	[tilespmem:$0x2400] =	vst v63  }
0x52: {  	_ =	swait.ge [sflag:s8], $0x400  }
0x53: {  	[sflag:s8] =	ssyncset.done $0x0  }
0x54: {  	s28 =	rddreg [dreg:$0x15];
	[sflag:s8] =	ssyncadd.s32 $0xFFFFFC00  }
0x55: {  	[hbm4b:s28+s5] =	stream.linear.scatter [tilespmem:s29], [sflag:$0xA], $0x400, $0x38;
	[tilespmem:$0x2400] =	vst v63  }
0x56: {  	_ =	swait.ge [sflag:s0], $0x400  }
0x57: {  	[sflag:s0] =	ssyncset.done $0x0  }
0x58: {  	[sflag:s0] =	ssyncadd.s32 $0xFFFFFC00  }
0x59: {  	s1 =	simm.s32 @!p1 $0x0;
	s8 =	simm.s32 @!p1 $0xC00;
	s12 =	rddreg [dreg:$0x2]  }
0x5a: {  	[tilespmem:s8], [sflag:$0xA] =	stream.linear.gather @!p1 [hbm4b:s12+s1], $0x800, $0x38;
	[tilespmem:$0x2400] =	vst v63  }
0x5b: {  	s8 =	simm.s32 @!p1 $0xA  }
0x5c: {  	_ =	swait.ge @!p1 [sflag:s8], $0x800  }
0x5d: {  	[sflag:s8] =	ssyncset.done @!p1 $0x0  }
0x5e: {  	s12 =	simm.s32 @!p1 $0xC40;
	s15 =	rddreg [dreg:$0xe];
	[sflag:s8] =	ssyncadd.s32 @!p1 $0xFFFFF800  }
0x5f: {  	[hbm4b:s15+s1] =	stream.linear.scatter @!p1 [tilespmem:s12], [sflag:$0xA], $0x40, $0x38;
	[tilespmem:$0x2400] =	vst v63  }
0x60: {  	s14 =	simm.s32 @!p1 $0xCC0;
	s12 =	sadd.s32 @!p1 $0x10, s15  }
0x61: {  	[hbm4b:s12+s1] =	stream.linear.scatter @!p1 [tilespmem:s14], [sflag:$0xA], $0x40, $0x38;
	[tilespmem:$0x2400] =	vst v63  }
0x62: {  	s12 =	sadd.s32 @!p1 $0x20, s15;
	s14 =	simm.s32 @!p1 $0xD40  }
0x63: {  	[hbm4b:s12+s1] =	stream.linear.scatter @!p1 [tilespmem:s14], [sflag:$0xA], $0x40, $0x38;
	[tilespmem:$0x2400] =	vst v63  }
0x64: {  	s12 =	sadd.s32 @!p1 $0x30, s15;
	s14 =	simm.s32 @!p1 $0xDC0  }
0x65: {  	[hbm4b:s12+s1] =	stream.linear.scatter @!p1 [tilespmem:s14], [sflag:$0xA], $0x40, $0x38;
	[tilespmem:$0x2400] =	vst v63  }
0x66: {  	s12 =	sadd.s32 @!p1 $0x40, s15;
	s14 =	simm.s32 @!p1 $0xE40  }
0x67: {  	[hbm4b:s12+s1] =	stream.linear.scatter @!p1 [tilespmem:s14], [sflag:$0xA], $0x40, $0x38;
	[tilespmem:$0x2400] =	vst v63  }
0x68: {  	s12 =	sadd.s32 @!p1 $0x50, s15;
	s14 =	simm.s32 @!p1 $0xEC0  }
0x69: {  	[hbm4b:s12+s1] =	stream.linear.scatter @!p1 [tilespmem:s14], [sflag:$0xA], $0x40, $0x38;
	[tilespmem:$0x2400] =	vst v63  }
0x6a: {  	s12 =	sadd.s32 @!p1 $0x60, s15;
	s14 =	simm.s32 @!p1 $0xF40  }
0x6b: {  	[hbm4b:s12+s1] =	stream.linear.scatter @!p1 [tilespmem:s14], [sflag:$0xA], $0x40, $0x38;
	[tilespmem:$0x2400] =	vst v63  }
0x6c: {  	s12 =	sadd.s32 @!p1 $0x70, s15;
	s14 =	simm.s32 @!p1 $0xFC0  }
0x6d: {  	[hbm4b:s12+s1] =	stream.linear.scatter @!p1 [tilespmem:s14], [sflag:$0xA], $0x40, $0x38;
	[tilespmem:$0x2400] =	vst v63  }
0x6e: {  	_ =	swait.ge @!p1 [sflag:s8], $0x200  }
0x6f: {  	[sflag:s8] =	ssyncset.done @!p1 $0x0  }
0x70: {  	s12 =	simm.s32 @!p1 $0x1040;
	s15 =	rddreg [dreg:$0x1a];
	[sflag:s8] =	ssyncadd.s32 @!p1 $0xFFFFFE00  }
0x71: {  	[hbm4b:s15+s1] =	stream.linear.scatter @!p1 [tilespmem:s12], [sflag:$0xA], $0x40, $0x38;
	[tilespmem:$0x2400] =	vst v63  }
0x72: {  	s14 =	simm.s32 @!p1 $0x10C0;
	s12 =	sadd.s32 @!p1 $0x10, s15  }
0x73: {  	[hbm4b:s12+s1] =	stream.linear.scatter @!p1 [tilespmem:s14], [sflag:$0xA], $0x40, $0x38;
	[tilespmem:$0x2400] =	vst v63  }
0x74: {  	s12 =	sadd.s32 @!p1 $0x20, s15;
	s14 =	simm.s32 @!p1 $0x1140  }
0x75: {  	[hbm4b:s12+s1] =	stream.linear.scatter @!p1 [tilespmem:s14], [sflag:$0xA], $0x40, $0x38;
	[tilespmem:$0x2400] =	vst v63  }
0x76: {  	s12 =	sadd.s32 @!p1 $0x30, s15;
	s14 =	simm.s32 @!p1 $0x11C0  }
0x77: {  	[hbm4b:s12+s1] =	stream.linear.scatter @!p1 [tilespmem:s14], [sflag:$0xA], $0x40, $0x38;
	[tilespmem:$0x2400] =	vst v63  }
0x78: {  	s12 =	sadd.s32 @!p1 $0x40, s15;
	s14 =	simm.s32 @!p1 $0x1240  }
0x79: {  	[hbm4b:s12+s1] =	stream.linear.scatter @!p1 [tilespmem:s14], [sflag:$0xA], $0x40, $0x38;
	[tilespmem:$0x2400] =	vst v63  }
0x7a: {  	s12 =	sadd.s32 @!p1 $0x50, s15;
	s14 =	simm.s32 @!p1 $0x12C0  }
0x7b: {  	[hbm4b:s12+s1] =	stream.linear.scatter @!p1 [tilespmem:s14], [sflag:$0xA], $0x40, $0x38;
	[tilespmem:$0x2400] =	vst v63  }
0x7c: {  	s12 =	sadd.s32 @!p1 $0x60, s15;
	s14 =	simm.s32 @!p1 $0x1340  }
0x7d: {  	[hbm4b:s12+s1] =	stream.linear.scatter @!p1 [tilespmem:s14], [sflag:$0xA], $0x40, $0x38;
	[tilespmem:$0x2400] =	vst v63  }
0x7e: {  	s12 =	sadd.s32 @!p1 $0x70, s15;
	s14 =	simm.s32 @!p1 $0x13C0  }
0x7f: {  	[hbm4b:s12+s1] =	stream.linear.scatter @!p1 [tilespmem:s14], [sflag:$0xA], $0x40, $0x38;
	[tilespmem:$0x2400] =	vst v63  }
0x80: {  	_ =	swait.ge @!p1 [sflag:s8], $0x200  }
0x81: {  	s1 =	simm.s32 @!p0 $0x13D6400;
	[sflag:s8] =	ssyncset.done @!p1 $0x0  }
0x82: {  	s12 =	rddreg [dreg:$0x16];
	[sflag:s8] =	ssyncadd.s32 @!p1 $0xFFFFFE00;
	s8 =	simm.s32 @!p0 $0x400  }
0x83: {  	[tilespmem:s8], [sflag:$0xB] =	stream.strided.gather @!p0 [hbm4b:s12+s8], $0x800, s1, s8, $0x38;
	[tilespmem:$0x2400] =	vst v63  }
0x84: {  	s1 =	simm.s32 @!p0 $0xB  }
0x85: {  	_ =	swait.ge @!p0 [sflag:s1], $0x800  }
0x86: {  	[sflag:s1] =	ssyncset.done @!p0 $0x0  }
0x87: {  	s12 =	simm.s32 @!p0 $0x0;
	s14 =	rddreg [dreg:$0x18];
	[sflag:s1] =	ssyncadd.s32 @!p0 $0xFFFFF800  }
0x88: {  	[hbm4b:s14+s12] =	stream.linear.scatter @!p0 [tilespmem:s8], [sflag:$0xB], $0x400, $0x38;
	[tilespmem:$0x2400] =	vst v63  }
0x89: {  	_ =	swait.ge @!p0 [sflag:s1], $0x400  }
0x8a: {  	[sflag:s1] =	ssyncset.done @!p0 $0x0  }
0x8b: {  	s8 =	rddreg [dreg:$0x17];
	[sflag:s1] =	ssyncadd.s32 @!p0 $0xFFFFFC00;
	s1 =	simm.s32 @!p0 $0x800  }
0x8c: {  	[hbm4b:s8+s12] =	stream.linear.scatter @!p0 [tilespmem:s1], [sflag:$0xA], $0x400, $0x38;
	[tilespmem:$0x2400] =	vst v63  }
0x8d: {  	s1 =	simm.s32 @!p0 $0xA  }
0x8e: {  	_ =	swait.ge @!p0 [sflag:s1], $0x400  }
0x8f: {  	s29 =	sld [smem:$0x7FC];
	_ =	sdelay $0x2  }
0x90: {  	s31 =	rddreg [dreg:$0x1b];
	s12 =	sadd.s32 $0x1, s29  }
0x91: {  	p2 =	sne.s32 s12, s31  }
.Ltmp1:
0x92: {  	_ = 	snop;
	(pc) =	sbr.rel @!p2 .LBB2_21-.Ltmp1, $3  }
0x93: {  	_ =	sdelay $0x1  }
0x94: {  	[sflag:s1] =	ssyncset.done @!p0 $0x0  }
0x95: {  	[sflag:s1] =	ssyncadd.s32 @!p0 $0xFFFFFC00  }
.LBB2_1:
0x96: {  	[smem:$0x7FC] =	sst s12;
	s1 =	simm.s32 $0x0  }
.LBB2_2:
0x97: {  	s8 =	rddreg [dreg:$0x6]  }
0x98: {  	s8 =	sadd.s32 s1, s8  }
0x99: {  	s19 =	sand.u32 $0x7F, s8  }
0x9a: {  	s15 =	sshrl.u32 s8, $0x7;
	s8 =	sshll.u32 s19, $0x7  }
0x9b: {  	s22 =	sshll.u32 s15, $0xE;
	s12 =	sadd.s32 s17, s8  }
0x9c: {  	s28 =	simm.s32 $0x0;
	s12 =	sadd.s32 s22, s12  }
0x9d: {  	[tilespmem:s28], [sflag:$0xA] =	stream.linear.gather [hbm4b:s12+s28], $0x400, $0x38;
	[tilespmem:$0x2400] =	vst v63  }
0x9e: {  	_ =	swait.ge [sflag:s0], $0x400  }
0x9f: {  	[sflag:s0] =	ssyncset.done $0x0  }
0xa0: {  	[sflag:s0] =	ssyncadd.s32 $0xFFFFFC00  }
0xa1: {  	v0 =	vld [tilespmem:$0x0]  }
0xa2: {  	v1 =	vld [tilespmem:$0x10]  }
0xa3: {  	v2 =	vld [tilespmem:$0x20]  }
0xa4: {  	v3 =	vld [tilespmem:$0x30]  }
0xa5: {  	s14 =	smul.u32 $0xC3500, s15;
	v4 =	vld [tilespmem:$0x40]  }
0xa6: {  	v5 =	vld [tilespmem:$0x50]  }
0xa7: {  	v59 =	vld [tilespmem:$0x60];
	v0 =	vadd.s32 s14, v0  }
0xa8: {  	v61 =	vld [tilespmem:$0x70];
	v58 =	vadd.s32 s14, v1;
	[tilespmem:$0x0] =	vst v0  }
0xa9: {  	v63 =	vld [tilespmem:$0x80];
	v60 =	vadd.s32 s14, v2;
	[tilespmem:$0x10] =	vst v58  }
0xaa: {  	v9 =	vld [tilespmem:$0x90];
	v62 =	vadd.s32 s14, v3;
	[tilespmem:$0x20] =	vst v60  }
0xab: {  	s31 =	sshll.u32 s15, $0x3;
	v11 =	vld [tilespmem:$0xA0];
	v8 =	vadd.s32 s14, v4;
	[tilespmem:$0x30] =	vst v62  }
0xac: {  	s16 =	sor.u32 $0x1, s31;
	v13 =	vld [tilespmem:$0xB0];
	v10 =	vadd.s32 s14, v5;
	[tilespmem:$0x40] =	vst v8  }
0xad: {  	s18 =	smul.u32 $0x186A0, s16;
	v15 =	vld [tilespmem:$0xC0];
	v12 =	vadd.s32 s14, v59;
	[tilespmem:$0x50] =	vst v10  }
0xae: {  	v17 =	vld [tilespmem:$0xD0];
	v14 =	vadd.s32 s14, v61;
	[tilespmem:$0x60] =	vst v12  }
0xaf: {  	v19 =	vld [tilespmem:$0xE0];
	v16 =	vadd.s32 s18, v63;
	[tilespmem:$0x70] =	vst v14  }
0xb0: {  	v21 =	vld [tilespmem:$0xF0];
	v18 =	vadd.s32 s18, v9;
	[tilespmem:$0x80] =	vst v16  }
0xb1: {  	v23 =	vld [tilespmem:$0x100];
	v20 =	vadd.s32 s18, v11;
	[tilespmem:$0x90] =	vst v18  }
0xb2: {  	v39 =	vld [tilespmem:$0x180];
	v22 =	vadd.s32 s18, v13;
	[tilespmem:$0xA0] =	vst v20  }
0xb3: {  	v41 =	vld [tilespmem:$0x190];
	v24 =	vadd.s32 s18, v15;
	[tilespmem:$0xB0] =	vst v22  }
0xb4: {  	s21 =	sor.u32 $0x3, s31;
	v43 =	vld [tilespmem:$0x1A0];
	v26 =	vadd.s32 s18, v17;
	[tilespmem:$0xC0] =	vst v24  }
0xb5: {  	v45 =	vld [tilespmem:$0x1B0];
	v28 =	vadd.s32 s18, v19;
	v30 =	vadd.s32 s18, v21;
	s18 =	smul.u32 $0x186A0, s21;
	[tilespmem:$0xD0] =	vst v26  }
0xb6: {  	v47 =	vld [tilespmem:$0x1C0];
	[tilespmem:$0xE0] =	vst v28  }
0xb7: {  	v49 =	vld [tilespmem:$0x1D0];
	[tilespmem:$0xF0] =	vst v30;
	v48 =	vadd.s32 s18, v39  }
0xb8: {  	v51 =	vld [tilespmem:$0x1E0];
	v50 =	vadd.s32 s18, v41;
	[tilespmem:$0x180] =	vst v48  }
0xb9: {  	v53 =	vld [tilespmem:$0x1F0];
	v52 =	vadd.s32 s18, v43;
	[tilespmem:$0x190] =	vst v50  }
0xba: {  	v25 =	vld [tilespmem:$0x110];
	v54 =	vadd.s32 s18, v45;
	[tilespmem:$0x1A0] =	vst v52  }
0xbb: {  	v27 =	vld [tilespmem:$0x120];
	v56 =	vadd.s32 s18, v47;
	[tilespmem:$0x1B0] =	vst v54  }
0xbc: {  	v29 =	vld [tilespmem:$0x130];
	s14 =	sor.u32 $0x2, s31;
	v58 =	vadd.s32 s18, v49;
	[tilespmem:$0x1C0] =	vst v56  }
0xbd: {  	v31 =	vld [tilespmem:$0x140];
	s20 =	smul.u32 $0x186A0, s14;
	v60 =	vadd.s32 s18, v51;
	[tilespmem:$0x1D0] =	vst v58  }
0xbe: {  	v33 =	vld [tilespmem:$0x150];
	v62 =	vadd.s32 s18, v53;
	[tilespmem:$0x1E0] =	vst v60  }
0xbf: {  	v35 =	vld [tilespmem:$0x160];
	v32 =	vadd.s32 s20, v23;
	[tilespmem:$0x1F0] =	vst v62  }
0xc0: {  	v37 =	vld [tilespmem:$0x170];
	v34 =	vadd.s32 s20, v25;
	[tilespmem:$0x100] =	vst v32  }
0xc1: {  	v36 =	vadd.s32 s20, v27;
	[tilespmem:$0x110] =	vst v34  }
0xc2: {  	v55 =	vld [tilespmem:$0x200];
	v38 =	vadd.s32 s20, v29;
	[tilespmem:$0x120] =	vst v36  }
0xc3: {  	v57 =	vld [tilespmem:$0x210];
	v40 =	vadd.s32 s20, v31;
	[tilespmem:$0x130] =	vst v38  }
0xc4: {  	s29 =	smov.u32 s17;
	s17 =	sor.u32 $0x4, s31;
	v59 =	vld [tilespmem:$0x220];
	v42 =	vadd.s32 s20, v33;
	[tilespmem:$0x140] =	vst v40  }
0xc5: {  	v61 =	vld [tilespmem:$0x230];
	v44 =	vadd.s32 s20, v35;
	v46 =	vadd.s32 s20, v37;
	s20 =	smul.u32 $0x186A0, s17;
	[tilespmem:$0x150] =	vst v42  }
0xc6: {  	v63 =	vld [tilespmem:$0x240];
	[tilespmem:$0x160] =	vst v44  }
0xc7: {  	v9 =	vld [tilespmem:$0x250];
	[tilespmem:$0x170] =	vst v46;
	v8 =	vadd.s32 s20, v55  }
0xc8: {  	v11 =	vld [tilespmem:$0x260];
	v10 =	vadd.s32 s20, v57;
	[tilespmem:$0x200] =	vst v8  }
0xc9: {  	v13 =	vld [tilespmem:$0x270];
	v12 =	vadd.s32 s20, v59;
	[tilespmem:$0x210] =	vst v10  }
0xca: {  	v15 =	vld [tilespmem:$0x280];
	v14 =	vadd.s32 s20, v61;
	[tilespmem:$0x220] =	vst v12  }
0xcb: {  	v17 =	vld [tilespmem:$0x290];
	v16 =	vadd.s32 s20, v63;
	[tilespmem:$0x230] =	vst v14  }
0xcc: {  	s12 =	sor.u32 $0x5, s31;
	v19 =	vld [tilespmem:$0x2A0];
	v18 =	vadd.s32 s20, v9;
	[tilespmem:$0x240] =	vst v16  }
0xcd: {  	s25 =	smul.u32 $0x186A0, s12;
	v21 =	vld [tilespmem:$0x2B0];
	v20 =	vadd.s32 s20, v11;
	[tilespmem:$0x250] =	vst v18  }
0xce: {  	v39 =	vld [tilespmem:$0x340];
	v22 =	vadd.s32 s20, v13;
	[tilespmem:$0x260] =	vst v20  }
0xcf: {  	v41 =	vld [tilespmem:$0x350];
	v24 =	vadd.s32 s25, v15;
	[tilespmem:$0x270] =	vst v22  }
0xd0: {  	s31 =	sor.u32 $0x6, s31;
	v43 =	vld [tilespmem:$0x360];
	v26 =	vadd.s32 s25, v17;
	[tilespmem:$0x280] =	vst v24  }
0xd1: {  	v45 =	vld [tilespmem:$0x370];
	v28 =	vadd.s32 s25, v19;
	s20 =	smul.u32 $0x186A0, s31;
	[tilespmem:$0x290] =	vst v26  }
0xd2: {  	v23 =	vld [tilespmem:$0x2C0];
	v30 =	vadd.s32 s25, v21;
	[tilespmem:$0x2A0] =	vst v28  }
0xd3: {  	v25 =	vld [tilespmem:$0x2D0];
	[tilespmem:$0x2B0] =	vst v30;
	v48 =	vadd.s32 s20, v39  }
0xd4: {  	v27 =	vld [tilespmem:$0x2E0];
	v50 =	vadd.s32 s20, v41;
	[tilespmem:$0x340] =	vst v48  }
0xd5: {  	v29 =	vld [tilespmem:$0x2F0];
	v52 =	vadd.s32 s20, v43;
	[tilespmem:$0x350] =	vst v50  }
0xd6: {  	v31 =	vld [tilespmem:$0x300];
	v5 =	vadd.s32 s20, v45;
	[tilespmem:$0x360] =	vst v52  }
0xd7: {  	v33 =	vld [tilespmem:$0x310];
	v32 =	vadd.s32 s25, v23;
	[tilespmem:$0x370] =	vst v5  }
0xd8: {  	v35 =	vld [tilespmem:$0x320];
	v34 =	vadd.s32 s25, v25;
	[tilespmem:$0x2C0] =	vst v32  }
0xd9: {  	v37 =	vld [tilespmem:$0x330];
	v36 =	vadd.s32 s25, v27;
	[tilespmem:$0x2D0] =	vst v34  }
0xda: {  	v47 =	vld [tilespmem:$0x380];
	v38 =	vadd.s32 s25, v29;
	[tilespmem:$0x2E0] =	vst v36  }
0xdb: {  	v49 =	vld [tilespmem:$0x390];
	v40 =	vadd.s32 s20, v31;
	[tilespmem:$0x2F0] =	vst v38  }
0xdc: {  	s15 =	sshllo.u32 s15, $0x3;
	v51 =	vld [tilespmem:$0x3A0];
	v42 =	vadd.s32 s20, v33;
	[tilespmem:$0x300] =	vst v40  }
0xdd: {  	v53 =	vld [tilespmem:$0x3B0];
	v44 =	vadd.s32 s20, v35;
	s25 =	smul.u32 $0x186A0, s15;
	[tilespmem:$0x310] =	vst v42  }
0xde: {  	v54 =	vld [tilespmem:$0x3C0];
	v46 =	vadd.s32 s20, v37;
	[tilespmem:$0x320] =	vst v44  }
0xdf: {  	v55 =	vld [tilespmem:$0x3D0];
	[tilespmem:$0x330] =	vst v46;
	v1 =	vadd.s32 s25, v47  }
0xe0: {  	v57 =	vld [tilespmem:$0x3E0];
	v56 =	vadd.s32 s25, v49;
	[tilespmem:$0x380] =	vst v1  }
0xe1: {  	v59 =	vld [tilespmem:$0x3F0];
	v58 =	vadd.s32 s25, v51;
	[tilespmem:$0x390] =	vst v56  }
0xe2: {  	v60 =	vadd.s32 s25, v53;
	[tilespmem:$0x3A0] =	vst v58  }
0xe3: {  	v0 =	vadd.s32 s25, v54;
	[tilespmem:$0x3B0] =	vst v60  }
0xe4: {  	v61 =	vadd.s32 s25, v55;
	[tilespmem:$0x3C0] =	vst v0  }
0xe5: {  	s19 =	sshll.u32 s19, $0x4;
	v62 =	vadd.s32 s25, v57;
	[tilespmem:$0x3D0] =	vst v61  }
0xe6: {  	s19 =	sadd.s32 s4, s19;
	v63 =	vadd.s32 s25, v59;
	[tilespmem:$0x3E0] =	vst v62  }
0xe7: {  	s18 =	sadd.s32 s22, s19;
	[tilespmem:$0x3F0] =	vst v63  }
0xe8: {  	[hbm4b:s18+s28] =	stream.linear.scatter [tilespmem:s28], [sflag:$0x1], $0x80, $0x38;
	[tilespmem:$0x2400] =	vst v63  }
0xe9: {  	s16 =	sshll.u32 s16, $0xE;
	s18 =	sand.u32 $0x3C00, s8  }
0xea: {  	s14 =	sshll.u32 s14, $0xE;
	s8 =	sand.u32 $0x380, s8;
	s16 =	sor.u32 s18, s16  }
0xeb: {  	s14 =	sor.u32 s18, s14;
	s16 =	sor.u32 s8, s16  }
0xec: {  	s14 =	sor.u32 s8, s14;
	s16 =	sshrl.u32 s16, $0x3  }
0xed: {  	s14 =	sshrl.u32 s14, $0x3;
	s16 =	sadd.s32 s4, s16  }
0xee: {  	[hbm4b:s16+s28] =	stream.linear.scatter [tilespmem:s3], [sflag:$0x1], $0x80, $0x38;
	[tilespmem:$0x2400] =	vst v63  }
0xef: {  	s22 =	sshll.u32 s21, $0xE;
	s20 =	rddreg [dreg:$0x7];
	s14 =	sadd.s32 s4, s14  }
0xf0: {  	[hbm4b:s14+s28] =	stream.linear.scatter [tilespmem:s20], [sflag:$0x1], $0x80, $0x38;
	[tilespmem:$0x2400] =	vst v63  }
0xf1: {  	s14 =	sor.u32 s18, s22  }
0xf2: {  	s14 =	sor.u32 s8, s14  }
0xf3: {  	s14 =	sshrl.u32 s14, $0x3  }
0xf4: {  	s19 =	sshll.u32 s17, $0xE;
	s25 =	rddreg [dreg:$0x8];
	s14 =	sadd.s32 s4, s14  }
0xf5: {  	[hbm4b:s14+s28] =	stream.linear.scatter [tilespmem:s25], [sflag:$0x1], $0x80, $0x38;
	[tilespmem:$0x2400] =	vst v63  }
0xf6: {  	s12 =	sshll.u32 s12, $0xE;
	s14 =	sor.u32 s18, s19  }
0xf7: {  	s12 =	sor.u32 s18, s12;
	s14 =	sor.u32 s8, s14  }
0xf8: {  	s12 =	sor.u32 s8, s12;
	s14 =	sshrl.u32 s14, $0x3  }
0xf9: {  	s12 =	sshrl.u32 s12, $0x3;
	s20 =	rddreg [dreg:$0x9];
	s14 =	sadd.s32 s4, s14  }
0xfa: {  	[hbm4b:s14+s28] =	stream.linear.scatter [tilespmem:s20], [sflag:$0x1], $0x80, $0x38;
	[tilespmem:$0x2400] =	vst v63  }
0xfb: {  	s21 =	rddreg [dreg:$0xa];
	s12 =	sadd.s32 s4, s12;
	s22 =	sshll.u32 s31, $0xE  }
0xfc: {  	[hbm4b:s12+s28] =	stream.linear.scatter [tilespmem:s21], [sflag:$0x1], $0x80, $0x38;
	[tilespmem:$0x2400] =	vst v63  }
0xfd: {  	s12 =	sor.u32 s18, s22  }
0xfe: {  	s12 =	sor.u32 s8, s12  }
0xff: {  	s17 =	smov.u32 s29;
	s12 =	sshrl.u32 s12, $0x3  }
0x100: {  	s29 =	sshll.u32 s15, $0xE;
	s25 =	rddreg [dreg:$0xb];
	s12 =	sadd.s32 s4, s12  }
0x101: {  	[hbm4b:s12+s28] =	stream.linear.scatter [tilespmem:s25], [sflag:$0x1], $0x80, $0x38;
	[tilespmem:$0x2400] =	vst v63  }
0x102: {  	s12 =	sor.u32 s18, s29  }
0x103: {  	s8 =	sor.u32 s8, s12  }
0x104: {  	s8 =	sshrl.u32 s8, $0x3  }
0x105: {  	s31 =	rddreg [dreg:$0xc];
	s8 =	sadd.s32 s4, s8  }
0x106: {  	[hbm4b:s8+s28] =	stream.linear.scatter [tilespmem:s31], [sflag:$0x1], $0x80, $0x38;
	[tilespmem:$0x2400] =	vst v63  }
0x107: {  	_ =	swait.ge [sflag:s2], $0x80  }
0x108: {  	[sflag:s2] =	ssyncset.done $0x0  }
0x109: {  	[sflag:s2] =	ssyncadd.s32 $0xFFFFFF80  }
0x10a: {  	_ =	swait.ge [sflag:s2], $0x80  }
0x10b: {  	[sflag:s2] =	ssyncset.done $0x0  }
0x10c: {  	[sflag:s2] =	ssyncadd.s32 $0xFFFFFF80  }
0x10d: {  	_ =	swait.ge [sflag:s2], $0x80  }
0x10e: {  	[sflag:s2] =	ssyncset.done $0x0  }
0x10f: {  	[sflag:s2] =	ssyncadd.s32 $0xFFFFFF80  }
0x110: {  	_ =	swait.ge [sflag:s2], $0x80  }
0x111: {  	[sflag:s2] =	ssyncset.done $0x0  }
0x112: {  	[sflag:s2] =	ssyncadd.s32 $0xFFFFFF80  }
0x113: {  	_ =	swait.ge [sflag:s2], $0x80  }
0x114: {  	[sflag:s2] =	ssyncset.done $0x0  }
0x115: {  	[sflag:s2] =	ssyncadd.s32 $0xFFFFFF80  }
0x116: {  	_ =	swait.ge [sflag:s2], $0x80  }
0x117: {  	[sflag:s2] =	ssyncset.done $0x0  }
0x118: {  	[sflag:s2] =	ssyncadd.s32 $0xFFFFFF80  }
0x119: {  	p2 =	sne.s32 s1, $0xB;
	_ =	swait.ge [sflag:s2], $0x80  }
.Ltmp2:
0x11a: {  	[sflag:s2] =	ssyncset.done $0x0;
	(pc) =	sbr.rel @p2 .LBB2_2-.Ltmp2, $4  }
0x11b: {  	[sflag:s2] =	ssyncadd.s32 $0xFFFFFF80  }
0x11c: {  	_ =	swait.ge [sflag:s2], $0x80  }
0x11d: {  	[sflag:s2] =	ssyncset.done $0x0  }
0x11e: {  	s1 =	sadd.s32 $0x1, s1;
	[sflag:s2] =	ssyncadd.s32 $0xFFFFFF80  }
0x11f: {  	s12 =	rddreg [dreg:$0x1c]  }
0x120: {  	[tilespmem:s5], [sflag:$0xA] =	stream.strided.gather [hbm4b:s12+s10], $0x0, s11, s10, $0x38;
	[tilespmem:$0x2400] =	vst v63  }
0x121: {  	_ = 	snop  }
0x122: {  	[tilespmem:s5], [sflag:$0xA] =	stream.linear.gather [hbm4b:s12+s5], $0x100, $0x38;
	[tilespmem:$0x2400] =	vst v63  }
0x123: {  	_ =	swait.ge [sflag:s0], $0x100  }
0x124: {  	[sflag:s0] =	ssyncset.done $0x0  }
0x125: {  	[sflag:s0] =	ssyncadd.s32 $0xFFFFFF00  }
0x126: {  	v0 =	vld [tilespmem:$0x90]  }
0x127: {  	v1 =	vld [tilespmem:$0x70]  }
0x128: {  	v2 =	vld [tilespmem:$0x0]  }
0x129: {  	v3 =	vld [tilespmem:$0x80]  }
0x12a: {  	v4 =	vld [tilespmem:$0x10]  }
0x12b: {  	v5 =	vld [tilespmem:$0x20];
	v0 =	vadd.s32 $0x2625A0, v0  }
0x12c: {  	v6 =	vld [tilespmem:$0xB0];
	v1 =	vadd.s32 $0x249F00, v1;
	[tilespmem:$0x90] =	vst v0  }
0x12d: {  	v50 =	vld [tilespmem:$0xD0];
	v2 =	vadd.s32 $0x249F00, v2;
	[tilespmem:$0x70] =	vst v1  }
0x12e: {  	v52 =	vld [tilespmem:$0xC0];
	v49 =	vadd.s32 $0x2625A0, v3;
	[tilespmem:$0x0] =	vst v2  }
0x12f: {  	v54 =	vld [tilespmem:$0x40];
	v51 =	vadd.s32 $0x249F00, v4;
	[tilespmem:$0x80] =	vst v49  }
0x130: {  	v56 =	vld [tilespmem:$0xF0];
	v53 =	vadd.s32 $0x249F00, v5;
	[tilespmem:$0x10] =	vst v51  }
0x131: {  	v61 =	vld [tilespmem:$0xA0];
	v55 =	vadd.s32 $0x2625A0, v6;
	[tilespmem:$0x20] =	vst v53  }
0x132: {  	v48 =	vld [tilespmem:$0xE0];
	v3 =	vadd.s32 $0x2625A0, v50;
	[tilespmem:$0xB0] =	vst v55  }
0x133: {  	v57 =	vld [tilespmem:$0x50];
	v4 =	vadd.s32 $0x2625A0, v52;
	[tilespmem:$0xD0] =	vst v3  }
0x134: {  	v58 =	vld [tilespmem:$0x30];
	v60 =	vadd.s32 $0x249F00, v54;
	[tilespmem:$0xC0] =	vst v4  }
0x135: {  	v59 =	vld [tilespmem:$0x60];
	v62 =	vadd.s32 $0x2625A0, v56;
	[tilespmem:$0x40] =	vst v60  }
0x136: {  	v63 =	vadd.s32 $0x2625A0, v61;
	[tilespmem:$0xF0] =	vst v62  }
0x137: {  	v0 =	vadd.s32 $0x2625A0, v48;
	[tilespmem:$0xA0] =	vst v63  }
0x138: {  	s1 =	sadd.s32 $0x0, s24;
	v1 =	vadd.s32 $0x249F00, v57;
	[tilespmem:$0xE0] =	vst v0  }
0x139: {  	s1 =	sand.u32 $0x70, s1;
	v2 =	vadd.s32 $0x249F00, v58;
	[tilespmem:$0x50] =	vst v1  }
0x13a: {  	s1 =	sor.u32 s6, s1;
	v0 =	vadd.s32 $0x249F00, v59;
	[tilespmem:$0x30] =	vst v2  }
0x13b: {  	s8 =	sadd.s32 s1, s7;
	[tilespmem:$0x60] =	vst v0  }
0x13c: {  	[hbm4b:s8+s5] =	stream.linear.scatter [tilespmem:s5], [sflag:$0x1], $0x80, $0x38;
	[tilespmem:$0x2400] =	vst v63  }
0x13d: {  	s1 =	sadd.s32 s1, s26  }
0x13e: {  	[hbm4b:s1+s5] =	stream.linear.scatter [tilespmem:s3], [sflag:$0x1], $0x80, $0x38;
	[tilespmem:$0x2400] =	vst v63  }
0x13f: {  	_ =	swait.ge [sflag:s2], $0x80  }
0x140: {  	[sflag:s2] =	ssyncset.done $0x0  }
0x141: {  	s14 =	simm.s32 $0x20;
	s8 =	sadd.s32 $0x80, s12;
	[sflag:s2] =	ssyncadd.s32 $0xFFFFFF80  }
0x142: {  	s15 =	smov.u32 s8;
	s1 =	simm.s32 $0x10;
	_ =	swait.ge [sflag:s2], $0x80  }
.LBB2_4:
0x143: {  	p2 =	sne.s32 s14, $0x30;
	s8 =	sadd.s32 $0x80, s8;
	[sflag:s2] =	ssyncset.done $0x0  }
0x144: {  	s12 =	smov.u32 s14;
	s14 =	sadd.s32 $0x10, s14;
	[sflag:s2] =	ssyncadd.s32 $0xFFFFFF80  }
0x145: {  	[tilespmem:s5], [sflag:$0xA] =	stream.strided.gather [hbm4b:s15+s10], $0x0, s11, s10, $0x38;
	[tilespmem:$0x2400] =	vst v63  }
0x146: {  	_ = 	snop  }
0x147: {  	[tilespmem:s5], [sflag:$0xA] =	stream.linear.gather [hbm4b:s15+s5], $0x100, $0x38;
	[tilespmem:$0x2400] =	vst v63  }
0x148: {  	s15 =	smov.u32 s8;
	_ =	swait.ge [sflag:s0], $0x100  }
0x149: {  	[sflag:s0] =	ssyncset.done $0x0  }
0x14a: {  	[sflag:s0] =	ssyncadd.s32 $0xFFFFFF00  }
0x14b: {  	v0 =	vld [tilespmem:$0x80]  }
0x14c: {  	v1 =	vld [tilespmem:$0x90]  }
0x14d: {  	v2 =	vld [tilespmem:$0x70]  }
0x14e: {  	v3 =	vld [tilespmem:$0x0]  }
0x14f: {  	v4 =	vld [tilespmem:$0x10]  }
0x150: {  	v5 =	vld [tilespmem:$0x20]  }
0x151: {  	v1 =	vadd.s32 $0x2625A0, v1;
	v6 =	vld [tilespmem:$0xB0]  }
0x152: {  	v0 =	vadd.s32 $0x2625A0, v0;
	v2 =	vadd.s32 $0x249F00, v2;
	[tilespmem:$0x90] =	vst v1;
	v1 =	vld [tilespmem:$0xE0]  }
0x153: {  	v3 =	vadd.s32 $0x249F00, v3;
	[tilespmem:$0x70] =	vst v2;
	v2 =	vld [tilespmem:$0xD0]  }
0x154: {  	[tilespmem:$0x0] =	vst v3;
	v3 =	vadd.s32 $0x249F00, v4;
	v4 =	vld [tilespmem:$0xC0]  }
0x155: {  	v5 =	vadd.s32 $0x249F00, v5;
	v7 =	vld [tilespmem:$0x40];
	[tilespmem:$0x80] =	vst v0  }
0x156: {  	[tilespmem:$0x10] =	vst v3;
	v0 =	vadd.s32 $0x2625A0, v6;
	v3 =	vld [tilespmem:$0xF0]  }
0x157: {  	[tilespmem:$0x20] =	vst v5;
	v5 =	vld [tilespmem:$0x50];
	v1 =	vadd.s32 $0x2625A0, v1  }
0x158: {  	v6 =	vld [tilespmem:$0x30];
	[tilespmem:$0xB0] =	vst v0;
	v0 =	vadd.s32 $0x2625A0, v2  }
0x159: {  	v2 =	vld [tilespmem:$0x60];
	v4 =	vadd.s32 $0x2625A0, v4;
	[tilespmem:$0xE0] =	vst v1  }
0x15a: {  	v1 =	vadd.s32 $0x249F00, v7;
	v7 =	vld [tilespmem:$0xA0];
	[tilespmem:$0xD0] =	vst v0  }
0x15b: {  	[tilespmem:$0xC0] =	vst v4;
	v0 =	vadd.s32 $0x2625A0, v3  }
0x15c: {  	[tilespmem:$0x40] =	vst v1;
	v1 =	vadd.s32 $0x249F00, v5  }
0x15d: {  	v3 =	vadd.s32 $0x249F00, v6;
	[tilespmem:$0xF0] =	vst v0  }
0x15e: {  	s16 =	sadd.s32 s1, s24;
	s1 =	smov.u32 s12;
	[tilespmem:$0x50] =	vst v1;
	v0 =	vadd.s32 $0x249F00, v2  }
0x15f: {  	s12 =	sand.u32 $0x70, s16;
	[tilespmem:$0x30] =	vst v3;
	v1 =	vadd.s32 $0x2625A0, v7  }
0x160: {  	s12 =	sor.u32 s6, s12;
	[tilespmem:$0x60] =	vst v0  }
0x161: {  	s16 =	sadd.s32 s12, s7;
	[tilespmem:$0xA0] =	vst v1  }
0x162: {  	[hbm4b:s16+s5] =	stream.linear.scatter [tilespmem:s5], [sflag:$0x1], $0x80, $0x38;
	[tilespmem:$0x2400] =	vst v63  }
0x163: {  	s12 =	sadd.s32 s12, s26  }
0x164: {  	[hbm4b:s12+s5] =	stream.linear.scatter [tilespmem:s3], [sflag:$0x1], $0x80, $0x38;
	[tilespmem:$0x2400] =	vst v63  }
.Ltmp3:
0x165: {  	_ = 	snop;
	(pc) =	sbr.rel @p2 .LBB2_4-.Ltmp3, $4  }
0x166: {  	_ =	swait.ge [sflag:s2], $0x80  }
0x167: {  	[sflag:s2] =	ssyncset.done $0x0  }
0x168: {  	[sflag:s2] =	ssyncadd.s32 $0xFFFFFF80  }
0x169: {  	_ =	swait.ge [sflag:s2], $0x80  }
0x16a: {  	[sflag:s2] =	ssyncset.done $0x0  }
0x16b: {  	[sflag:s2] =	ssyncadd.s32 $0xFFFFFF80  }
0x16c: {  	[tilespmem:s5], [sflag:$0xA] =	stream.strided.gather [hbm4b:s15+s10], $0x0, s11, s10, $0x38;
	[tilespmem:$0x2400] =	vst v63  }
0x16d: {  	_ = 	snop  }
0x16e: {  	[tilespmem:s5], [sflag:$0xA] =	stream.linear.gather [hbm4b:s15+s5], $0x100, $0x38;
	[tilespmem:$0x2400] =	vst v63  }
0x16f: {  	_ =	swait.ge [sflag:s0], $0x100  }
0x170: {  	[sflag:s0] =	ssyncset.done $0x0  }
0x171: {  	[sflag:s0] =	ssyncadd.s32 $0xFFFFFF00  }
0x172: {  	v0 =	vld [tilespmem:$0x90]  }
0x173: {  	v1 =	vld [tilespmem:$0x70]  }
0x174: {  	v2 =	vld [tilespmem:$0x0]  }
0x175: {  	v3 =	vld [tilespmem:$0x80]  }
0x176: {  	v4 =	vld [tilespmem:$0x10]  }
0x177: {  	v5 =	vld [tilespmem:$0x20];
	v0 =	vadd.s32 $0x2625A0, v0  }
0x178: {  	v6 =	vld [tilespmem:$0xB0];
	v1 =	vadd.s32 $0x249F00, v1;
	[tilespmem:$0x90] =	vst v0  }
0x179: {  	v50 =	vld [tilespmem:$0xD0];
	v2 =	vadd.s32 $0x249F00, v2;
	[tilespmem:$0x70] =	vst v1  }
0x17a: {  	v52 =	vld [tilespmem:$0xC0];
	v49 =	vadd.s32 $0x2625A0, v3;
	[tilespmem:$0x0] =	vst v2  }
0x17b: {  	v54 =	vld [tilespmem:$0x40];
	v51 =	vadd.s32 $0x249F00, v4;
	[tilespmem:$0x80] =	vst v49  }
0x17c: {  	v56 =	vld [tilespmem:$0xF0];
	v53 =	vadd.s32 $0x249F00, v5;
	[tilespmem:$0x10] =	vst v51  }
0x17d: {  	v61 =	vld [tilespmem:$0xA0];
	v55 =	vadd.s32 $0x2625A0, v6;
	[tilespmem:$0x20] =	vst v53  }
0x17e: {  	v48 =	vld [tilespmem:$0xE0];
	v3 =	vadd.s32 $0x2625A0, v50;
	[tilespmem:$0xB0] =	vst v55  }
0x17f: {  	v57 =	vld [tilespmem:$0x50];
	v4 =	vadd.s32 $0x2625A0, v52;
	[tilespmem:$0xD0] =	vst v3  }
0x180: {  	v58 =	vld [tilespmem:$0x30];
	v60 =	vadd.s32 $0x249F00, v54;
	[tilespmem:$0xC0] =	vst v4  }
0x181: {  	v59 =	vld [tilespmem:$0x60];
	v62 =	vadd.s32 $0x2625A0, v56;
	[tilespmem:$0x40] =	vst v60  }
0x182: {  	v63 =	vadd.s32 $0x2625A0, v61;
	[tilespmem:$0xF0] =	vst v62  }
0x183: {  	v0 =	vadd.s32 $0x2625A0, v48;
	[tilespmem:$0xA0] =	vst v63  }
0x184: {  	s1 =	sadd.s32 s1, s24;
	v1 =	vadd.s32 $0x249F00, v57;
	[tilespmem:$0xE0] =	vst v0  }
0x185: {  	s1 =	sand.u32 $0x70, s1;
	v2 =	vadd.s32 $0x249F00, v58;
	[tilespmem:$0x50] =	vst v1  }
0x186: {  	s1 =	sor.u32 s6, s1;
	v0 =	vadd.s32 $0x249F00, v59;
	[tilespmem:$0x30] =	vst v2  }
0x187: {  	s8 =	sadd.s32 s1, s7;
	[tilespmem:$0x60] =	vst v0  }
0x188: {  	[hbm4b:s8+s5] =	stream.linear.scatter [tilespmem:s5], [sflag:$0x1], $0x80, $0x38;
	[tilespmem:$0x2400] =	vst v63  }
0x189: {  	s1 =	sadd.s32 s1, s26  }
0x18a: {  	[hbm4b:s1+s5] =	stream.linear.scatter [tilespmem:s3], [sflag:$0x1], $0x80, $0x38;
	[tilespmem:$0x2400] =	vst v63  }
0x18b: {  	_ =	swait.ge [sflag:s2], $0x80  }
0x18c: {  	[sflag:s2] =	ssyncset.done $0x0  }
0x18d: {  	[sflag:s2] =	ssyncadd.s32 $0xFFFFFF80  }
0x18e: {  	_ =	swait.ge [sflag:s2], $0x80  }
0x18f: {  	s20 =	rddreg [dreg:$0xd]  }
0x190: {  	s21 =	rddreg [dreg:$0x1d]  }
0x191: {  	s28 =	simm.s32 $0x2;
	[sflag:s2] =	ssyncset.done $0x0;
	s22 =	rddreg [dreg:$0x1e]  }
0x192: {  	s15 =	simm.s32 $0x13D6400;
	s25 =	rddreg [dreg:$0x1f];
	[sflag:s2] =	ssyncadd.s32 $0xFFFFFF80  }
0x193: {  	[tilespmem:s10], [sflag:$0x2] =	stream.strided.gather [hbm4b:s20+s10], $0x800, s15, s10, $0x38;
	[tilespmem:$0x2400] =	vst v63  }
0x194: {  	s29 =	simm.s32 $0x800;
	s19 =	rddreg [dreg:$0x12];
	s20 =	simm.s32 $0xC00  }
0x195: {  	[tilespmem:s20], [sflag:$0x3] =	stream.strided.gather [hbm4b:s21+s10], $0x800, s15, s10, $0x38;
	[tilespmem:$0x2400] =	vst v63  }
0x196: {  	s31 =	simm.s32 $0x3;
	s16 =	rddreg [dreg:$0x19];
	s21 =	simm.s32 $0x1400  }
0x197: {  	[tilespmem:s21], [sflag:$0x4] =	stream.strided.gather [hbm4b:s22+s10], $0x800, s15, s10, $0x38;
	[tilespmem:$0x2400] =	vst v63  }
0x198: {  	s1 =	simm.s32 $0x0;
	s18 =	sld [smem:$0x7FD];
	s22 =	simm.s32 $0x1C00  }
0x199: {  	[tilespmem:s22], [sflag:$0x5] =	stream.strided.gather [hbm4b:s25+s10], $0x800, s15, s10, $0x38;
	[tilespmem:$0x2400] =	vst v63  }
.LBB2_6:
0x19a: {  	_ =	swait.ge [sflag:s28], $0x800  }
0x19b: {  	p2 =	seq.s32 s1, $0x0;
	[sflag:s28] =	ssyncset.done $0x0  }
0x19c: {  	s8 =	simm.s32 @!p2 $0x6;
	[sflag:s28] =	ssyncadd.s32 $0xFFFFF800  }
0x19d: {  	_ =	swait.ge @!p2 [sflag:s8], $0x400  }
0x19e: {  	[sflag:s8] =	ssyncset.done @!p2 $0x0  }
0x19f: {  	[sflag:s8] =	ssyncadd.s32 @!p2 $0xFFFFFC00  }
0x1a0: {  	p3 =	sne.s32 s1, $0x13A00;
	_ =	swait.ge @!p2 [sflag:s8], $0x400  }
.Ltmp4:
0x1a1: {  	[sflag:s8] =	ssyncset.done @!p2 $0x0;
	(pc) =	sbr.rel @p3 .LBB2_8-.Ltmp4, $4  }
0x1a2: {  	[sflag:s8] =	ssyncadd.s32 @!p2 $0xFFFFFC00;
	s8 =	sadd.s32 s1, s19  }
0x1a3: {  	[hbm4b:s8+s5] =	stream.linear.scatter [tilespmem:s10], [sflag:$0x6], $0x400, $0x38;
	[tilespmem:$0x2400] =	vst v63  }
0x1a4: {  	s12 =	sadd.s32 $0x27AC80, s8  }
0x1a5: {  	[hbm4b:s12+s5] =	stream.linear.scatter [tilespmem:s29], [sflag:$0x6], $0x400, $0x38;
	[tilespmem:$0x2400] =	vst v63  }
.Ltmp5:
0x1a6: {  	(pc) =	sbr.rel .LBB2_9-.Ltmp5, $4  }
0x1a7: {  	_ = 	snop  }
0x1a8: {  	_ =	swait.ge [sflag:s31], $0x800  }
0x1a9: {  	[sflag:s31] =	ssyncset.done $0x0  }
0x1aa: {  	[sflag:s31] =	ssyncadd.s32 $0xFFFFF800  }
.LBB2_8:
0x1ab: {  	s12 =	sadd.s32 s1, s13  }
.Ltmp6:
0x1ac: {  	s12 =	sadd.s32 $0x200, s12;
	(pc) =	sbr.rel @p2 .LBB2_10-.Ltmp6, $4  }
0x1ad: {  	[tilespmem:s10], [sflag:$0x2] =	stream.strided.gather [hbm4b:s12+s10], $0x800, s15, s10, $0x38;
	[tilespmem:$0x2400] =	vst v63  }
0x1ae: {  	_ =	swait.ge [sflag:s31], $0x800  }
0x1af: {  	[sflag:s31] =	ssyncset.done $0x0  }
0x1b0: {  	[sflag:s31] =	ssyncadd.s32 $0xFFFFF800  }
.LBB2_9:
0x1b1: {  	_ =	swait.ge [sflag:s23], $0x400  }
0x1b2: {  	[sflag:s23] =	ssyncset.done $0x0  }
0x1b3: {  	[sflag:s23] =	ssyncadd.s32 $0xFFFFFC00  }
0x1b4: {  	_ =	swait.ge [sflag:s23], $0x400  }
0x1b5: {  	[sflag:s23] =	ssyncset.done $0x0  }
0x1b6: {  	[sflag:s23] =	ssyncadd.s32 $0xFFFFFC00  }
.LBB2_10:
.Ltmp7:
0x1b7: {  	s12 =	sadd.s32 s1, s16;
	(pc) =	sbr.rel @p3 .LBB2_12-.Ltmp7, $4  }
0x1b8: {  	s14 =	sadd.s32 $0x80, s12  }
0x1b9: {  	[hbm4b:s14+s5] =	stream.linear.scatter [tilespmem:s20], [sflag:$0x7], $0x400, $0x38;
	[tilespmem:$0x2400] =	vst v63  }
0x1ba: {  	s25 =	simm.s32 $0x1000;
	s14 =	sadd.s32 $0x27AD00, s8  }
0x1bb: {  	[hbm4b:s14+s5] =	stream.linear.scatter [tilespmem:s25], [sflag:$0x7], $0x400, $0x38;
	[tilespmem:$0x2400] =	vst v63  }
.Ltmp8:
0x1bc: {  	(pc) =	sbr.rel .LBB2_13-.Ltmp8, $4  }
0x1bd: {  	s14 =	simm.s32 $0x4  }
0x1be: {  	_ =	swait.ge [sflag:s14], $0x800  }
0x1bf: {  	[sflag:s14] =	ssyncset.done $0x0  }
0x1c0: {  	[sflag:s14] =	ssyncadd.s32 $0xFFFFF800  }
.LBB2_12:
0x1c1: {  	s14 =	sadd.s32 s1, s13  }
.Ltmp9:
0x1c2: {  	s25 =	simm.s32 $0x4;
	s14 =	sadd.s32 $0x280, s14;
	(pc) =	sbr.rel @p2 .LBB2_14-.Ltmp9, $4  }
0x1c3: {  	[tilespmem:s20], [sflag:$0x3] =	stream.strided.gather [hbm4b:s14+s10], $0x800, s15, s10, $0x38;
	[tilespmem:$0x2400] =	vst v63  }
0x1c4: {  	_ =	swait.ge [sflag:s25], $0x800  }
0x1c5: {  	[sflag:s25] =	ssyncset.done $0x0  }
0x1c6: {  	[sflag:s25] =	ssyncadd.s32 $0xFFFFF800  }
.LBB2_13:
0x1c7: {  	_ =	swait.ge [sflag:s30], $0x400  }
0x1c8: {  	[sflag:s30] =	ssyncset.done $0x0  }
0x1c9: {  	[sflag:s30] =	ssyncadd.s32 $0xFFFFFC00  }
0x1ca: {  	_ =	swait.ge [sflag:s30], $0x400  }
0x1cb: {  	[sflag:s30] =	ssyncset.done $0x0  }
0x1cc: {  	[sflag:s30] =	ssyncadd.s32 $0xFFFFFC00  }
.LBB2_14:
.Ltmp10:
0x1cd: {  	(pc) =	sbr.rel @p3 .LBB2_16-.Ltmp10, $4  }
0x1ce: {  	s14 =	sadd.s32 s1, s18  }
0x1cf: {  	[hbm4b:s14+s5] =	stream.linear.scatter [tilespmem:s21], [sflag:$0x8], $0x400, $0x38;
	[tilespmem:$0x2400] =	vst v63  }
0x1d0: {  	s25 =	simm.s32 $0x1800;
	s14 =	sadd.s32 $0x27AD80, s8  }
0x1d1: {  	[hbm4b:s14+s5] =	stream.linear.scatter [tilespmem:s25], [sflag:$0x8], $0x400, $0x38;
	[tilespmem:$0x2400] =	vst v63  }
.Ltmp11:
0x1d2: {  	(pc) =	sbr.rel .LBB2_17-.Ltmp11, $4  }
0x1d3: {  	s14 =	simm.s32 $0x5  }
0x1d4: {  	_ =	swait.ge [sflag:s14], $0x800  }
0x1d5: {  	[sflag:s14] =	ssyncset.done $0x0  }
0x1d6: {  	[sflag:s14] =	ssyncadd.s32 $0xFFFFF800  }
.LBB2_16:
0x1d7: {  	s14 =	sadd.s32 s1, s13  }
.Ltmp12:
0x1d8: {  	s25 =	simm.s32 $0x5;
	s14 =	sadd.s32 $0x300, s14;
	(pc) =	sbr.rel @p2 .LBB2_18-.Ltmp12, $4  }
0x1d9: {  	[tilespmem:s21], [sflag:$0x4] =	stream.strided.gather [hbm4b:s14+s10], $0x800, s15, s10, $0x38;
	[tilespmem:$0x2400] =	vst v63  }
0x1da: {  	_ =	swait.ge [sflag:s25], $0x800  }
0x1db: {  	[sflag:s25] =	ssyncset.done $0x0  }
0x1dc: {  	[sflag:s25] =	ssyncadd.s32 $0xFFFFF800  }
.LBB2_17:
0x1dd: {  	_ =	swait.ge [sflag:s9], $0x400  }
0x1de: {  	[sflag:s9] =	ssyncset.done $0x0  }
0x1df: {  	[sflag:s9] =	ssyncadd.s32 $0xFFFFFC00  }
0x1e0: {  	_ =	swait.ge [sflag:s9], $0x400  }
0x1e1: {  	[sflag:s9] =	ssyncset.done $0x0  }
0x1e2: {  	[sflag:s9] =	ssyncadd.s32 $0xFFFFFC00  }
.LBB2_18:
0x1e3: {  	p2 =	seq.s32 s1, $0x13A00  }
.Ltmp13:
0x1e4: {  	_ = 	snop;
	(pc) =	sbr.rel @p2 .LBB2_20-.Ltmp13, $4  }
0x1e5: {  	s12 =	sadd.s32 $0x180, s12  }
0x1e6: {  	[hbm4b:s12+s5] =	stream.linear.scatter [tilespmem:s22], [sflag:$0x9], $0x400, $0x38;
	[tilespmem:$0x2400] =	vst v63  }
0x1e7: {  	s8 =	sadd.s32 $0x27AE00, s8;
	s25 =	simm.s32 $0x2000  }
0x1e8: {  	[hbm4b:s8+s5] =	stream.linear.scatter [tilespmem:s25], [sflag:$0x9], $0x400, $0x38;
	[tilespmem:$0x2400] =	vst v63  }
.Ltmp14:
0x1e9: {  	(pc) =	sbr.rel .LBB2_6-.Ltmp14, $4  }
0x1ea: {  	_ = 	snop  }
0x1eb: {  	s8 =	sadd.s32 s1, s13  }
0x1ec: {  	s1 =	sadd.s32 $0x200, s1;
	s8 =	sadd.s32 $0x380, s8  }
0x1ed: {  	[tilespmem:s22], [sflag:$0x5] =	stream.strided.gather [hbm4b:s8+s10], $0x800, s15, s10, $0x38;
	[tilespmem:$0x2400] =	vst v63  }
.LBB2_21:
0x1ee: {  	_ =	sfence.sel $0x180000  }
0x1ef: {  	[bflag:$0x0] =	sbarrier.arrive $0xFFFF  }
0x1f0: {  	_ =	strace $0x90000047  }
0x1f1: {  	s0 =	stileid.u32;
	[bflag:$0x2] =	sbarrier.arrive $0xFFFF  }
0x1f2: {  	p0 =	sne.s32 s0, $0x0;
	s0 =	rddreg [dreg:$0x5]  }
0x1f3: {  	s0 =	sadd.s32 @!p0 $0x100000, s0  }
0x1f4: {  	[sflag:s0] =	ssyncadd.tile.s32 @!p0 $0x1;
	_ =	shalt  }
.Lfunc_end2:
_tile_overlayer_lowered:
.L_overlay_start_2:
0x1f5: {  	(tag) =	ssettag $0x2  }
0x1f6: {  	s0 =	rddreg [dreg:$0x0];
	s2 =	stileid.u32  }
0x1f7: {  	s1 =	rddreg [dreg:$0x1];
	p0 =	sne.s32 s2, $0x0  }
0x1f8: {  	s3 =	rddreg [dreg:$0x2];
	[bflag:$0x3] =	sbarrier.arrive $0xFFFF;
	s2 =	simm.s32 @!p0 $0x1C0A  }
0x1f9: {  	[timem:s3], [sflag:s2] =	dma.local @!p0 [hbm:s0], s1  }
0x1fa: {  	s0 =	simm.s32 @!p0 $0xA  }
0x1fb: {  	_ =	swait.ge @!p0 [sflag:s0], s1  }
0x1fc: {  	s1 =	ssub.s32 @!p0 $0x0, s1;
	[sflag:s0] =	ssyncset.done @!p0 $0x0  }
0x1fd: {  	[sflag:s0] =	ssyncadd.s32 @!p0 s1  }
0x1fe: {  	[bflag:$0x3] =	sbarrier.arrive $0xFFFF  }
0x1ff: {  	_ =	shalt  }

</sc_bundles>
